<compile_context>
chip_gen: v7x
topology: tpu7x:2x2x1
jax: 0.10.2.dev20260603
libtpu: 0.0.44.dev20260713+nightly
codegen_flags: <defaults>
</compile_context>

<pallas_src>
import functools

import jax
import jax.numpy as jnp
from jax import lax
from jax.experimental import pallas as pl
from jax.experimental.pallas import tpu as pltpu
from jax.experimental.pallas import tpu_sc as plsc

NC = 2
NS = 16
L = 16
NW = NC * NS


def kernel(triples, entity_re, entity_im, relation_re, relation_im):
    B = triples.shape[0]
    D = entity_re.shape[1]

    NB = 4
    CH = 32
    per_w = B // NW
    n_ch = per_w // CH
    U = 8

    mesh = plsc.VectorSubcoreMesh(core_axis_name="c", subcore_axis_name="s")

    vbuf = lambda: pltpu.VMEM((CH, D), jnp.float32)

    @functools.partial(
        pl.kernel,
        mesh=mesh,
        compiler_params=pltpu.CompilerParams(needs_layout_passes=False),
        out_type=jax.ShapeDtypeStruct((B,), jnp.float32),
        scratch_types=[
            [pltpu.VMEM((per_w,), jnp.int32) for _ in range(3)],
            [[vbuf() for _ in range(6)] for _ in range(NB)],
            pltpu.VMEM((per_w,), jnp.float32),
            [pltpu.SemaphoreType.DMA for _ in range(NB)],
            pltpu.SemaphoreType.DMA,
        ],
    )
    def scmk(hidx_hbm, ridx_hbm, tidx_hbm, ere_hbm, eim_hbm, rre_hbm, rim_hbm,
             out_hbm, idx_s, buf_s, sc_v, sems, isem):
        wid = lax.axis_index("s") * NC + lax.axis_index("c")
        wbase = wid * per_w
        lanes = lax.iota(jnp.int32, L)
        tables = (ere_hbm, eim_hbm, rre_hbm, rim_hbm, ere_hbm, eim_hbm)

        ih_v, ir_v, it_v = idx_s
        icps = [
            pltpu.async_copy(hidx_hbm.at[pl.ds(wbase, per_w)], ih_v, isem),
            pltpu.async_copy(ridx_hbm.at[pl.ds(wbase, per_w)], ir_v, isem),
            pltpu.async_copy(tidx_hbm.at[pl.ds(wbase, per_w)], it_v, isem),
        ]
        for cp in icps:
            cp.wait()

        def issue(c, slot):
            off = c * CH
            ih = ih_v.at[pl.ds(off, CH)]
            ir = ir_v.at[pl.ds(off, CH)]
            it = it_v.at[pl.ds(off, CH)]
            srcs = (ih, ih, ir, ir, it, it)
            for tab, src, buf in zip(tables, srcs, buf_s[slot]):
                pltpu.async_copy(tab.at[src], buf, sems[slot])

        def drain(slot):
            for tab, buf in zip(tables, buf_s[slot]):
                pltpu.make_async_copy(tab.at[ih_v.at[pl.ds(0, CH)]], buf,
                                      sems[slot]).wait()

        def compute(c, slot):
            hre_v, him_v, rre_v, rim_v, tre_v, tim_v = buf_s[slot]
            off = c * CH

            def group_body(g, carry2):
                rows = g * L + lanes
                zz = (jnp.zeros((L,), jnp.float32),
                      jnp.zeros((L,), jnp.float32))

                @plsc.parallel_loop(0, D, step=U, carry=zz)
                def dblk(d0, accs):
                    a0, a1 = accs
                    for u in range(U):
                        cols = (lanes * 9 + (d0 + u)) & (D - 1)
                        idx = [rows, cols]
                        hre = plsc.load_gather(hre_v, idx)
                        him = plsc.load_gather(him_v, idx)
                        rre = plsc.load_gather(rre_v, idx)
                        rim = plsc.load_gather(rim_v, idx)
                        tre = plsc.load_gather(tre_v, idx)
                        tim = plsc.load_gather(tim_v, idx)
                        a0 = a0 + (hre * rre - him * rim) * tre
                        a1 = a1 + (hre * rim + him * rre) * tim
                    return (a0, a1)

                acc0, acc1 = dblk
                sc_v[pl.ds(off + g * L, L)] = acc0 + acc1
                return carry2

            lax.fori_loop(0, CH // L, group_body, 0)

        for b in range(NB):
            issue(b, b)

        def pair_body(p, carry):
            c0 = p * NB
            for b in range(NB):
                c = c0 + b
                drain(b)
                compute(c, b)

                @pl.when(c + NB < n_ch)
                def _():
                    issue(c + NB, b)
            return carry

        lax.fori_loop(0, n_ch // NB, pair_body, 0)
        pltpu.sync_copy(sc_v, out_hbm.at[pl.ds(wbase, per_w)])

    return scmk(triples[:, 0], triples[:, 1], triples[:, 2],
                entity_re, entity_im, relation_re, relation_im)

# --- scband reference (transcript-rebuilt; emitter-appended) ---
"""Pipeline reference for scband-compl-ex-8272107012598 (READ-ONLY COPY).

The authoritative reference and input builder live on the scoring server;
editing this copy changes nothing except your own understanding.
"""

import jax, jax.numpy as jnp
import numpy as np

N_ENTITIES = 100000
N_RELATIONS = 1000
EMBED_DIM = 128
BATCH = 16384

def setup_inputs(seed: int = 0) -> dict:
    key = jax.random.key(seed)
    k1, k2, k3, k4, k5 = jax.random.split(key, 5)
    triples = jax.random.randint(k1, (BATCH, 3), 0, N_RELATIONS, dtype=jnp.int64) if jax.config.jax_enable_x64 else jax.random.randint(k1, (BATCH, 3), 0, N_RELATIONS, dtype=jnp.int32)
    entity_re = jax.random.normal(k2, (N_ENTITIES, EMBED_DIM), dtype=jnp.float32) * 0.1
    entity_im = jax.random.normal(k3, (N_ENTITIES, EMBED_DIM), dtype=jnp.float32) * 0.1
    relation_re = jax.random.normal(k4, (N_RELATIONS, EMBED_DIM), dtype=jnp.float32) * 0.1
    relation_im = jax.random.normal(k5, (N_RELATIONS, EMBED_DIM), dtype=jnp.float32) * 0.1
    return {"triples": triples, "entity_re": entity_re, "entity_im": entity_im, "relation_re": relation_re, "relation_im": relation_im}

def reference(triples, entity_re, entity_im, relation_re, relation_im):
    h_idx = triples[:, 0]
    r_idx = triples[:, 1]
    t_idx = triples[:, 2]
    h_re = jnp.take(entity_re, h_idx, axis=0)
    h_im = jnp.take(entity_im, h_idx, axis=0)
    r_re = jnp.take(relation_re, r_idx, axis=0)
    r_im = jnp.take(relation_im, r_idx, axis=0)
    t_re = jnp.take(entity_re, t_idx, axis=0)
    t_im = jnp.take(entity_im, t_idx, axis=0)
    re_part = h_re * r_re - h_im * r_im
    im_part = h_re * r_im + h_im * r_re
    scores = jnp.sum(re_part * t_re + im_part * t_im, axis=1)
    return scores

if __name__ == "__main__":
    import jax
    _d = setup_inputs()
    print(jax.jit(kernel)(*tuple(_d.values())))

</pallas_src>

<mosaic_0001>
#map = affine_map<(d0, d1) -> (0)>
#map1 = affine_map<(d0, d1) -> (0, 0)>
module attributes {stable_mosaic.version = 14 : i64} {
  func.func @scmk(%arg0: i32, %arg1: i32, %arg2: memref<16384xi32, #tpu.memory_space<hbm>>, %arg3: memref<16384xi32, #tpu.memory_space<hbm>>, %arg4: memref<16384xi32, #tpu.memory_space<hbm>>, %arg5: memref<100000x128xf32, #tpu.memory_space<hbm>>, %arg6: memref<100000x128xf32, #tpu.memory_space<hbm>>, %arg7: memref<1000x128xf32, #tpu.memory_space<hbm>>, %arg8: memref<1000x128xf32, #tpu.memory_space<hbm>>, %arg9: memref<16384xf32, #tpu.memory_space<hbm>>, %arg10: memref<512xi32, #tpu.memory_space<vmem>>, %arg11: memref<512xi32, #tpu.memory_space<vmem>>, %arg12: memref<512xi32, #tpu.memory_space<vmem>>, %arg13: memref<32x128xf32, #tpu.memory_space<vmem>>, %arg14: memref<32x128xf32, #tpu.memory_space<vmem>>, %arg15: memref<32x128xf32, #tpu.memory_space<vmem>>, %arg16: memref<32x128xf32, #tpu.memory_space<vmem>>, %arg17: memref<32x128xf32, #tpu.memory_space<vmem>>, %arg18: memref<32x128xf32, #tpu.memory_space<vmem>>, %arg19: memref<32x128xf32, #tpu.memory_space<vmem>>, %arg20: memref<32x128xf32, #tpu.memory_space<vmem>>, %arg21: memref<32x128xf32, #tpu.memory_space<vmem>>, %arg22: memref<32x128xf32, #tpu.memory_space<vmem>>, %arg23: memref<32x128xf32, #tpu.memory_space<vmem>>, %arg24: memref<32x128xf32, #tpu.memory_space<vmem>>, %arg25: memref<32x128xf32, #tpu.memory_space<vmem>>, %arg26: memref<32x128xf32, #tpu.memory_space<vmem>>, %arg27: memref<32x128xf32, #tpu.memory_space<vmem>>, %arg28: memref<32x128xf32, #tpu.memory_space<vmem>>, %arg29: memref<32x128xf32, #tpu.memory_space<vmem>>, %arg30: memref<32x128xf32, #tpu.memory_space<vmem>>, %arg31: memref<32x128xf32, #tpu.memory_space<vmem>>, %arg32: memref<32x128xf32, #tpu.memory_space<vmem>>, %arg33: memref<32x128xf32, #tpu.memory_space<vmem>>, %arg34: memref<32x128xf32, #tpu.memory_space<vmem>>, %arg35: memref<32x128xf32, #tpu.memory_space<vmem>>, %arg36: memref<32x128xf32, #tpu.memory_space<vmem>>, %arg37: memref<512xf32, #tpu.memory_space<vmem>>, %arg38: memref<!tpu.dma_semaphore, #tpu.memory_space<semaphore_mem>>, %arg39: memref<!tpu.dma_semaphore, #tpu.memory_space<semaphore_mem>>, %arg40: memref<!tpu.dma_semaphore, #tpu.memory_space<semaphore_mem>>, %arg41: memref<!tpu.dma_semaphore, #tpu.memory_space<semaphore_mem>>, %arg42: memref<!tpu.dma_semaphore, #tpu.memory_space<semaphore_mem>>) attributes {dimension_semantics = [#tpu.dimension_semantics<core_parallel>, #tpu.dimension_semantics<subcore_parallel>], iteration_bounds = array<i64: 2, 16>, scalar_prefetch = 0 : i64, scratch_operands = 33 : i64, tpu.core_type = #tpu.core_type<sc_vector_subcore>, window_params = [{transform_indices = #map}, {transform_indices = #map}, {transform_indices = #map}, {transform_indices = #map1}, {transform_indices = #map1}, {transform_indices = #map1}, {transform_indices = #map1}, {transform_indices = #map}]} {
    %mul3A = arith.constant 2 : i32
    %mul3A_0 = arith.muli %arg1, %mul3A : i32
    %add3A = arith.addi %mul3A_0, %arg0 : i32
    %mul3A_1 = arith.constant 512 : i32
    %mul3A_2 = arith.muli %add3A, %mul3A_1 : i32
    %iota3A = tpu.iota {dimensions = array<i32: 0>} : vector<16xi32>
    %dma_start3A = tpu.memref_slice %arg2[%mul3A_2] : memref<16384xi32, #tpu.memory_space<hbm>> -> memref<512xi32, #tpu.memory_space<hbm>>
    %dma_start3A_3 = tpu.memref_slice %arg2[%mul3A_2] : memref<16384xi32, #tpu.memory_space<hbm>> -> memref<512xi32, #tpu.memory_space<hbm>>
    tpu.enqueue_dma source(%dma_start3A_3 : memref<512xi32, #tpu.memory_space<hbm>>) target(%arg10 : memref<512xi32, #tpu.memory_space<vmem>>) target_semaphore(%arg42 : memref<!tpu.dma_semaphore, #tpu.memory_space<semaphore_mem>>)
    %dma_start3A_4 = tpu.memref_slice %arg3[%mul3A_2] : memref<16384xi32, #tpu.memory_space<hbm>> -> memref<512xi32, #tpu.memory_space<hbm>>
    %dma_start3A_5 = tpu.memref_slice %arg3[%mul3A_2] : memref<16384xi32, #tpu.memory_space<hbm>> -> memref<512xi32, #tpu.memory_space<hbm>>
    tpu.enqueue_dma source(%dma_start3A_5 : memref<512xi32, #tpu.memory_space<hbm>>) target(%arg11 : memref<512xi32, #tpu.memory_space<vmem>>) target_semaphore(%arg42 : memref<!tpu.dma_semaphore, #tpu.memory_space<semaphore_mem>>)
    %dma_start3A_6 = tpu.memref_slice %arg4[%mul3A_2] : memref<16384xi32, #tpu.memory_space<hbm>> -> memref<512xi32, #tpu.memory_space<hbm>>
    %dma_start3A_7 = tpu.memref_slice %arg4[%mul3A_2] : memref<16384xi32, #tpu.memory_space<hbm>> -> memref<512xi32, #tpu.memory_space<hbm>>
    tpu.enqueue_dma source(%dma_start3A_7 : memref<512xi32, #tpu.memory_space<hbm>>) target(%arg12 : memref<512xi32, #tpu.memory_space<vmem>>) target_semaphore(%arg42 : memref<!tpu.dma_semaphore, #tpu.memory_space<semaphore_mem>>)
    %dma_wait3A = tpu.memref_slice %arg2[%mul3A_2] : memref<16384xi32, #tpu.memory_space<hbm>> -> memref<512xi32, #tpu.memory_space<hbm>>
    %dma_wait3A_8 = tpu.memref_slice %arg2[%mul3A_2] : memref<16384xi32, #tpu.memory_space<hbm>> -> memref<512xi32, #tpu.memory_space<hbm>>
    tpu.wait_dma2 semaphore(%arg42 : memref<!tpu.dma_semaphore, #tpu.memory_space<semaphore_mem>>) src(%dma_wait3A_8 : memref<512xi32, #tpu.memory_space<hbm>>) dst(%arg10 : memref<512xi32, #tpu.memory_space<vmem>>)
    %dma_wait3A_9 = tpu.memref_slice %arg3[%mul3A_2] : memref<16384xi32, #tpu.memory_space<hbm>> -> memref<512xi32, #tpu.memory_space<hbm>>
    %dma_wait3A_10 = tpu.memref_slice %arg3[%mul3A_2] : memref<16384xi32, #tpu.memory_space<hbm>> -> memref<512xi32, #tpu.memory_space<hbm>>
    tpu.wait_dma2 semaphore(%arg42 : memref<!tpu.dma_semaphore, #tpu.memory_space<semaphore_mem>>) src(%dma_wait3A_10 : memref<512xi32, #tpu.memory_space<hbm>>) dst(%arg11 : memref<512xi32, #tpu.memory_space<vmem>>)
    %dma_wait3A_11 = tpu.memref_slice %arg4[%mul3A_2] : memref<16384xi32, #tpu.memory_space<hbm>> -> memref<512xi32, #tpu.memory_space<hbm>>
    %dma_wait3A_12 = tpu.memref_slice %arg4[%mul3A_2] : memref<16384xi32, #tpu.memory_space<hbm>> -> memref<512xi32, #tpu.memory_space<hbm>>
    tpu.wait_dma2 semaphore(%arg42 : memref<!tpu.dma_semaphore, #tpu.memory_space<semaphore_mem>>) src(%dma_wait3A_12 : memref<512xi32, #tpu.memory_space<hbm>>) dst(%arg12 : memref<512xi32, #tpu.memory_space<vmem>>)
    %dma_start3A_13 = arith.constant 0 : i32
    %dma_start3A_14 = tpu.memref_slice %arg10[%dma_start3A_13] : memref<512xi32, #tpu.memory_space<vmem>> -> memref<32xi32, #tpu.memory_space<vmem>>
    %dma_start3A_15 = arith.constant 0 : i32
    %dma_start3A_16 = arith.constant 0 : i32
    %dma_start3A_17 = tpu.memref_slice %arg5[%dma_start3A_15, %dma_start3A_16] : memref<100000x128xf32, #tpu.memory_space<hbm>> -> memref<100000x128xf32, #tpu.memory_space<hbm>>
    tpu.enqueue_indirect_dma source(%dma_start3A_17 : memref<100000x128xf32, #tpu.memory_space<hbm>>) target(%arg13 : memref<32x128xf32, #tpu.memory_space<vmem>>) offsets(%dma_start3A_14 : memref<32xi32, #tpu.memory_space<vmem>>) semaphore(%arg38 : memref<!tpu.dma_semaphore, #tpu.memory_space<semaphore_mem>>)
    %dma_start3A_18 = arith.constant 0 : i32
    %dma_start3A_19 = tpu.memref_slice %arg10[%dma_start3A_18] : memref<512xi32, #tpu.memory_space<vmem>> -> memref<32xi32, #tpu.memory_space<vmem>>
    %dma_start3A_20 = arith.constant 0 : i32
    %dma_start3A_21 = arith.constant 0 : i32
    %dma_start3A_22 = tpu.memref_slice %arg6[%dma_start3A_20, %dma_start3A_21] : memref<100000x128xf32, #tpu.memory_space<hbm>> -> memref<100000x128xf32, #tpu.memory_space<hbm>>
    tpu.enqueue_indirect_dma source(%dma_start3A_22 : memref<100000x128xf32, #tpu.memory_space<hbm>>) target(%arg14 : memref<32x128xf32, #tpu.memory_space<vmem>>) offsets(%dma_start3A_19 : memref<32xi32, #tpu.memory_space<vmem>>) semaphore(%arg38 : memref<!tpu.dma_semaphore, #tpu.memory_space<semaphore_mem>>)
    %dma_start3A_23 = arith.constant 0 : i32
    %dma_start3A_24 = tpu.memref_slice %arg11[%dma_start3A_23] : memref<512xi32, #tpu.memory_space<vmem>> -> memref<32xi32, #tpu.memory_space<vmem>>
    %dma_start3A_25 = arith.constant 0 : i32
    %dma_start3A_26 = arith.constant 0 : i32
    %dma_start3A_27 = tpu.memref_slice %arg7[%dma_start3A_25, %dma_start3A_26] : memref<1000x128xf32, #tpu.memory_space<hbm>> -> memref<1000x128xf32, #tpu.memory_space<hbm>>
    tpu.enqueue_indirect_dma source(%dma_start3A_27 : memref<1000x128xf32, #tpu.memory_space<hbm>>) target(%arg15 : memref<32x128xf32, #tpu.memory_space<vmem>>) offsets(%dma_start3A_24 : memref<32xi32, #tpu.memory_space<vmem>>) semaphore(%arg38 : memref<!tpu.dma_semaphore, #tpu.memory_space<semaphore_mem>>)
    %dma_start3A_28 = arith.constant 0 : i32
    %dma_start3A_29 = tpu.memref_slice %arg11[%dma_start3A_28] : memref<512xi32, #tpu.memory_space<vmem>> -> memref<32xi32, #tpu.memory_space<vmem>>
    %dma_start3A_30 = arith.constant 0 : i32
    %dma_start3A_31 = arith.constant 0 : i32
    %dma_start3A_32 = tpu.memref_slice %arg8[%dma_start3A_30, %dma_start3A_31] : memref<1000x128xf32, #tpu.memory_space<hbm>> -> memref<1000x128xf32, #tpu.memory_space<hbm>>
    tpu.enqueue_indirect_dma source(%dma_start3A_32 : memref<1000x128xf32, #tpu.memory_space<hbm>>) target(%arg16 : memref<32x128xf32, #tpu.memory_space<vmem>>) offsets(%dma_start3A_29 : memref<32xi32, #tpu.memory_space<vmem>>) semaphore(%arg38 : memref<!tpu.dma_semaphore, #tpu.memory_space<semaphore_mem>>)
    %dma_start3A_33 = arith.constant 0 : i32
    %dma_start3A_34 = tpu.memref_slice %arg12[%dma_start3A_33] : memref<512xi32, #tpu.memory_space<vmem>> -> memref<32xi32, #tpu.memory_space<vmem>>
    %dma_start3A_35 = arith.constant 0 : i32
    %dma_start3A_36 = arith.constant 0 : i32
    %dma_start3A_37 = tpu.memref_slice %arg5[%dma_start3A_35, %dma_start3A_36] : memref<100000x128xf32, #tpu.memory_space<hbm>> -> memref<100000x128xf32, #tpu.memory_space<hbm>>
    tpu.enqueue_indirect_dma source(%dma_start3A_37 : memref<100000x128xf32, #tpu.memory_space<hbm>>) target(%arg17 : memref<32x128xf32, #tpu.memory_space<vmem>>) offsets(%dma_start3A_34 : memref<32xi32, #tpu.memory_space<vmem>>) semaphore(%arg38 : memref<!tpu.dma_semaphore, #tpu.memory_space<semaphore_mem>>)
    %dma_start3A_38 = arith.constant 0 : i32
    %dma_start3A_39 = tpu.memref_slice %arg12[%dma_start3A_38] : memref<512xi32, #tpu.memory_space<vmem>> -> memref<32xi32, #tpu.memory_space<vmem>>
    %dma_start3A_40 = arith.constant 0 : i32
    %dma_start3A_41 = arith.constant 0 : i32
    %dma_start3A_42 = tpu.memref_slice %arg6[%dma_start3A_40, %dma_start3A_41] : memref<100000x128xf32, #tpu.memory_space<hbm>> -> memref<100000x128xf32, #tpu.memory_space<hbm>>
    tpu.enqueue_indirect_dma source(%dma_start3A_42 : memref<100000x128xf32, #tpu.memory_space<hbm>>) target(%arg18 : memref<32x128xf32, #tpu.memory_space<vmem>>) offsets(%dma_start3A_39 : memref<32xi32, #tpu.memory_space<vmem>>) semaphore(%arg38 : memref<!tpu.dma_semaphore, #tpu.memory_space<semaphore_mem>>)
    %dma_start3A_43 = arith.constant 32 : i32
    %dma_start3A_44 = tpu.memref_slice %arg10[%dma_start3A_43] : memref<512xi32, #tpu.memory_space<vmem>> -> memref<32xi32, #tpu.memory_space<vmem>>
    %dma_start3A_45 = arith.constant 0 : i32
    %dma_start3A_46 = arith.constant 0 : i32
    %dma_start3A_47 = tpu.memref_slice %arg5[%dma_start3A_45, %dma_start3A_46] : memref<100000x128xf32, #tpu.memory_space<hbm>> -> memref<100000x128xf32, #tpu.memory_space<hbm>>
    tpu.enqueue_indirect_dma source(%dma_start3A_47 : memref<100000x128xf32, #tpu.memory_space<hbm>>) target(%arg19 : memref<32x128xf32, #tpu.memory_space<vmem>>) offsets(%dma_start3A_44 : memref<32xi32, #tpu.memory_space<vmem>>) semaphore(%arg39 : memref<!tpu.dma_semaphore, #tpu.memory_space<semaphore_mem>>)
    %dma_start3A_48 = arith.constant 32 : i32
    %dma_start3A_49 = tpu.memref_slice %arg10[%dma_start3A_48] : memref<512xi32, #tpu.memory_space<vmem>> -> memref<32xi32, #tpu.memory_space<vmem>>
    %dma_start3A_50 = arith.constant 0 : i32
    %dma_start3A_51 = arith.constant 0 : i32
    %dma_start3A_52 = tpu.memref_slice %arg6[%dma_start3A_50, %dma_start3A_51] : memref<100000x128xf32, #tpu.memory_space<hbm>> -> memref<100000x128xf32, #tpu.memory_space<hbm>>
    tpu.enqueue_indirect_dma source(%dma_start3A_52 : memref<100000x128xf32, #tpu.memory_space<hbm>>) target(%arg20 : memref<32x128xf32, #tpu.memory_space<vmem>>) offsets(%dma_start3A_49 : memref<32xi32, #tpu.memory_space<vmem>>) semaphore(%arg39 : memref<!tpu.dma_semaphore, #tpu.memory_space<semaphore_mem>>)
    %dma_start3A_53 = arith.constant 32 : i32
    %dma_start3A_54 = tpu.memref_slice %arg11[%dma_start3A_53] : memref<512xi32, #tpu.memory_space<vmem>> -> memref<32xi32, #tpu.memory_space<vmem>>
    %dma_start3A_55 = arith.constant 0 : i32
    %dma_start3A_56 = arith.constant 0 : i32
    %dma_start3A_57 = tpu.memref_slice %arg7[%dma_start3A_55, %dma_start3A_56] : memref<1000x128xf32, #tpu.memory_space<hbm>> -> memref<1000x128xf32, #tpu.memory_space<hbm>>
    tpu.enqueue_indirect_dma source(%dma_start3A_57 : memref<1000x128xf32, #tpu.memory_space<hbm>>) target(%arg21 : memref<32x128xf32, #tpu.memory_space<vmem>>) offsets(%dma_start3A_54 : memref<32xi32, #tpu.memory_space<vmem>>) semaphore(%arg39 : memref<!tpu.dma_semaphore, #tpu.memory_space<semaphore_mem>>)
    %dma_start3A_58 = arith.constant 32 : i32
    %dma_start3A_59 = tpu.memref_slice %arg11[%dma_start3A_58] : memref<512xi32, #tpu.memory_space<vmem>> -> memref<32xi32, #tpu.memory_space<vmem>>
    %dma_start3A_60 = arith.constant 0 : i32
    %dma_start3A_61 = arith.constant 0 : i32
    %dma_start3A_62 = tpu.memref_slice %arg8[%dma_start3A_60, %dma_start3A_61] : memref<1000x128xf32, #tpu.memory_space<hbm>> -> memref<1000x128xf32, #tpu.memory_space<hbm>>
    tpu.enqueue_indirect_dma source(%dma_start3A_62 : memref<1000x128xf32, #tpu.memory_space<hbm>>) target(%arg22 : memref<32x128xf32, #tpu.memory_space<vmem>>) offsets(%dma_start3A_59 : memref<32xi32, #tpu.memory_space<vmem>>) semaphore(%arg39 : memref<!tpu.dma_semaphore, #tpu.memory_space<semaphore_mem>>)
    %dma_start3A_63 = arith.constant 32 : i32
    %dma_start3A_64 = tpu.memref_slice %arg12[%dma_start3A_63] : memref<512xi32, #tpu.memory_space<vmem>> -> memref<32xi32, #tpu.memory_space<vmem>>
    %dma_start3A_65 = arith.constant 0 : i32
    %dma_start3A_66 = arith.constant 0 : i32
    %dma_start3A_67 = tpu.memref_slice %arg5[%dma_start3A_65, %dma_start3A_66] : memref<100000x128xf32, #tpu.memory_space<hbm>> -> memref<100000x128xf32, #tpu.memory_space<hbm>>
    tpu.enqueue_indirect_dma source(%dma_start3A_67 : memref<100000x128xf32, #tpu.memory_space<hbm>>) target(%arg23 : memref<32x128xf32, #tpu.memory_space<vmem>>) offsets(%dma_start3A_64 : memref<32xi32, #tpu.memory_space<vmem>>) semaphore(%arg39 : memref<!tpu.dma_semaphore, #tpu.memory_space<semaphore_mem>>)
    %dma_start3A_68 = arith.constant 32 : i32
    %dma_start3A_69 = tpu.memref_slice %arg12[%dma_start3A_68] : memref<512xi32, #tpu.memory_space<vmem>> -> memref<32xi32, #tpu.memory_space<vmem>>
    %dma_start3A_70 = arith.constant 0 : i32
    %dma_start3A_71 = arith.constant 0 : i32
    %dma_start3A_72 = tpu.memref_slice %arg6[%dma_start3A_70, %dma_start3A_71] : memref<100000x128xf32, #tpu.memory_space<hbm>> -> memref<100000x128xf32, #tpu.memory_space<hbm>>
    tpu.enqueue_indirect_dma source(%dma_start3A_72 : memref<100000x128xf32, #tpu.memory_space<hbm>>) target(%arg24 : memref<32x128xf32, #tpu.memory_space<vmem>>) offsets(%dma_start3A_69 : memref<32xi32, #tpu.memory_space<vmem>>) semaphore(%arg39 : memref<!tpu.dma_semaphore, #tpu.memory_space<semaphore_mem>>)
    %dma_start3A_73 = arith.constant 64 : i32
    %dma_start3A_74 = tpu.memref_slice %arg10[%dma_start3A_73] : memref<512xi32, #tpu.memory_space<vmem>> -> memref<32xi32, #tpu.memory_space<vmem>>
    %dma_start3A_75 = arith.constant 0 : i32
    %dma_start3A_76 = arith.constant 0 : i32
    %dma_start3A_77 = tpu.memref_slice %arg5[%dma_start3A_75, %dma_start3A_76] : memref<100000x128xf32, #tpu.memory_space<hbm>> -> memref<100000x128xf32, #tpu.memory_space<hbm>>
    tpu.enqueue_indirect_dma source(%dma_start3A_77 : memref<100000x128xf32, #tpu.memory_space<hbm>>) target(%arg25 : memref<32x128xf32, #tpu.memory_space<vmem>>) offsets(%dma_start3A_74 : memref<32xi32, #tpu.memory_space<vmem>>) semaphore(%arg40 : memref<!tpu.dma_semaphore, #tpu.memory_space<semaphore_mem>>)
    %dma_start3A_78 = arith.constant 64 : i32
    %dma_start3A_79 = tpu.memref_slice %arg10[%dma_start3A_78] : memref<512xi32, #tpu.memory_space<vmem>> -> memref<32xi32, #tpu.memory_space<vmem>>
    %dma_start3A_80 = arith.constant 0 : i32
    %dma_start3A_81 = arith.constant 0 : i32
    %dma_start3A_82 = tpu.memref_slice %arg6[%dma_start3A_80, %dma_start3A_81] : memref<100000x128xf32, #tpu.memory_space<hbm>> -> memref<100000x128xf32, #tpu.memory_space<hbm>>
    tpu.enqueue_indirect_dma source(%dma_start3A_82 : memref<100000x128xf32, #tpu.memory_space<hbm>>) target(%arg26 : memref<32x128xf32, #tpu.memory_space<vmem>>) offsets(%dma_start3A_79 : memref<32xi32, #tpu.memory_space<vmem>>) semaphore(%arg40 : memref<!tpu.dma_semaphore, #tpu.memory_space<semaphore_mem>>)
    %dma_start3A_83 = arith.constant 64 : i32
    %dma_start3A_84 = tpu.memref_slice %arg11[%dma_start3A_83] : memref<512xi32, #tpu.memory_space<vmem>> -> memref<32xi32, #tpu.memory_space<vmem>>
    %dma_start3A_85 = arith.constant 0 : i32
    %dma_start3A_86 = arith.constant 0 : i32
    %dma_start3A_87 = tpu.memref_slice %arg7[%dma_start3A_85, %dma_start3A_86] : memref<1000x128xf32, #tpu.memory_space<hbm>> -> memref<1000x128xf32, #tpu.memory_space<hbm>>
    tpu.enqueue_indirect_dma source(%dma_start3A_87 : memref<1000x128xf32, #tpu.memory_space<hbm>>) target(%arg27 : memref<32x128xf32, #tpu.memory_space<vmem>>) offsets(%dma_start3A_84 : memref<32xi32, #tpu.memory_space<vmem>>) semaphore(%arg40 : memref<!tpu.dma_semaphore, #tpu.memory_space<semaphore_mem>>)
    %dma_start3A_88 = arith.constant 64 : i32
    %dma_start3A_89 = tpu.memref_slice %arg11[%dma_start3A_88] : memref<512xi32, #tpu.memory_space<vmem>> -> memref<32xi32, #tpu.memory_space<vmem>>
    %dma_start3A_90 = arith.constant 0 : i32
    %dma_start3A_91 = arith.constant 0 : i32
    %dma_start3A_92 = tpu.memref_slice %arg8[%dma_start3A_90, %dma_start3A_91] : memref<1000x128xf32, #tpu.memory_space<hbm>> -> memref<1000x128xf32, #tpu.memory_space<hbm>>
    tpu.enqueue_indirect_dma source(%dma_start3A_92 : memref<1000x128xf32, #tpu.memory_space<hbm>>) target(%arg28 : memref<32x128xf32, #tpu.memory_space<vmem>>) offsets(%dma_start3A_89 : memref<32xi32, #tpu.memory_space<vmem>>) semaphore(%arg40 : memref<!tpu.dma_semaphore, #tpu.memory_space<semaphore_mem>>)
    %dma_start3A_93 = arith.constant 64 : i32
    %dma_start3A_94 = tpu.memref_slice %arg12[%dma_start3A_93] : memref<512xi32, #tpu.memory_space<vmem>> -> memref<32xi32, #tpu.memory_space<vmem>>
    %dma_start3A_95 = arith.constant 0 : i32
    %dma_start3A_96 = arith.constant 0 : i32
    %dma_start3A_97 = tpu.memref_slice %arg5[%dma_start3A_95, %dma_start3A_96] : memref<100000x128xf32, #tpu.memory_space<hbm>> -> memref<100000x128xf32, #tpu.memory_space<hbm>>
    tpu.enqueue_indirect_dma source(%dma_start3A_97 : memref<100000x128xf32, #tpu.memory_space<hbm>>) target(%arg29 : memref<32x128xf32, #tpu.memory_space<vmem>>) offsets(%dma_start3A_94 : memref<32xi32, #tpu.memory_space<vmem>>) semaphore(%arg40 : memref<!tpu.dma_semaphore, #tpu.memory_space<semaphore_mem>>)
    %dma_start3A_98 = arith.constant 64 : i32
    %dma_start3A_99 = tpu.memref_slice %arg12[%dma_start3A_98] : memref<512xi32, #tpu.memory_space<vmem>> -> memref<32xi32, #tpu.memory_space<vmem>>
    %dma_start3A_100 = arith.constant 0 : i32
    %dma_start3A_101 = arith.constant 0 : i32
    %dma_start3A_102 = tpu.memref_slice %arg6[%dma_start3A_100, %dma_start3A_101] : memref<100000x128xf32, #tpu.memory_space<hbm>> -> memref<100000x128xf32, #tpu.memory_space<hbm>>
    tpu.enqueue_indirect_dma source(%dma_start3A_102 : memref<100000x128xf32, #tpu.memory_space<hbm>>) target(%arg30 : memref<32x128xf32, #tpu.memory_space<vmem>>) offsets(%dma_start3A_99 : memref<32xi32, #tpu.memory_space<vmem>>) semaphore(%arg40 : memref<!tpu.dma_semaphore, #tpu.memory_space<semaphore_mem>>)
    %dma_start3A_103 = arith.constant 96 : i32
    %dma_start3A_104 = tpu.memref_slice %arg10[%dma_start3A_103] : memref<512xi32, #tpu.memory_space<vmem>> -> memref<32xi32, #tpu.memory_space<vmem>>
    %dma_start3A_105 = arith.constant 0 : i32
    %dma_start3A_106 = arith.constant 0 : i32
    %dma_start3A_107 = tpu.memref_slice %arg5[%dma_start3A_105, %dma_start3A_106] : memref<100000x128xf32, #tpu.memory_space<hbm>> -> memref<100000x128xf32, #tpu.memory_space<hbm>>
    tpu.enqueue_indirect_dma source(%dma_start3A_107 : memref<100000x128xf32, #tpu.memory_space<hbm>>) target(%arg31 : memref<32x128xf32, #tpu.memory_space<vmem>>) offsets(%dma_start3A_104 : memref<32xi32, #tpu.memory_space<vmem>>) semaphore(%arg41 : memref<!tpu.dma_semaphore, #tpu.memory_space<semaphore_mem>>)
    %dma_start3A_108 = arith.constant 96 : i32
    %dma_start3A_109 = tpu.memref_slice %arg10[%dma_start3A_108] : memref<512xi32, #tpu.memory_space<vmem>> -> memref<32xi32, #tpu.memory_space<vmem>>
    %dma_start3A_110 = arith.constant 0 : i32
    %dma_start3A_111 = arith.constant 0 : i32
    %dma_start3A_112 = tpu.memref_slice %arg6[%dma_start3A_110, %dma_start3A_111] : memref<100000x128xf32, #tpu.memory_space<hbm>> -> memref<100000x128xf32, #tpu.memory_space<hbm>>
    tpu.enqueue_indirect_dma source(%dma_start3A_112 : memref<100000x128xf32, #tpu.memory_space<hbm>>) target(%arg32 : memref<32x128xf32, #tpu.memory_space<vmem>>) offsets(%dma_start3A_109 : memref<32xi32, #tpu.memory_space<vmem>>) semaphore(%arg41 : memref<!tpu.dma_semaphore, #tpu.memory_space<semaphore_mem>>)
    %dma_start3A_113 = arith.constant 96 : i32
    %dma_start3A_114 = tpu.memref_slice %arg11[%dma_start3A_113] : memref<512xi32, #tpu.memory_space<vmem>> -> memref<32xi32, #tpu.memory_space<vmem>>
    %dma_start3A_115 = arith.constant 0 : i32
    %dma_start3A_116 = arith.constant 0 : i32
    %dma_start3A_117 = tpu.memref_slice %arg7[%dma_start3A_115, %dma_start3A_116] : memref<1000x128xf32, #tpu.memory_space<hbm>> -> memref<1000x128xf32, #tpu.memory_space<hbm>>
    tpu.enqueue_indirect_dma source(%dma_start3A_117 : memref<1000x128xf32, #tpu.memory_space<hbm>>) target(%arg33 : memref<32x128xf32, #tpu.memory_space<vmem>>) offsets(%dma_start3A_114 : memref<32xi32, #tpu.memory_space<vmem>>) semaphore(%arg41 : memref<!tpu.dma_semaphore, #tpu.memory_space<semaphore_mem>>)
    %dma_start3A_118 = arith.constant 96 : i32
    %dma_start3A_119 = tpu.memref_slice %arg11[%dma_start3A_118] : memref<512xi32, #tpu.memory_space<vmem>> -> memref<32xi32, #tpu.memory_space<vmem>>
    %dma_start3A_120 = arith.constant 0 : i32
    %dma_start3A_121 = arith.constant 0 : i32
    %dma_start3A_122 = tpu.memref_slice %arg8[%dma_start3A_120, %dma_start3A_121] : memref<1000x128xf32, #tpu.memory_space<hbm>> -> memref<1000x128xf32, #tpu.memory_space<hbm>>
    tpu.enqueue_indirect_dma source(%dma_start3A_122 : memref<1000x128xf32, #tpu.memory_space<hbm>>) target(%arg34 : memref<32x128xf32, #tpu.memory_space<vmem>>) offsets(%dma_start3A_119 : memref<32xi32, #tpu.memory_space<vmem>>) semaphore(%arg41 : memref<!tpu.dma_semaphore, #tpu.memory_space<semaphore_mem>>)
    %dma_start3A_123 = arith.constant 96 : i32
    %dma_start3A_124 = tpu.memref_slice %arg12[%dma_start3A_123] : memref<512xi32, #tpu.memory_space<vmem>> -> memref<32xi32, #tpu.memory_space<vmem>>
    %dma_start3A_125 = arith.constant 0 : i32
    %dma_start3A_126 = arith.constant 0 : i32
    %dma_start3A_127 = tpu.memref_slice %arg5[%dma_start3A_125, %dma_start3A_126] : memref<100000x128xf32, #tpu.memory_space<hbm>> -> memref<100000x128xf32, #tpu.memory_space<hbm>>
    tpu.enqueue_indirect_dma source(%dma_start3A_127 : memref<100000x128xf32, #tpu.memory_space<hbm>>) target(%arg35 : memref<32x128xf32, #tpu.memory_space<vmem>>) offsets(%dma_start3A_124 : memref<32xi32, #tpu.memory_space<vmem>>) semaphore(%arg41 : memref<!tpu.dma_semaphore, #tpu.memory_space<semaphore_mem>>)
    %dma_start3A_128 = arith.constant 96 : i32
    %dma_start3A_129 = tpu.memref_slice %arg12[%dma_start3A_128] : memref<512xi32, #tpu.memory_space<vmem>> -> memref<32xi32, #tpu.memory_space<vmem>>
    %dma_start3A_130 = arith.constant 0 : i32
    %dma_start3A_131 = arith.constant 0 : i32
    %dma_start3A_132 = tpu.memref_slice %arg6[%dma_start3A_130, %dma_start3A_131] : memref<100000x128xf32, #tpu.memory_space<hbm>> -> memref<100000x128xf32, #tpu.memory_space<hbm>>
    tpu.enqueue_indirect_dma source(%dma_start3A_132 : memref<100000x128xf32, #tpu.memory_space<hbm>>) target(%arg36 : memref<32x128xf32, #tpu.memory_space<vmem>>) offsets(%dma_start3A_129 : memref<32xi32, #tpu.memory_space<vmem>>) semaphore(%arg41 : memref<!tpu.dma_semaphore, #tpu.memory_space<semaphore_mem>>)
    %scan3A = arith.constant 0 : i32
    %scan3A_133 = arith.constant 0 : i32
    %scan3A_134 = arith.constant 4 : i32
    %scan3A_135 = arith.addi %scan3A_133, %scan3A_134 : i32
    %scan3A_136 = arith.constant 1 : i32
    scf.for %scan3A_138 = %scan3A_133 to %scan3A_135 step %scan3A_136  : i32 {
      %mul3A_139 = arith.constant 4 : i32
      %mul3A_140 = arith.muli %scan3A_138, %mul3A_139 : i32
      %add3A_141 = arith.constant 0 : i32
      %add3A_142 = arith.addi %mul3A_140, %add3A_141 : i32
      %dma_wait3A_143 = arith.constant 0 : i32
      %dma_wait3A_144 = tpu.memref_slice %arg10[%dma_wait3A_143] : memref<512xi32, #tpu.memory_space<vmem>> -> memref<32xi32, #tpu.memory_space<vmem>>
      %dma_wait3A_145 = arith.constant 0 : i32
      %dma_wait3A_146 = arith.constant 0 : i32
      %dma_wait3A_147 = tpu.memref_slice %arg5[%dma_wait3A_145, %dma_wait3A_146] : memref<100000x128xf32, #tpu.memory_space<hbm>> -> memref<100000x128xf32, #tpu.memory_space<hbm>>
      tpu.wait_indirect_dma semaphore(%arg38 : memref<!tpu.dma_semaphore, #tpu.memory_space<semaphore_mem>>) src(%dma_wait3A_147 : memref<100000x128xf32, #tpu.memory_space<hbm>>) dst(%arg13 : memref<32x128xf32, #tpu.memory_space<vmem>>)
      %dma_wait3A_148 = arith.constant 0 : i32
      %dma_wait3A_149 = tpu.memref_slice %arg10[%dma_wait3A_148] : memref<512xi32, #tpu.memory_space<vmem>> -> memref<32xi32, #tpu.memory_space<vmem>>
      %dma_wait3A_150 = arith.constant 0 : i32
      %dma_wait3A_151 = arith.constant 0 : i32
      %dma_wait3A_152 = tpu.memref_slice %arg6[%dma_wait3A_150, %dma_wait3A_151] : memref<100000x128xf32, #tpu.memory_space<hbm>> -> memref<100000x128xf32, #tpu.memory_space<hbm>>
      tpu.wait_indirect_dma semaphore(%arg38 : memref<!tpu.dma_semaphore, #tpu.memory_space<semaphore_mem>>) src(%dma_wait3A_152 : memref<100000x128xf32, #tpu.memory_space<hbm>>) dst(%arg14 : memref<32x128xf32, #tpu.memory_space<vmem>>)
      %dma_wait3A_153 = arith.constant 0 : i32
      %dma_wait3A_154 = tpu.memref_slice %arg10[%dma_wait3A_153] : memref<512xi32, #tpu.memory_space<vmem>> -> memref<32xi32, #tpu.memory_space<vmem>>
      %dma_wait3A_155 = arith.constant 0 : i32
      %dma_wait3A_156 = arith.constant 0 : i32
      %dma_wait3A_157 = tpu.memref_slice %arg7[%dma_wait3A_155, %dma_wait3A_156] : memref<1000x128xf32, #tpu.memory_space<hbm>> -> memref<1000x128xf32, #tpu.memory_space<hbm>>
      tpu.wait_indirect_dma semaphore(%arg38 : memref<!tpu.dma_semaphore, #tpu.memory_space<semaphore_mem>>) src(%dma_wait3A_157 : memref<1000x128xf32, #tpu.memory_space<hbm>>) dst(%arg15 : memref<32x128xf32, #tpu.memory_space<vmem>>)
      %dma_wait3A_158 = arith.constant 0 : i32
      %dma_wait3A_159 = tpu.memref_slice %arg10[%dma_wait3A_158] : memref<512xi32, #tpu.memory_space<vmem>> -> memref<32xi32, #tpu.memory_space<vmem>>
      %dma_wait3A_160 = arith.constant 0 : i32
      %dma_wait3A_161 = arith.constant 0 : i32
      %dma_wait3A_162 = tpu.memref_slice %arg8[%dma_wait3A_160, %dma_wait3A_161] : memref<1000x128xf32, #tpu.memory_space<hbm>> -> memref<1000x128xf32, #tpu.memory_space<hbm>>
      tpu.wait_indirect_dma semaphore(%arg38 : memref<!tpu.dma_semaphore, #tpu.memory_space<semaphore_mem>>) src(%dma_wait3A_162 : memref<1000x128xf32, #tpu.memory_space<hbm>>) dst(%arg16 : memref<32x128xf32, #tpu.memory_space<vmem>>)
      %dma_wait3A_163 = arith.constant 0 : i32
      %dma_wait3A_164 = tpu.memref_slice %arg10[%dma_wait3A_163] : memref<512xi32, #tpu.memory_space<vmem>> -> memref<32xi32, #tpu.memory_space<vmem>>
      %dma_wait3A_165 = arith.constant 0 : i32
      %dma_wait3A_166 = arith.constant 0 : i32
      %dma_wait3A_167 = tpu.memref_slice %arg5[%dma_wait3A_165, %dma_wait3A_166] : memref<100000x128xf32, #tpu.memory_space<hbm>> -> memref<100000x128xf32, #tpu.memory_space<hbm>>
      tpu.wait_indirect_dma semaphore(%arg38 : memref<!tpu.dma_semaphore, #tpu.memory_space<semaphore_mem>>) src(%dma_wait3A_167 : memref<100000x128xf32, #tpu.memory_space<hbm>>) dst(%arg17 : memref<32x128xf32, #tpu.memory_space<vmem>>)
      %dma_wait3A_168 = arith.constant 0 : i32
      %dma_wait3A_169 = tpu.memref_slice %arg10[%dma_wait3A_168] : memref<512xi32, #tpu.memory_space<vmem>> -> memref<32xi32, #tpu.memory_space<vmem>>
      %dma_wait3A_170 = arith.constant 0 : i32
      %dma_wait3A_171 = arith.constant 0 : i32
      %dma_wait3A_172 = tpu.memref_slice %arg6[%dma_wait3A_170, %dma_wait3A_171] : memref<100000x128xf32, #tpu.memory_space<hbm>> -> memref<100000x128xf32, #tpu.memory_space<hbm>>
      tpu.wait_indirect_dma semaphore(%arg38 : memref<!tpu.dma_semaphore, #tpu.memory_space<semaphore_mem>>) src(%dma_wait3A_172 : memref<100000x128xf32, #tpu.memory_space<hbm>>) dst(%arg18 : memref<32x128xf32, #tpu.memory_space<vmem>>)
      %mul3A_173 = arith.constant 32 : i32
      %mul3A_174 = arith.muli %add3A_142, %mul3A_173 : i32
      %scan3A_175 = arith.constant 0 : i32
      %scan3A_176 = arith.constant 0 : i32
      %scan3A_177 = arith.constant 2 : i32
      %scan3A_178 = arith.addi %scan3A_176, %scan3A_177 : i32
      %scan3A_179 = arith.constant 1 : i32
      scf.for %scan3A_326 = %scan3A_176 to %scan3A_178 step %scan3A_179  : i32 {
        %mul3A_327 = arith.constant 16 : i32
        %mul3A_328 = arith.muli %scan3A_326, %mul3A_327 : i32
        %add3A_329 = vector.broadcast %mul3A_328 : i32 to vector<16xi32>
        %add3A_330 = arith.addi %add3A_329, %iota3A : vector<16xi32>
        %broadcast_in_dim3A = arith.constant 0.000000e+00 : f32
        %broadcast_in_dim3A_331 = vector.broadcast %broadcast_in_dim3A : f32 to vector<16xf32>
        %broadcast_in_dim3A_332 = arith.constant 0.000000e+00 : f32
        %broadcast_in_dim3A_333 = vector.broadcast %broadcast_in_dim3A_332 : f32 to vector<16xf32>
        %parallel_loop3A = arith.constant 0 : i32
        %parallel_loop3A_334 = arith.constant 128 : i32
        %parallel_loop3A_335 = arith.constant 8 : i32
        %parallel_loop3A_336:2 = scf.for %parallel_loop3A_342 = %parallel_loop3A to %parallel_loop3A_334 step %parallel_loop3A_335 iter_args(%parallel_loop3A_343 = %broadcast_in_dim3A_331, %parallel_loop3A_344 = %broadcast_in_dim3A_333) -> (vector<16xf32>, vector<16xf32>)  : i32 {
          %parallel_loop3A_345 = arith.constant 9 : i32
          %parallel_loop3A_346 = vector.broadcast %parallel_loop3A_345 : i32 to vector<16xi32>
          %parallel_loop3A_347 = arith.muli %iota3A, %parallel_loop3A_346 : vector<16xi32>
          %parallel_loop3A_348 = arith.constant 0 : i32
          %parallel_loop3A_349 = arith.addi %parallel_loop3A_342, %parallel_loop3A_348 : i32
          %parallel_loop3A_350 = vector.broadcast %parallel_loop3A_349 : i32 to vector<16xi32>
          %parallel_loop3A_351 = arith.addi %parallel_loop3A_347, %parallel_loop3A_350 : vector<16xi32>
          %parallel_loop3A_352 = arith.constant 127 : i32
          %parallel_loop3A_353 = vector.broadcast %parallel_loop3A_352 : i32 to vector<16xi32>
          %parallel_loop3A_354 = arith.andi %parallel_loop3A_351, %parallel_loop3A_353 : vector<16xi32>
          %parallel_loop3A_355 = tpu.vector_load_idx %arg13[%add3A_330, %parallel_loop3A_354] : memref<32x128xf32, #tpu.memory_space<vmem>>[vector<16xi32>, vector<16xi32>], vector<16xf32>,
          %parallel_loop3A_356 = tpu.vector_load_idx %arg14[%add3A_330, %parallel_loop3A_354] : memref<32x128xf32, #tpu.memory_space<vmem>>[vector<16xi32>, vector<16xi32>], vector<16xf32>,
          %parallel_loop3A_357 = tpu.vector_load_idx %arg15[%add3A_330, %parallel_loop3A_354] : memref<32x128xf32, #tpu.memory_space<vmem>>[vector<16xi32>, vector<16xi32>], vector<16xf32>,
          %parallel_loop3A_358 = tpu.vector_load_idx %arg16[%add3A_330, %parallel_loop3A_354] : memref<32x128xf32, #tpu.memory_space<vmem>>[vector<16xi32>, vector<16xi32>], vector<16xf32>,
          %parallel_loop3A_359 = tpu.vector_load_idx %arg17[%add3A_330, %parallel_loop3A_354] : memref<32x128xf32, #tpu.memory_space<vmem>>[vector<16xi32>, vector<16xi32>], vector<16xf32>,
          %parallel_loop3A_360 = tpu.vector_load_idx %arg18[%add3A_330, %parallel_loop3A_354] : memref<32x128xf32, #tpu.memory_space<vmem>>[vector<16xi32>, vector<16xi32>], vector<16xf32>,
          %parallel_loop3A_361 = arith.mulf %parallel_loop3A_355, %parallel_loop3A_357 : vector<16xf32>
          %parallel_loop3A_362 = arith.mulf %parallel_loop3A_356, %parallel_loop3A_358 : vector<16xf32>
          %parallel_loop3A_363 = arith.subf %parallel_loop3A_361, %parallel_loop3A_362 : vector<16xf32>
          %parallel_loop3A_364 = arith.mulf %parallel_loop3A_363, %parallel_loop3A_359 : vector<16xf32>
          %parallel_loop3A_365 = arith.addf %parallel_loop3A_343, %parallel_loop3A_364 : vector<16xf32>
          %parallel_loop3A_366 = arith.mulf %parallel_loop3A_355, %parallel_loop3A_358 : vector<16xf32>
          %parallel_loop3A_367 = arith.mulf %parallel_loop3A_356, %parallel_loop3A_357 : vector<16xf32>
          %parallel_loop3A_368 = arith.addf %parallel_loop3A_366, %parallel_loop3A_367 : vector<16xf32>
          %parallel_loop3A_369 = arith.mulf %parallel_loop3A_368, %parallel_loop3A_360 : vector<16xf32>
          %parallel_loop3A_370 = arith.addf %parallel_loop3A_344, %parallel_loop3A_369 : vector<16xf32>
          %parallel_loop3A_371 = arith.constant 9 : i32
          %parallel_loop3A_372 = vector.broadcast %parallel_loop3A_371 : i32 to vector<16xi32>
          %parallel_loop3A_373 = arith.muli %iota3A, %parallel_loop3A_372 : vector<16xi32>
          %parallel_loop3A_374 = arith.constant 1 : i32
          %parallel_loop3A_375 = arith.addi %parallel_loop3A_342, %parallel_loop3A_374 : i32
          %parallel_loop3A_376 = vector.broadcast %parallel_loop3A_375 : i32 to vector<16xi32>
          %parallel_loop3A_377 = arith.addi %parallel_loop3A_373, %parallel_loop3A_376 : vector<16xi32>
          %parallel_loop3A_378 = arith.constant 127 : i32
          %parallel_loop3A_379 = vector.broadcast %parallel_loop3A_378 : i32 to vector<16xi32>
          %parallel_loop3A_380 = arith.andi %parallel_loop3A_377, %parallel_loop3A_379 : vector<16xi32>
          %parallel_loop3A_381 = tpu.vector_load_idx %arg13[%add3A_330, %parallel_loop3A_380] : memref<32x128xf32, #tpu.memory_space<vmem>>[vector<16xi32>, vector<16xi32>], vector<16xf32>,
          %parallel_loop3A_382 = tpu.vector_load_idx %arg14[%add3A_330, %parallel_loop3A_380] : memref<32x128xf32, #tpu.memory_space<vmem>>[vector<16xi32>, vector<16xi32>], vector<16xf32>,
          %parallel_loop3A_383 = tpu.vector_load_idx %arg15[%add3A_330, %parallel_loop3A_380] : memref<32x128xf32, #tpu.memory_space<vmem>>[vector<16xi32>, vector<16xi32>], vector<16xf32>,
          %parallel_loop3A_384 = tpu.vector_load_idx %arg16[%add3A_330, %parallel_loop3A_380] : memref<32x128xf32, #tpu.memory_space<vmem>>[vector<16xi32>, vector<16xi32>], vector<16xf32>,
          %parallel_loop3A_385 = tpu.vector_load_idx %arg17[%add3A_330, %parallel_loop3A_380] : memref<32x128xf32, #tpu.memory_space<vmem>>[vector<16xi32>, vector<16xi32>], vector<16xf32>,
          %parallel_loop3A_386 = tpu.vector_load_idx %arg18[%add3A_330, %parallel_loop3A_380] : memref<32x128xf32, #tpu.memory_space<vmem>>[vector<16xi32>, vector<16xi32>], vector<16xf32>,
          %parallel_loop3A_387 = arith.mulf %parallel_loop3A_381, %parallel_loop3A_383 : vector<16xf32>
          %parallel_loop3A_388 = arith.mulf %parallel_loop3A_382, %parallel_loop3A_384 : vector<16xf32>
          %parallel_loop3A_389 = arith.subf %parallel_loop3A_387, %parallel_loop3A_388 : vector<16xf32>
          %parallel_loop3A_390 = arith.mulf %parallel_loop3A_389, %parallel_loop3A_385 : vector<16xf32>
          %parallel_loop3A_391 = arith.addf %parallel_loop3A_365, %parallel_loop3A_390 : vector<16xf32>
          %parallel_loop3A_392 = arith.mulf %parallel_loop3A_381, %parallel_loop3A_384 : vector<16xf32>
          %parallel_loop3A_393 = arith.mulf %parallel_loop3A_382, %parallel_loop3A_383 : vector<16xf32>
          %parallel_loop3A_394 = arith.addf %parallel_loop3A_392, %parallel_loop3A_393 : vector<16xf32>
          %parallel_loop3A_395 = arith.mulf %parallel_loop3A_394, %parallel_loop3A_386 : vector<16xf32>
          %parallel_loop3A_396 = arith.addf %parallel_loop3A_370, %parallel_loop3A_395 : vector<16xf32>
          %parallel_loop3A_397 = arith.constant 9 : i32
          %parallel_loop3A_398 = vector.broadcast %parallel_loop3A_397 : i32 to vector<16xi32>
          %parallel_loop3A_399 = arith.muli %iota3A, %parallel_loop3A_398 : vector<16xi32>
          %parallel_loop3A_400 = arith.constant 2 : i32
          %parallel_loop3A_401 = arith.addi %parallel_loop3A_342, %parallel_loop3A_400 : i32
          %parallel_loop3A_402 = vector.broadcast %parallel_loop3A_401 : i32 to vector<16xi32>
          %parallel_loop3A_403 = arith.addi %parallel_loop3A_399, %parallel_loop3A_402 : vector<16xi32>
          %parallel_loop3A_404 = arith.constant 127 : i32
          %parallel_loop3A_405 = vector.broadcast %parallel_loop3A_404 : i32 to vector<16xi32>
          %parallel_loop3A_406 = arith.andi %parallel_loop3A_403, %parallel_loop3A_405 : vector<16xi32>
          %parallel_loop3A_407 = tpu.vector_load_idx %arg13[%add3A_330, %parallel_loop3A_406] : memref<32x128xf32, #tpu.memory_space<vmem>>[vector<16xi32>, vector<16xi32>], vector<16xf32>,
          %parallel_loop3A_408 = tpu.vector_load_idx %arg14[%add3A_330, %parallel_loop3A_406] : memref<32x128xf32, #tpu.memory_space<vmem>>[vector<16xi32>, vector<16xi32>], vector<16xf32>,
          %parallel_loop3A_409 = tpu.vector_load_idx %arg15[%add3A_330, %parallel_loop3A_406] : memref<32x128xf32, #tpu.memory_space<vmem>>[vector<16xi32>, vector<16xi32>], vector<16xf32>,
          %parallel_loop3A_410 = tpu.vector_load_idx %arg16[%add3A_330, %parallel_loop3A_406] : memref<32x128xf32, #tpu.memory_space<vmem>>[vector<16xi32>, vector<16xi32>], vector<16xf32>,
          %parallel_loop3A_411 = tpu.vector_load_idx %arg17[%add3A_330, %parallel_loop3A_406] : memref<32x128xf32, #tpu.memory_space<vmem>>[vector<16xi32>, vector<16xi32>], vector<16xf32>,
          %parallel_loop3A_412 = tpu.vector_load_idx %arg18[%add3A_330, %parallel_loop3A_406] : memref<32x128xf32, #tpu.memory_space<vmem>>[vector<16xi32>, vector<16xi32>], vector<16xf32>,
          %parallel_loop3A_413 = arith.mulf %parallel_loop3A_407, %parallel_loop3A_409 : vector<16xf32>
          %parallel_loop3A_414 = arith.mulf %parallel_loop3A_408, %parallel_loop3A_410 : vector<16xf32>
          %parallel_loop3A_415 = arith.subf %parallel_loop3A_413, %parallel_loop3A_414 : vector<16xf32>
          %parallel_loop3A_416 = arith.mulf %parallel_loop3A_415, %parallel_loop3A_411 : vector<16xf32>
          %parallel_loop3A_417 = arith.addf %parallel_loop3A_391, %parallel_loop3A_416 : vector<16xf32>
          %parallel_loop3A_418 = arith.mulf %parallel_loop3A_407, %parallel_loop3A_410 : vector<16xf32>
          %parallel_loop3A_419 = arith.mulf %parallel_loop3A_408, %parallel_loop3A_409 : vector<16xf32>
          %parallel_loop3A_420 = arith.addf %parallel_loop3A_418, %parallel_loop3A_419 : vector<16xf32>
          %parallel_loop3A_421 = arith.mulf %parallel_loop3A_420, %parallel_loop3A_412 : vector<16xf32>
          %parallel_loop3A_422 = arith.addf %parallel_loop3A_396, %parallel_loop3A_421 : vector<16xf32>
          %parallel_loop3A_423 = arith.constant 9 : i32
          %parallel_loop3A_424 = vector.broadcast %parallel_loop3A_423 : i32 to vector<16xi32>
          %parallel_loop3A_425 = arith.muli %iota3A, %parallel_loop3A_424 : vector<16xi32>
          %parallel_loop3A_426 = arith.constant 3 : i32
          %parallel_loop3A_427 = arith.addi %parallel_loop3A_342, %parallel_loop3A_426 : i32
          %parallel_loop3A_428 = vector.broadcast %parallel_loop3A_427 : i32 to vector<16xi32>
          %parallel_loop3A_429 = arith.addi %parallel_loop3A_425, %parallel_loop3A_428 : vector<16xi32>
          %parallel_loop3A_430 = arith.constant 127 : i32
          %parallel_loop3A_431 = vector.broadcast %parallel_loop3A_430 : i32 to vector<16xi32>
          %parallel_loop3A_432 = arith.andi %parallel_loop3A_429, %parallel_loop3A_431 : vector<16xi32>
          %parallel_loop3A_433 = tpu.vector_load_idx %arg13[%add3A_330, %parallel_loop3A_432] : memref<32x128xf32, #tpu.memory_space<vmem>>[vector<16xi32>, vector<16xi32>], vector<16xf32>,
          %parallel_loop3A_434 = tpu.vector_load_idx %arg14[%add3A_330, %parallel_loop3A_432] : memref<32x128xf32, #tpu.memory_space<vmem>>[vector<16xi32>, vector<16xi32>], vector<16xf32>,
          %parallel_loop3A_435 = tpu.vector_load_idx %arg15[%add3A_330, %parallel_loop3A_432] : memref<32x128xf32, #tpu.memory_space<vmem>>[vector<16xi32>, vector<16xi32>], vector<16xf32>,
          %parallel_loop3A_436 = tpu.vector_load_idx %arg16[%add3A_330, %parallel_loop3A_432] : memref<32x128xf32, #tpu.memory_space<vmem>>[vector<16xi32>, vector<16xi32>], vector<16xf32>,
          %parallel_loop3A_437 = tpu.vector_load_idx %arg17[%add3A_330, %parallel_loop3A_432] : memref<32x128xf32, #tpu.memory_space<vmem>>[vector<16xi32>, vector<16xi32>], vector<16xf32>,
          %parallel_loop3A_438 = tpu.vector_load_idx %arg18[%add3A_330, %parallel_loop3A_432] : memref<32x128xf32, #tpu.memory_space<vmem>>[vector<16xi32>, vector<16xi32>], vector<16xf32>,
          %parallel_loop3A_439 = arith.mulf %parallel_loop3A_433, %parallel_loop3A_435 : vector<16xf32>
          %parallel_loop3A_440 = arith.mulf %parallel_loop3A_434, %parallel_loop3A_436 : vector<16xf32>
          %parallel_loop3A_441 = arith.subf %parallel_loop3A_439, %parallel_loop3A_440 : vector<16xf32>
          %parallel_loop3A_442 = arith.mulf %parallel_loop3A_441, %parallel_loop3A_437 : vector<16xf32>
          %parallel_loop3A_443 = arith.addf %parallel_loop3A_417, %parallel_loop3A_442 : vector<16xf32>
          %parallel_loop3A_444 = arith.mulf %parallel_loop3A_433, %parallel_loop3A_436 : vector<16xf32>
          %parallel_loop3A_445 = arith.mulf %parallel_loop3A_434, %parallel_loop3A_435 : vector<16xf32>
          %parallel_loop3A_446 = arith.addf %parallel_loop3A_444, %parallel_loop3A_445 : vector<16xf32>
          %parallel_loop3A_447 = arith.mulf %parallel_loop3A_446, %parallel_loop3A_438 : vector<16xf32>
          %parallel_loop3A_448 = arith.addf %parallel_loop3A_422, %parallel_loop3A_447 : vector<16xf32>
          %parallel_loop3A_449 = arith.constant 9 : i32
          %parallel_loop3A_450 = vector.broadcast %parallel_loop3A_449 : i32 to vector<16xi32>
          %parallel_loop3A_451 = arith.muli %iota3A, %parallel_loop3A_450 : vector<16xi32>
          %parallel_loop3A_452 = arith.constant 4 : i32
          %parallel_loop3A_453 = arith.addi %parallel_loop3A_342, %parallel_loop3A_452 : i32
          %parallel_loop3A_454 = vector.broadcast %parallel_loop3A_453 : i32 to vector<16xi32>
          %parallel_loop3A_455 = arith.addi %parallel_loop3A_451, %parallel_loop3A_454 : vector<16xi32>
          %parallel_loop3A_456 = arith.constant 127 : i32
          %parallel_loop3A_457 = vector.broadcast %parallel_loop3A_456 : i32 to vector<16xi32>
          %parallel_loop3A_458 = arith.andi %parallel_loop3A_455, %parallel_loop3A_457 : vector<16xi32>
          %parallel_loop3A_459 = tpu.vector_load_idx %arg13[%add3A_330, %parallel_loop3A_458] : memref<32x128xf32, #tpu.memory_space<vmem>>[vector<16xi32>, vector<16xi32>], vector<16xf32>,
          %parallel_loop3A_460 = tpu.vector_load_idx %arg14[%add3A_330, %parallel_loop3A_458] : memref<32x128xf32, #tpu.memory_space<vmem>>[vector<16xi32>, vector<16xi32>], vector<16xf32>,
          %parallel_loop3A_461 = tpu.vector_load_idx %arg15[%add3A_330, %parallel_loop3A_458] : memref<32x128xf32, #tpu.memory_space<vmem>>[vector<16xi32>, vector<16xi32>], vector<16xf32>,
          %parallel_loop3A_462 = tpu.vector_load_idx %arg16[%add3A_330, %parallel_loop3A_458] : memref<32x128xf32, #tpu.memory_space<vmem>>[vector<16xi32>, vector<16xi32>], vector<16xf32>,
          %parallel_loop3A_463 = tpu.vector_load_idx %arg17[%add3A_330, %parallel_loop3A_458] : memref<32x128xf32, #tpu.memory_space<vmem>>[vector<16xi32>, vector<16xi32>], vector<16xf32>,
          %parallel_loop3A_464 = tpu.vector_load_idx %arg18[%add3A_330, %parallel_loop3A_458] : memref<32x128xf32, #tpu.memory_space<vmem>>[vector<16xi32>, vector<16xi32>], vector<16xf32>,
          %parallel_loop3A_465 = arith.mulf %parallel_loop3A_459, %parallel_loop3A_461 : vector<16xf32>
          %parallel_loop3A_466 = arith.mulf %parallel_loop3A_460, %parallel_loop3A_462 : vector<16xf32>
          %parallel_loop3A_467 = arith.subf %parallel_loop3A_465, %parallel_loop3A_466 : vector<16xf32>
          %parallel_loop3A_468 = arith.mulf %parallel_loop3A_467, %parallel_loop3A_463 : vector<16xf32>
          %parallel_loop3A_469 = arith.addf %parallel_loop3A_443, %parallel_loop3A_468 : vector<16xf32>
          %parallel_loop3A_470 = arith.mulf %parallel_loop3A_459, %parallel_loop3A_462 : vector<16xf32>
          %parallel_loop3A_471 = arith.mulf %parallel_loop3A_460, %parallel_loop3A_461 : vector<16xf32>
          %parallel_loop3A_472 = arith.addf %parallel_loop3A_470, %parallel_loop3A_471 : vector<16xf32>
          %parallel_loop3A_473 = arith.mulf %parallel_loop3A_472, %parallel_loop3A_464 : vector<16xf32>
          %parallel_loop3A_474 = arith.addf %parallel_loop3A_448, %parallel_loop3A_473 : vector<16xf32>
          %parallel_loop3A_475 = arith.constant 9 : i32
          %parallel_loop3A_476 = vector.broadcast %parallel_loop3A_475 : i32 to vector<16xi32>
          %parallel_loop3A_477 = arith.muli %iota3A, %parallel_loop3A_476 : vector<16xi32>
          %parallel_loop3A_478 = arith.constant 5 : i32
          %parallel_loop3A_479 = arith.addi %parallel_loop3A_342, %parallel_loop3A_478 : i32
          %parallel_loop3A_480 = vector.broadcast %parallel_loop3A_479 : i32 to vector<16xi32>
          %parallel_loop3A_481 = arith.addi %parallel_loop3A_477, %parallel_loop3A_480 : vector<16xi32>
          %parallel_loop3A_482 = arith.constant 127 : i32
          %parallel_loop3A_483 = vector.broadcast %parallel_loop3A_482 : i32 to vector<16xi32>
          %parallel_loop3A_484 = arith.andi %parallel_loop3A_481, %parallel_loop3A_483 : vector<16xi32>
          %parallel_loop3A_485 = tpu.vector_load_idx %arg13[%add3A_330, %parallel_loop3A_484] : memref<32x128xf32, #tpu.memory_space<vmem>>[vector<16xi32>, vector<16xi32>], vector<16xf32>,
          %parallel_loop3A_486 = tpu.vector_load_idx %arg14[%add3A_330, %parallel_loop3A_484] : memref<32x128xf32, #tpu.memory_space<vmem>>[vector<16xi32>, vector<16xi32>], vector<16xf32>,
          %parallel_loop3A_487 = tpu.vector_load_idx %arg15[%add3A_330, %parallel_loop3A_484] : memref<32x128xf32, #tpu.memory_space<vmem>>[vector<16xi32>, vector<16xi32>], vector<16xf32>,
          %parallel_loop3A_488 = tpu.vector_load_idx %arg16[%add3A_330, %parallel_loop3A_484] : memref<32x128xf32, #tpu.memory_space<vmem>>[vector<16xi32>, vector<16xi32>], vector<16xf32>,
          %parallel_loop3A_489 = tpu.vector_load_idx %arg17[%add3A_330, %parallel_loop3A_484] : memref<32x128xf32, #tpu.memory_space<vmem>>[vector<16xi32>, vector<16xi32>], vector<16xf32>,
          %parallel_loop3A_490 = tpu.vector_load_idx %arg18[%add3A_330, %parallel_loop3A_484] : memref<32x128xf32, #tpu.memory_space<vmem>>[vector<16xi32>, vector<16xi32>], vector<16xf32>,
          %parallel_loop3A_491 = arith.mulf %parallel_loop3A_485, %parallel_loop3A_487 : vector<16xf32>
          %parallel_loop3A_492 = arith.mulf %parallel_loop3A_486, %parallel_loop3A_488 : vector<16xf32>
          %parallel_loop3A_493 = arith.subf %parallel_loop3A_491, %parallel_loop3A_492 : vector<16xf32>
          %parallel_loop3A_494 = arith.mulf %parallel_loop3A_493, %parallel_loop3A_489 : vector<16xf32>
          %parallel_loop3A_495 = arith.addf %parallel_loop3A_469, %parallel_loop3A_494 : vector<16xf32>
          %parallel_loop3A_496 = arith.mulf %parallel_loop3A_485, %parallel_loop3A_488 : vector<16xf32>
          %parallel_loop3A_497 = arith.mulf %parallel_loop3A_486, %parallel_loop3A_487 : vector<16xf32>
          %parallel_loop3A_498 = arith.addf %parallel_loop3A_496, %parallel_loop3A_497 : vector<16xf32>
          %parallel_loop3A_499 = arith.mulf %parallel_loop3A_498, %parallel_loop3A_490 : vector<16xf32>
          %parallel_loop3A_500 = arith.addf %parallel_loop3A_474, %parallel_loop3A_499 : vector<16xf32>
          %parallel_loop3A_501 = arith.constant 9 : i32
          %parallel_loop3A_502 = vector.broadcast %parallel_loop3A_501 : i32 to vector<16xi32>
          %parallel_loop3A_503 = arith.muli %iota3A, %parallel_loop3A_502 : vector<16xi32>
          %parallel_loop3A_504 = arith.constant 6 : i32
          %parallel_loop3A_505 = arith.addi %parallel_loop3A_342, %parallel_loop3A_504 : i32
          %parallel_loop3A_506 = vector.broadcast %parallel_loop3A_505 : i32 to vector<16xi32>
          %parallel_loop3A_507 = arith.addi %parallel_loop3A_503, %parallel_loop3A_506 : vector<16xi32>
          %parallel_loop3A_508 = arith.constant 127 : i32
          %parallel_loop3A_509 = vector.broadcast %parallel_loop3A_508 : i32 to vector<16xi32>
          %parallel_loop3A_510 = arith.andi %parallel_loop3A_507, %parallel_loop3A_509 : vector<16xi32>
          %parallel_loop3A_511 = tpu.vector_load_idx %arg13[%add3A_330, %parallel_loop3A_510] : memref<32x128xf32, #tpu.memory_space<vmem>>[vector<16xi32>, vector<16xi32>], vector<16xf32>,
          %parallel_loop3A_512 = tpu.vector_load_idx %arg14[%add3A_330, %parallel_loop3A_510] : memref<32x128xf32, #tpu.memory_space<vmem>>[vector<16xi32>, vector<16xi32>], vector<16xf32>,
          %parallel_loop3A_513 = tpu.vector_load_idx %arg15[%add3A_330, %parallel_loop3A_510] : memref<32x128xf32, #tpu.memory_space<vmem>>[vector<16xi32>, vector<16xi32>], vector<16xf32>,
          %parallel_loop3A_514 = tpu.vector_load_idx %arg16[%add3A_330, %parallel_loop3A_510] : memref<32x128xf32, #tpu.memory_space<vmem>>[vector<16xi32>, vector<16xi32>], vector<16xf32>,
          %parallel_loop3A_515 = tpu.vector_load_idx %arg17[%add3A_330, %parallel_loop3A_510] : memref<32x128xf32, #tpu.memory_space<vmem>>[vector<16xi32>, vector<16xi32>], vector<16xf32>,
          %parallel_loop3A_516 = tpu.vector_load_idx %arg18[%add3A_330, %parallel_loop3A_510] : memref<32x128xf32, #tpu.memory_space<vmem>>[vector<16xi32>, vector<16xi32>], vector<16xf32>,
          %parallel_loop3A_517 = arith.mulf %parallel_loop3A_511, %parallel_loop3A_513 : vector<16xf32>
          %parallel_loop3A_518 = arith.mulf %parallel_loop3A_512, %parallel_loop3A_514 : vector<16xf32>
          %parallel_loop3A_519 = arith.subf %parallel_loop3A_517, %parallel_loop3A_518 : vector<16xf32>
          %parallel_loop3A_520 = arith.mulf %parallel_loop3A_519, %parallel_loop3A_515 : vector<16xf32>
          %parallel_loop3A_521 = arith.addf %parallel_loop3A_495, %parallel_loop3A_520 : vector<16xf32>
          %parallel_loop3A_522 = arith.mulf %parallel_loop3A_511, %parallel_loop3A_514 : vector<16xf32>
          %parallel_loop3A_523 = arith.mulf %parallel_loop3A_512, %parallel_loop3A_513 : vector<16xf32>
          %parallel_loop3A_524 = arith.addf %parallel_loop3A_522, %parallel_loop3A_523 : vector<16xf32>
          %parallel_loop3A_525 = arith.mulf %parallel_loop3A_524, %parallel_loop3A_516 : vector<16xf32>
          %parallel_loop3A_526 = arith.addf %parallel_loop3A_500, %parallel_loop3A_525 : vector<16xf32>
          %parallel_loop3A_527 = arith.constant 9 : i32
          %parallel_loop3A_528 = vector.broadcast %parallel_loop3A_527 : i32 to vector<16xi32>
          %parallel_loop3A_529 = arith.muli %iota3A, %parallel_loop3A_528 : vector<16xi32>
          %parallel_loop3A_530 = arith.constant 7 : i32
          %parallel_loop3A_531 = arith.addi %parallel_loop3A_342, %parallel_loop3A_530 : i32
          %parallel_loop3A_532 = vector.broadcast %parallel_loop3A_531 : i32 to vector<16xi32>
          %parallel_loop3A_533 = arith.addi %parallel_loop3A_529, %parallel_loop3A_532 : vector<16xi32>
          %parallel_loop3A_534 = arith.constant 127 : i32
          %parallel_loop3A_535 = vector.broadcast %parallel_loop3A_534 : i32 to vector<16xi32>
          %parallel_loop3A_536 = arith.andi %parallel_loop3A_533, %parallel_loop3A_535 : vector<16xi32>
          %parallel_loop3A_537 = tpu.vector_load_idx %arg13[%add3A_330, %parallel_loop3A_536] : memref<32x128xf32, #tpu.memory_space<vmem>>[vector<16xi32>, vector<16xi32>], vector<16xf32>,
          %parallel_loop3A_538 = tpu.vector_load_idx %arg14[%add3A_330, %parallel_loop3A_536] : memref<32x128xf32, #tpu.memory_space<vmem>>[vector<16xi32>, vector<16xi32>], vector<16xf32>,
          %parallel_loop3A_539 = tpu.vector_load_idx %arg15[%add3A_330, %parallel_loop3A_536] : memref<32x128xf32, #tpu.memory_space<vmem>>[vector<16xi32>, vector<16xi32>], vector<16xf32>,
          %parallel_loop3A_540 = tpu.vector_load_idx %arg16[%add3A_330, %parallel_loop3A_536] : memref<32x128xf32, #tpu.memory_space<vmem>>[vector<16xi32>, vector<16xi32>], vector<16xf32>,
          %parallel_loop3A_541 = tpu.vector_load_idx %arg17[%add3A_330, %parallel_loop3A_536] : memref<32x128xf32, #tpu.memory_space<vmem>>[vector<16xi32>, vector<16xi32>], vector<16xf32>,
          %parallel_loop3A_542 = tpu.vector_load_idx %arg18[%add3A_330, %parallel_loop3A_536] : memref<32x128xf32, #tpu.memory_space<vmem>>[vector<16xi32>, vector<16xi32>], vector<16xf32>,
          %parallel_loop3A_543 = arith.mulf %parallel_loop3A_537, %parallel_loop3A_539 : vector<16xf32>
          %parallel_loop3A_544 = arith.mulf %parallel_loop3A_538, %parallel_loop3A_540 : vector<16xf32>
          %parallel_loop3A_545 = arith.subf %parallel_loop3A_543, %parallel_loop3A_544 : vector<16xf32>
          %parallel_loop3A_546 = arith.mulf %parallel_loop3A_545, %parallel_loop3A_541 : vector<16xf32>
          %parallel_loop3A_547 = arith.addf %parallel_loop3A_521, %parallel_loop3A_546 : vector<16xf32>
          %parallel_loop3A_548 = arith.mulf %parallel_loop3A_537, %parallel_loop3A_540 : vector<16xf32>
          %parallel_loop3A_549 = arith.mulf %parallel_loop3A_538, %parallel_loop3A_539 : vector<16xf32>
          %parallel_loop3A_550 = arith.addf %parallel_loop3A_548, %parallel_loop3A_549 : vector<16xf32>
          %parallel_loop3A_551 = arith.mulf %parallel_loop3A_550, %parallel_loop3A_542 : vector<16xf32>
          %parallel_loop3A_552 = arith.addf %parallel_loop3A_526, %parallel_loop3A_551 : vector<16xf32>
          scf.yield %parallel_loop3A_547, %parallel_loop3A_552 : vector<16xf32>, vector<16xf32>
        } {sc.loop_unroll_factor = 1 : i64, sc.parallel_access}
        %add3A_337 = arith.addf %parallel_loop3A_336#0, %parallel_loop3A_336#1 : vector<16xf32>
        %mul3A_338 = arith.constant 16 : i32
        %mul3A_339 = arith.muli %scan3A_326, %mul3A_338 : i32
        %add3A_340 = arith.addi %mul3A_174, %mul3A_339 : i32
        %swap3A = arith.index_cast %add3A_340 : i32 to index
        %swap3A_341 = tpu.vector_load %arg37[%swap3A] {strides = array<i32>} : memref<512xf32, #tpu.memory_space<vmem>>, vector<16xf32>,
        tpu.vector_store %arg37[%swap3A], %add3A_337 {strides = array<i32>} : memref<512xf32, #tpu.memory_space<vmem>>, vector<16xf32>,
      }
      %scan3A_180 = arith.constant 2 : i32
      %add3A_181 = arith.constant 4 : i32
      %add3A_182 = arith.addi %add3A_142, %add3A_181 : i32
      %lt3A = arith.constant 16 : i32
      %lt3A_183 = arith.cmpi slt, %add3A_182, %lt3A : i32
      %convert_element_type3A = arith.extui %lt3A_183 : i1 to i32
      %cond3A = arith.constant 0 : i32
      %cond3A_184 = arith.cmpi ne, %convert_element_type3A, %cond3A : i32
      scf.if %cond3A_184 {
        %add3A_326 = arith.constant 4 : i32
        %add3A_327 = arith.addi %add3A_142, %add3A_326 : i32
        %mul3A_328 = arith.constant 32 : i32
        %mul3A_329 = arith.muli %add3A_327, %mul3A_328 : i32
        %dma_start3A_330 = tpu.memref_slice %arg10[%mul3A_329] : memref<512xi32, #tpu.memory_space<vmem>> -> memref<32xi32, #tpu.memory_space<vmem>>
        %dma_start3A_331 = arith.constant 0 : i32
        %dma_start3A_332 = arith.constant 0 : i32
        %dma_start3A_333 = tpu.memref_slice %arg5[%dma_start3A_331, %dma_start3A_332] : memref<100000x128xf32, #tpu.memory_space<hbm>> -> memref<100000x128xf32, #tpu.memory_space<hbm>>
        tpu.enqueue_indirect_dma source(%dma_start3A_333 : memref<100000x128xf32, #tpu.memory_space<hbm>>) target(%arg13 : memref<32x128xf32, #tpu.memory_space<vmem>>) offsets(%dma_start3A_330 : memref<32xi32, #tpu.memory_space<vmem>>) semaphore(%arg38 : memref<!tpu.dma_semaphore, #tpu.memory_space<semaphore_mem>>)
        %dma_start3A_334 = tpu.memref_slice %arg10[%mul3A_329] : memref<512xi32, #tpu.memory_space<vmem>> -> memref<32xi32, #tpu.memory_space<vmem>>
        %dma_start3A_335 = arith.constant 0 : i32
        %dma_start3A_336 = arith.constant 0 : i32
        %dma_start3A_337 = tpu.memref_slice %arg6[%dma_start3A_335, %dma_start3A_336] : memref<100000x128xf32, #tpu.memory_space<hbm>> -> memref<100000x128xf32, #tpu.memory_space<hbm>>
        tpu.enqueue_indirect_dma source(%dma_start3A_337 : memref<100000x128xf32, #tpu.memory_space<hbm>>) target(%arg14 : memref<32x128xf32, #tpu.memory_space<vmem>>) offsets(%dma_start3A_334 : memref<32xi32, #tpu.memory_space<vmem>>) semaphore(%arg38 : memref<!tpu.dma_semaphore, #tpu.memory_space<semaphore_mem>>)
        %dma_start3A_338 = tpu.memref_slice %arg11[%mul3A_329] : memref<512xi32, #tpu.memory_space<vmem>> -> memref<32xi32, #tpu.memory_space<vmem>>
        %dma_start3A_339 = arith.constant 0 : i32
        %dma_start3A_340 = arith.constant 0 : i32
        %dma_start3A_341 = tpu.memref_slice %arg7[%dma_start3A_339, %dma_start3A_340] : memref<1000x128xf32, #tpu.memory_space<hbm>> -> memref<1000x128xf32, #tpu.memory_space<hbm>>
        tpu.enqueue_indirect_dma source(%dma_start3A_341 : memref<1000x128xf32, #tpu.memory_space<hbm>>) target(%arg15 : memref<32x128xf32, #tpu.memory_space<vmem>>) offsets(%dma_start3A_338 : memref<32xi32, #tpu.memory_space<vmem>>) semaphore(%arg38 : memref<!tpu.dma_semaphore, #tpu.memory_space<semaphore_mem>>)
        %dma_start3A_342 = tpu.memref_slice %arg11[%mul3A_329] : memref<512xi32, #tpu.memory_space<vmem>> -> memref<32xi32, #tpu.memory_space<vmem>>
        %dma_start3A_343 = arith.constant 0 : i32
        %dma_start3A_344 = arith.constant 0 : i32
        %dma_start3A_345 = tpu.memref_slice %arg8[%dma_start3A_343, %dma_start3A_344] : memref<1000x128xf32, #tpu.memory_space<hbm>> -> memref<1000x128xf32, #tpu.memory_space<hbm>>
        tpu.enqueue_indirect_dma source(%dma_start3A_345 : memref<1000x128xf32, #tpu.memory_space<hbm>>) target(%arg16 : memref<32x128xf32, #tpu.memory_space<vmem>>) offsets(%dma_start3A_342 : memref<32xi32, #tpu.memory_space<vmem>>) semaphore(%arg38 : memref<!tpu.dma_semaphore, #tpu.memory_space<semaphore_mem>>)
        %dma_start3A_346 = tpu.memref_slice %arg12[%mul3A_329] : memref<512xi32, #tpu.memory_space<vmem>> -> memref<32xi32, #tpu.memory_space<vmem>>
        %dma_start3A_347 = arith.constant 0 : i32
        %dma_start3A_348 = arith.constant 0 : i32
        %dma_start3A_349 = tpu.memref_slice %arg5[%dma_start3A_347, %dma_start3A_348] : memref<100000x128xf32, #tpu.memory_space<hbm>> -> memref<100000x128xf32, #tpu.memory_space<hbm>>
        tpu.enqueue_indirect_dma source(%dma_start3A_349 : memref<100000x128xf32, #tpu.memory_space<hbm>>) target(%arg17 : memref<32x128xf32, #tpu.memory_space<vmem>>) offsets(%dma_start3A_346 : memref<32xi32, #tpu.memory_space<vmem>>) semaphore(%arg38 : memref<!tpu.dma_semaphore, #tpu.memory_space<semaphore_mem>>)
        %dma_start3A_350 = tpu.memref_slice %arg12[%mul3A_329] : memref<512xi32, #tpu.memory_space<vmem>> -> memref<32xi32, #tpu.memory_space<vmem>>
        %dma_start3A_351 = arith.constant 0 : i32
        %dma_start3A_352 = arith.constant 0 : i32
        %dma_start3A_353 = tpu.memref_slice %arg6[%dma_start3A_351, %dma_start3A_352] : memref<100000x128xf32, #tpu.memory_space<hbm>> -> memref<100000x128xf32, #tpu.memory_space<hbm>>
        tpu.enqueue_indirect_dma source(%dma_start3A_353 : memref<100000x128xf32, #tpu.memory_space<hbm>>) target(%arg18 : memref<32x128xf32, #tpu.memory_space<vmem>>) offsets(%dma_start3A_350 : memref<32xi32, #tpu.memory_space<vmem>>) semaphore(%arg38 : memref<!tpu.dma_semaphore, #tpu.memory_space<semaphore_mem>>)
      } else {
      }
      %add3A_185 = arith.constant 1 : i32
      %add3A_186 = arith.addi %mul3A_140, %add3A_185 : i32
      %dma_wait3A_187 = arith.constant 0 : i32
      %dma_wait3A_188 = tpu.memref_slice %arg10[%dma_wait3A_187] : memref<512xi32, #tpu.memory_space<vmem>> -> memref<32xi32, #tpu.memory_space<vmem>>
      %dma_wait3A_189 = arith.constant 0 : i32
      %dma_wait3A_190 = arith.constant 0 : i32
      %dma_wait3A_191 = tpu.memref_slice %arg5[%dma_wait3A_189, %dma_wait3A_190] : memref<100000x128xf32, #tpu.memory_space<hbm>> -> memref<100000x128xf32, #tpu.memory_space<hbm>>
      tpu.wait_indirect_dma semaphore(%arg39 : memref<!tpu.dma_semaphore, #tpu.memory_space<semaphore_mem>>) src(%dma_wait3A_191 : memref<100000x128xf32, #tpu.memory_space<hbm>>) dst(%arg19 : memref<32x128xf32, #tpu.memory_space<vmem>>)
      %dma_wait3A_192 = arith.constant 0 : i32
      %dma_wait3A_193 = tpu.memref_slice %arg10[%dma_wait3A_192] : memref<512xi32, #tpu.memory_space<vmem>> -> memref<32xi32, #tpu.memory_space<vmem>>
      %dma_wait3A_194 = arith.constant 0 : i32
      %dma_wait3A_195 = arith.constant 0 : i32
      %dma_wait3A_196 = tpu.memref_slice %arg6[%dma_wait3A_194, %dma_wait3A_195] : memref<100000x128xf32, #tpu.memory_space<hbm>> -> memref<100000x128xf32, #tpu.memory_space<hbm>>
      tpu.wait_indirect_dma semaphore(%arg39 : memref<!tpu.dma_semaphore, #tpu.memory_space<semaphore_mem>>) src(%dma_wait3A_196 : memref<100000x128xf32, #tpu.memory_space<hbm>>) dst(%arg20 : memref<32x128xf32, #tpu.memory_space<vmem>>)
      %dma_wait3A_197 = arith.constant 0 : i32
      %dma_wait3A_198 = tpu.memref_slice %arg10[%dma_wait3A_197] : memref<512xi32, #tpu.memory_space<vmem>> -> memref<32xi32, #tpu.memory_space<vmem>>
      %dma_wait3A_199 = arith.constant 0 : i32
      %dma_wait3A_200 = arith.constant 0 : i32
      %dma_wait3A_201 = tpu.memref_slice %arg7[%dma_wait3A_199, %dma_wait3A_200] : memref<1000x128xf32, #tpu.memory_space<hbm>> -> memref<1000x128xf32, #tpu.memory_space<hbm>>
      tpu.wait_indirect_dma semaphore(%arg39 : memref<!tpu.dma_semaphore, #tpu.memory_space<semaphore_mem>>) src(%dma_wait3A_201 : memref<1000x128xf32, #tpu.memory_space<hbm>>) dst(%arg21 : memref<32x128xf32, #tpu.memory_space<vmem>>)
      %dma_wait3A_202 = arith.constant 0 : i32
      %dma_wait3A_203 = tpu.memref_slice %arg10[%dma_wait3A_202] : memref<512xi32, #tpu.memory_space<vmem>> -> memref<32xi32, #tpu.memory_space<vmem>>
      %dma_wait3A_204 = arith.constant 0 : i32
      %dma_wait3A_205 = arith.constant 0 : i32
      %dma_wait3A_206 = tpu.memref_slice %arg8[%dma_wait3A_204, %dma_wait3A_205] : memref<1000x128xf32, #tpu.memory_space<hbm>> -> memref<1000x128xf32, #tpu.memory_space<hbm>>
      tpu.wait_indirect_dma semaphore(%arg39 : memref<!tpu.dma_semaphore, #tpu.memory_space<semaphore_mem>>) src(%dma_wait3A_206 : memref<1000x128xf32, #tpu.memory_space<hbm>>) dst(%arg22 : memref<32x128xf32, #tpu.memory_space<vmem>>)
      %dma_wait3A_207 = arith.constant 0 : i32
      %dma_wait3A_208 = tpu.memref_slice %arg10[%dma_wait3A_207] : memref<512xi32, #tpu.memory_space<vmem>> -> memref<32xi32, #tpu.memory_space<vmem>>
      %dma_wait3A_209 = arith.constant 0 : i32
      %dma_wait3A_210 = arith.constant 0 : i32
      %dma_wait3A_211 = tpu.memref_slice %arg5[%dma_wait3A_209, %dma_wait3A_210] : memref<100000x128xf32, #tpu.memory_space<hbm>> -> memref<100000x128xf32, #tpu.memory_space<hbm>>
      tpu.wait_indirect_dma semaphore(%arg39 : memref<!tpu.dma_semaphore, #tpu.memory_space<semaphore_mem>>) src(%dma_wait3A_211 : memref<100000x128xf32, #tpu.memory_space<hbm>>) dst(%arg23 : memref<32x128xf32, #tpu.memory_space<vmem>>)
      %dma_wait3A_212 = arith.constant 0 : i32
      %dma_wait3A_213 = tpu.memref_slice %arg10[%dma_wait3A_212] : memref<512xi32, #tpu.memory_space<vmem>> -> memref<32xi32, #tpu.memory_space<vmem>>
      %dma_wait3A_214 = arith.constant 0 : i32
      %dma_wait3A_215 = arith.constant 0 : i32
      %dma_wait3A_216 = tpu.memref_slice %arg6[%dma_wait3A_214, %dma_wait3A_215] : memref<100000x128xf32, #tpu.memory_space<hbm>> -> memref<100000x128xf32, #tpu.memory_space<hbm>>
      tpu.wait_indirect_dma semaphore(%arg39 : memref<!tpu.dma_semaphore, #tpu.memory_space<semaphore_mem>>) src(%dma_wait3A_216 : memref<100000x128xf32, #tpu.memory_space<hbm>>) dst(%arg24 : memref<32x128xf32, #tpu.memory_space<vmem>>)
      %mul3A_217 = arith.constant 32 : i32
      %mul3A_218 = arith.muli %add3A_186, %mul3A_217 : i32
      %scan3A_219 = arith.constant 0 : i32
      %scan3A_220 = arith.constant 0 : i32
      %scan3A_221 = arith.constant 2 : i32
      %scan3A_222 = arith.addi %scan3A_220, %scan3A_221 : i32
      %scan3A_223 = arith.constant 1 : i32
      scf.for %scan3A_326 = %scan3A_220 to %scan3A_222 step %scan3A_223  : i32 {
        %mul3A_327 = arith.constant 16 : i32
        %mul3A_328 = arith.muli %scan3A_326, %mul3A_327 : i32
        %add3A_329 = vector.broadcast %mul3A_328 : i32 to vector<16xi32>
        %add3A_330 = arith.addi %add3A_329, %iota3A : vector<16xi32>
        %broadcast_in_dim3A = arith.constant 0.000000e+00 : f32
        %broadcast_in_dim3A_331 = vector.broadcast %broadcast_in_dim3A : f32 to vector<16xf32>
        %broadcast_in_dim3A_332 = arith.constant 0.000000e+00 : f32
        %broadcast_in_dim3A_333 = vector.broadcast %broadcast_in_dim3A_332 : f32 to vector<16xf32>
        %parallel_loop3A = arith.constant 0 : i32
        %parallel_loop3A_334 = arith.constant 128 : i32
        %parallel_loop3A_335 = arith.constant 8 : i32
        %parallel_loop3A_336:2 = scf.for %parallel_loop3A_342 = %parallel_loop3A to %parallel_loop3A_334 step %parallel_loop3A_335 iter_args(%parallel_loop3A_343 = %broadcast_in_dim3A_331, %parallel_loop3A_344 = %broadcast_in_dim3A_333) -> (vector<16xf32>, vector<16xf32>)  : i32 {
          %parallel_loop3A_345 = arith.constant 9 : i32
          %parallel_loop3A_346 = vector.broadcast %parallel_loop3A_345 : i32 to vector<16xi32>
          %parallel_loop3A_347 = arith.muli %iota3A, %parallel_loop3A_346 : vector<16xi32>
          %parallel_loop3A_348 = arith.constant 0 : i32
          %parallel_loop3A_349 = arith.addi %parallel_loop3A_342, %parallel_loop3A_348 : i32
          %parallel_loop3A_350 = vector.broadcast %parallel_loop3A_349 : i32 to vector<16xi32>
          %parallel_loop3A_351 = arith.addi %parallel_loop3A_347, %parallel_loop3A_350 : vector<16xi32>
          %parallel_loop3A_352 = arith.constant 127 : i32
          %parallel_loop3A_353 = vector.broadcast %parallel_loop3A_352 : i32 to vector<16xi32>
          %parallel_loop3A_354 = arith.andi %parallel_loop3A_351, %parallel_loop3A_353 : vector<16xi32>
          %parallel_loop3A_355 = tpu.vector_load_idx %arg19[%add3A_330, %parallel_loop3A_354] : memref<32x128xf32, #tpu.memory_space<vmem>>[vector<16xi32>, vector<16xi32>], vector<16xf32>,
          %parallel_loop3A_356 = tpu.vector_load_idx %arg20[%add3A_330, %parallel_loop3A_354] : memref<32x128xf32, #tpu.memory_space<vmem>>[vector<16xi32>, vector<16xi32>], vector<16xf32>,
          %parallel_loop3A_357 = tpu.vector_load_idx %arg21[%add3A_330, %parallel_loop3A_354] : memref<32x128xf32, #tpu.memory_space<vmem>>[vector<16xi32>, vector<16xi32>], vector<16xf32>,
          %parallel_loop3A_358 = tpu.vector_load_idx %arg22[%add3A_330, %parallel_loop3A_354] : memref<32x128xf32, #tpu.memory_space<vmem>>[vector<16xi32>, vector<16xi32>], vector<16xf32>,
          %parallel_loop3A_359 = tpu.vector_load_idx %arg23[%add3A_330, %parallel_loop3A_354] : memref<32x128xf32, #tpu.memory_space<vmem>>[vector<16xi32>, vector<16xi32>], vector<16xf32>,
          %parallel_loop3A_360 = tpu.vector_load_idx %arg24[%add3A_330, %parallel_loop3A_354] : memref<32x128xf32, #tpu.memory_space<vmem>>[vector<16xi32>, vector<16xi32>], vector<16xf32>,
          %parallel_loop3A_361 = arith.mulf %parallel_loop3A_355, %parallel_loop3A_357 : vector<16xf32>
          %parallel_loop3A_362 = arith.mulf %parallel_loop3A_356, %parallel_loop3A_358 : vector<16xf32>
          %parallel_loop3A_363 = arith.subf %parallel_loop3A_361, %parallel_loop3A_362 : vector<16xf32>
          %parallel_loop3A_364 = arith.mulf %parallel_loop3A_363, %parallel_loop3A_359 : vector<16xf32>
          %parallel_loop3A_365 = arith.addf %parallel_loop3A_343, %parallel_loop3A_364 : vector<16xf32>
          %parallel_loop3A_366 = arith.mulf %parallel_loop3A_355, %parallel_loop3A_358 : vector<16xf32>
          %parallel_loop3A_367 = arith.mulf %parallel_loop3A_356, %parallel_loop3A_357 : vector<16xf32>
          %parallel_loop3A_368 = arith.addf %parallel_loop3A_366, %parallel_loop3A_367 : vector<16xf32>
          %parallel_loop3A_369 = arith.mulf %parallel_loop3A_368, %parallel_loop3A_360 : vector<16xf32>
          %parallel_loop3A_370 = arith.addf %parallel_loop3A_344, %parallel_loop3A_369 : vector<16xf32>
          %parallel_loop3A_371 = arith.constant 9 : i32
          %parallel_loop3A_372 = vector.broadcast %parallel_loop3A_371 : i32 to vector<16xi32>
          %parallel_loop3A_373 = arith.muli %iota3A, %parallel_loop3A_372 : vector<16xi32>
          %parallel_loop3A_374 = arith.constant 1 : i32
          %parallel_loop3A_375 = arith.addi %parallel_loop3A_342, %parallel_loop3A_374 : i32
          %parallel_loop3A_376 = vector.broadcast %parallel_loop3A_375 : i32 to vector<16xi32>
          %parallel_loop3A_377 = arith.addi %parallel_loop3A_373, %parallel_loop3A_376 : vector<16xi32>
          %parallel_loop3A_378 = arith.constant 127 : i32
          %parallel_loop3A_379 = vector.broadcast %parallel_loop3A_378 : i32 to vector<16xi32>
          %parallel_loop3A_380 = arith.andi %parallel_loop3A_377, %parallel_loop3A_379 : vector<16xi32>
          %parallel_loop3A_381 = tpu.vector_load_idx %arg19[%add3A_330, %parallel_loop3A_380] : memref<32x128xf32, #tpu.memory_space<vmem>>[vector<16xi32>, vector<16xi32>], vector<16xf32>,
          %parallel_loop3A_382 = tpu.vector_load_idx %arg20[%add3A_330, %parallel_loop3A_380] : memref<32x128xf32, #tpu.memory_space<vmem>>[vector<16xi32>, vector<16xi32>], vector<16xf32>,
          %parallel_loop3A_383 = tpu.vector_load_idx %arg21[%add3A_330, %parallel_loop3A_380] : memref<32x128xf32, #tpu.memory_space<vmem>>[vector<16xi32>, vector<16xi32>], vector<16xf32>,
          %parallel_loop3A_384 = tpu.vector_load_idx %arg22[%add3A_330, %parallel_loop3A_380] : memref<32x128xf32, #tpu.memory_space<vmem>>[vector<16xi32>, vector<16xi32>], vector<16xf32>,
          %parallel_loop3A_385 = tpu.vector_load_idx %arg23[%add3A_330, %parallel_loop3A_380] : memref<32x128xf32, #tpu.memory_space<vmem>>[vector<16xi32>, vector<16xi32>], vector<16xf32>,
          %parallel_loop3A_386 = tpu.vector_load_idx %arg24[%add3A_330, %parallel_loop3A_380] : memref<32x128xf32, #tpu.memory_space<vmem>>[vector<16xi32>, vector<16xi32>], vector<16xf32>,
          %parallel_loop3A_387 = arith.mulf %parallel_loop3A_381, %parallel_loop3A_383 : vector<16xf32>
          %parallel_loop3A_388 = arith.mulf %parallel_loop3A_382, %parallel_loop3A_384 : vector<16xf32>
          %parallel_loop3A_389 = arith.subf %parallel_loop3A_387, %parallel_loop3A_388 : vector<16xf32>
          %parallel_loop3A_390 = arith.mulf %parallel_loop3A_389, %parallel_loop3A_385 : vector<16xf32>
          %parallel_loop3A_391 = arith.addf %parallel_loop3A_365, %parallel_loop3A_390 : vector<16xf32>
          %parallel_loop3A_392 = arith.mulf %parallel_loop3A_381, %parallel_loop3A_384 : vector<16xf32>
          %parallel_loop3A_393 = arith.mulf %parallel_loop3A_382, %parallel_loop3A_383 : vector<16xf32>
          %parallel_loop3A_394 = arith.addf %parallel_loop3A_392, %parallel_loop3A_393 : vector<16xf32>
          %parallel_loop3A_395 = arith.mulf %parallel_loop3A_394, %parallel_loop3A_386 : vector<16xf32>
          %parallel_loop3A_396 = arith.addf %parallel_loop3A_370, %parallel_loop3A_395 : vector<16xf32>
          %parallel_loop3A_397 = arith.constant 9 : i32
          %parallel_loop3A_398 = vector.broadcast %parallel_loop3A_397 : i32 to vector<16xi32>
          %parallel_loop3A_399 = arith.muli %iota3A, %parallel_loop3A_398 : vector<16xi32>
          %parallel_loop3A_400 = arith.constant 2 : i32
          %parallel_loop3A_401 = arith.addi %parallel_loop3A_342, %parallel_loop3A_400 : i32
          %parallel_loop3A_402 = vector.broadcast %parallel_loop3A_401 : i32 to vector<16xi32>
          %parallel_loop3A_403 = arith.addi %parallel_loop3A_399, %parallel_loop3A_402 : vector<16xi32>
          %parallel_loop3A_404 = arith.constant 127 : i32
          %parallel_loop3A_405 = vector.broadcast %parallel_loop3A_404 : i32 to vector<16xi32>
          %parallel_loop3A_406 = arith.andi %parallel_loop3A_403, %parallel_loop3A_405 : vector<16xi32>
          %parallel_loop3A_407 = tpu.vector_load_idx %arg19[%add3A_330, %parallel_loop3A_406] : memref<32x128xf32, #tpu.memory_space<vmem>>[vector<16xi32>, vector<16xi32>], vector<16xf32>,
          %parallel_loop3A_408 = tpu.vector_load_idx %arg20[%add3A_330, %parallel_loop3A_406] : memref<32x128xf32, #tpu.memory_space<vmem>>[vector<16xi32>, vector<16xi32>], vector<16xf32>,
          %parallel_loop3A_409 = tpu.vector_load_idx %arg21[%add3A_330, %parallel_loop3A_406] : memref<32x128xf32, #tpu.memory_space<vmem>>[vector<16xi32>, vector<16xi32>], vector<16xf32>,
          %parallel_loop3A_410 = tpu.vector_load_idx %arg22[%add3A_330, %parallel_loop3A_406] : memref<32x128xf32, #tpu.memory_space<vmem>>[vector<16xi32>, vector<16xi32>], vector<16xf32>,
          %parallel_loop3A_411 = tpu.vector_load_idx %arg23[%add3A_330, %parallel_loop3A_406] : memref<32x128xf32, #tpu.memory_space<vmem>>[vector<16xi32>, vector<16xi32>], vector<16xf32>,
          %parallel_loop3A_412 = tpu.vector_load_idx %arg24[%add3A_330, %parallel_loop3A_406] : memref<32x128xf32, #tpu.memory_space<vmem>>[vector<16xi32>, vector<16xi32>], vector<16xf32>,
          %parallel_loop3A_413 = arith.mulf %parallel_loop3A_407, %parallel_loop3A_409 : vector<16xf32>
          %parallel_loop3A_414 = arith.mulf %parallel_loop3A_408, %parallel_loop3A_410 : vector<16xf32>
          %parallel_loop3A_415 = arith.subf %parallel_loop3A_413, %parallel_loop3A_414 : vector<16xf32>
          %parallel_loop3A_416 = arith.mulf %parallel_loop3A_415, %parallel_loop3A_411 : vector<16xf32>
          %parallel_loop3A_417 = arith.addf %parallel_loop3A_391, %parallel_loop3A_416 : vector<16xf32>
          %parallel_loop3A_418 = arith.mulf %parallel_loop3A_407, %parallel_loop3A_410 : vector<16xf32>
          %parallel_loop3A_419 = arith.mulf %parallel_loop3A_408, %parallel_loop3A_409 : vector<16xf32>
          %parallel_loop3A_420 = arith.addf %parallel_loop3A_418, %parallel_loop3A_419 : vector<16xf32>
          %parallel_loop3A_421 = arith.mulf %parallel_loop3A_420, %parallel_loop3A_412 : vector<16xf32>
          %parallel_loop3A_422 = arith.addf %parallel_loop3A_396, %parallel_loop3A_421 : vector<16xf32>
          %parallel_loop3A_423 = arith.constant 9 : i32
          %parallel_loop3A_424 = vector.broadcast %parallel_loop3A_423 : i32 to vector<16xi32>
          %parallel_loop3A_425 = arith.muli %iota3A, %parallel_loop3A_424 : vector<16xi32>
          %parallel_loop3A_426 = arith.constant 3 : i32
          %parallel_loop3A_427 = arith.addi %parallel_loop3A_342, %parallel_loop3A_426 : i32
          %parallel_loop3A_428 = vector.broadcast %parallel_loop3A_427 : i32 to vector<16xi32>
          %parallel_loop3A_429 = arith.addi %parallel_loop3A_425, %parallel_loop3A_428 : vector<16xi32>
          %parallel_loop3A_430 = arith.constant 127 : i32
          %parallel_loop3A_431 = vector.broadcast %parallel_loop3A_430 : i32 to vector<16xi32>
          %parallel_loop3A_432 = arith.andi %parallel_loop3A_429, %parallel_loop3A_431 : vector<16xi32>
          %parallel_loop3A_433 = tpu.vector_load_idx %arg19[%add3A_330, %parallel_loop3A_432] : memref<32x128xf32, #tpu.memory_space<vmem>>[vector<16xi32>, vector<16xi32>], vector<16xf32>,
          %parallel_loop3A_434 = tpu.vector_load_idx %arg20[%add3A_330, %parallel_loop3A_432] : memref<32x128xf32, #tpu.memory_space<vmem>>[vector<16xi32>, vector<16xi32>], vector<16xf32>,
          %parallel_loop3A_435 = tpu.vector_load_idx %arg21[%add3A_330, %parallel_loop3A_432] : memref<32x128xf32, #tpu.memory_space<vmem>>[vector<16xi32>, vector<16xi32>], vector<16xf32>,
          %parallel_loop3A_436 = tpu.vector_load_idx %arg22[%add3A_330, %parallel_loop3A_432] : memref<32x128xf32, #tpu.memory_space<vmem>>[vector<16xi32>, vector<16xi32>], vector<16xf32>,
          %parallel_loop3A_437 = tpu.vector_load_idx %arg23[%add3A_330, %parallel_loop3A_432] : memref<32x128xf32, #tpu.memory_space<vmem>>[vector<16xi32>, vector<16xi32>], vector<16xf32>,
          %parallel_loop3A_438 = tpu.vector_load_idx %arg24[%add3A_330, %parallel_loop3A_432] : memref<32x128xf32, #tpu.memory_space<vmem>>[vector<16xi32>, vector<16xi32>], vector<16xf32>,
          %parallel_loop3A_439 = arith.mulf %parallel_loop3A_433, %parallel_loop3A_435 : vector<16xf32>
          %parallel_loop3A_440 = arith.mulf %parallel_loop3A_434, %parallel_loop3A_436 : vector<16xf32>
          %parallel_loop3A_441 = arith.subf %parallel_loop3A_439, %parallel_loop3A_440 : vector<16xf32>
          %parallel_loop3A_442 = arith.mulf %parallel_loop3A_441, %parallel_loop3A_437 : vector<16xf32>
          %parallel_loop3A_443 = arith.addf %parallel_loop3A_417, %parallel_loop3A_442 : vector<16xf32>
          %parallel_loop3A_444 = arith.mulf %parallel_loop3A_433, %parallel_loop3A_436 : vector<16xf32>
          %parallel_loop3A_445 = arith.mulf %parallel_loop3A_434, %parallel_loop3A_435 : vector<16xf32>
          %parallel_loop3A_446 = arith.addf %parallel_loop3A_444, %parallel_loop3A_445 : vector<16xf32>
          %parallel_loop3A_447 = arith.mulf %parallel_loop3A_446, %parallel_loop3A_438 : vector<16xf32>
          %parallel_loop3A_448 = arith.addf %parallel_loop3A_422, %parallel_loop3A_447 : vector<16xf32>
          %parallel_loop3A_449 = arith.constant 9 : i32
          %parallel_loop3A_450 = vector.broadcast %parallel_loop3A_449 : i32 to vector<16xi32>
          %parallel_loop3A_451 = arith.muli %iota3A, %parallel_loop3A_450 : vector<16xi32>
          %parallel_loop3A_452 = arith.constant 4 : i32
          %parallel_loop3A_453 = arith.addi %parallel_loop3A_342, %parallel_loop3A_452 : i32
          %parallel_loop3A_454 = vector.broadcast %parallel_loop3A_453 : i32 to vector<16xi32>
          %parallel_loop3A_455 = arith.addi %parallel_loop3A_451, %parallel_loop3A_454 : vector<16xi32>
          %parallel_loop3A_456 = arith.constant 127 : i32
          %parallel_loop3A_457 = vector.broadcast %parallel_loop3A_456 : i32 to vector<16xi32>
          %parallel_loop3A_458 = arith.andi %parallel_loop3A_455, %parallel_loop3A_457 : vector<16xi32>
          %parallel_loop3A_459 = tpu.vector_load_idx %arg19[%add3A_330, %parallel_loop3A_458] : memref<32x128xf32, #tpu.memory_space<vmem>>[vector<16xi32>, vector<16xi32>], vector<16xf32>,
          %parallel_loop3A_460 = tpu.vector_load_idx %arg20[%add3A_330, %parallel_loop3A_458] : memref<32x128xf32, #tpu.memory_space<vmem>>[vector<16xi32>, vector<16xi32>], vector<16xf32>,
          %parallel_loop3A_461 = tpu.vector_load_idx %arg21[%add3A_330, %parallel_loop3A_458] : memref<32x128xf32, #tpu.memory_space<vmem>>[vector<16xi32>, vector<16xi32>], vector<16xf32>,
          %parallel_loop3A_462 = tpu.vector_load_idx %arg22[%add3A_330, %parallel_loop3A_458] : memref<32x128xf32, #tpu.memory_space<vmem>>[vector<16xi32>, vector<16xi32>], vector<16xf32>,
          %parallel_loop3A_463 = tpu.vector_load_idx %arg23[%add3A_330, %parallel_loop3A_458] : memref<32x128xf32, #tpu.memory_space<vmem>>[vector<16xi32>, vector<16xi32>], vector<16xf32>,
          %parallel_loop3A_464 = tpu.vector_load_idx %arg24[%add3A_330, %parallel_loop3A_458] : memref<32x128xf32, #tpu.memory_space<vmem>>[vector<16xi32>, vector<16xi32>], vector<16xf32>,
          %parallel_loop3A_465 = arith.mulf %parallel_loop3A_459, %parallel_loop3A_461 : vector<16xf32>
          %parallel_loop3A_466 = arith.mulf %parallel_loop3A_460, %parallel_loop3A_462 : vector<16xf32>
          %parallel_loop3A_467 = arith.subf %parallel_loop3A_465, %parallel_loop3A_466 : vector<16xf32>
          %parallel_loop3A_468 = arith.mulf %parallel_loop3A_467, %parallel_loop3A_463 : vector<16xf32>
          %parallel_loop3A_469 = arith.addf %parallel_loop3A_443, %parallel_loop3A_468 : vector<16xf32>
          %parallel_loop3A_470 = arith.mulf %parallel_loop3A_459, %parallel_loop3A_462 : vector<16xf32>
          %parallel_loop3A_471 = arith.mulf %parallel_loop3A_460, %parallel_loop3A_461 : vector<16xf32>
          %parallel_loop3A_472 = arith.addf %parallel_loop3A_470, %parallel_loop3A_471 : vector<16xf32>
          %parallel_loop3A_473 = arith.mulf %parallel_loop3A_472, %parallel_loop3A_464 : vector<16xf32>
          %parallel_loop3A_474 = arith.addf %parallel_loop3A_448, %parallel_loop3A_473 : vector<16xf32>
          %parallel_loop3A_475 = arith.constant 9 : i32
          %parallel_loop3A_476 = vector.broadcast %parallel_loop3A_475 : i32 to vector<16xi32>
          %parallel_loop3A_477 = arith.muli %iota3A, %parallel_loop3A_476 : vector<16xi32>
          %parallel_loop3A_478 = arith.constant 5 : i32
          %parallel_loop3A_479 = arith.addi %parallel_loop3A_342, %parallel_loop3A_478 : i32
          %parallel_loop3A_480 = vector.broadcast %parallel_loop3A_479 : i32 to vector<16xi32>
          %parallel_loop3A_481 = arith.addi %parallel_loop3A_477, %parallel_loop3A_480 : vector<16xi32>
          %parallel_loop3A_482 = arith.constant 127 : i32
          %parallel_loop3A_483 = vector.broadcast %parallel_loop3A_482 : i32 to vector<16xi32>
          %parallel_loop3A_484 = arith.andi %parallel_loop3A_481, %parallel_loop3A_483 : vector<16xi32>
          %parallel_loop3A_485 = tpu.vector_load_idx %arg19[%add3A_330, %parallel_loop3A_484] : memref<32x128xf32, #tpu.memory_space<vmem>>[vector<16xi32>, vector<16xi32>], vector<16xf32>,
          %parallel_loop3A_486 = tpu.vector_load_idx %arg20[%add3A_330, %parallel_loop3A_484] : memref<32x128xf32, #tpu.memory_space<vmem>>[vector<16xi32>, vector<16xi32>], vector<16xf32>,
          %parallel_loop3A_487 = tpu.vector_load_idx %arg21[%add3A_330, %parallel_loop3A_484] : memref<32x128xf32, #tpu.memory_space<vmem>>[vector<16xi32>, vector<16xi32>], vector<16xf32>,
          %parallel_loop3A_488 = tpu.vector_load_idx %arg22[%add3A_330, %parallel_loop3A_484] : memref<32x128xf32, #tpu.memory_space<vmem>>[vector<16xi32>, vector<16xi32>], vector<16xf32>,
          %parallel_loop3A_489 = tpu.vector_load_idx %arg23[%add3A_330, %parallel_loop3A_484] : memref<32x128xf32, #tpu.memory_space<vmem>>[vector<16xi32>, vector<16xi32>], vector<16xf32>,
          %parallel_loop3A_490 = tpu.vector_load_idx %arg24[%add3A_330, %parallel_loop3A_484] : memref<32x128xf32, #tpu.memory_space<vmem>>[vector<16xi32>, vector<16xi32>], vector<16xf32>,
          %parallel_loop3A_491 = arith.mulf %parallel_loop3A_485, %parallel_loop3A_487 : vector<16xf32>
          %parallel_loop3A_492 = arith.mulf %parallel_loop3A_486, %parallel_loop3A_488 : vector<16xf32>
          %parallel_loop3A_493 = arith.subf %parallel_loop3A_491, %parallel_loop3A_492 : vector<16xf32>
          %parallel_loop3A_494 = arith.mulf %parallel_loop3A_493, %parallel_loop3A_489 : vector<16xf32>
          %parallel_loop3A_495 = arith.addf %parallel_loop3A_469, %parallel_loop3A_494 : vector<16xf32>
          %parallel_loop3A_496 = arith.mulf %parallel_loop3A_485, %parallel_loop3A_488 : vector<16xf32>
          %parallel_loop3A_497 = arith.mulf %parallel_loop3A_486, %parallel_loop3A_487 : vector<16xf32>
          %parallel_loop3A_498 = arith.addf %parallel_loop3A_496, %parallel_loop3A_497 : vector<16xf32>
          %parallel_loop3A_499 = arith.mulf %parallel_loop3A_498, %parallel_loop3A_490 : vector<16xf32>
          %parallel_loop3A_500 = arith.addf %parallel_loop3A_474, %parallel_loop3A_499 : vector<16xf32>
          %parallel_loop3A_501 = arith.constant 9 : i32
          %parallel_loop3A_502 = vector.broadcast %parallel_loop3A_501 : i32 to vector<16xi32>
          %parallel_loop3A_503 = arith.muli %iota3A, %parallel_loop3A_502 : vector<16xi32>
          %parallel_loop3A_504 = arith.constant 6 : i32
          %parallel_loop3A_505 = arith.addi %parallel_loop3A_342, %parallel_loop3A_504 : i32
          %parallel_loop3A_506 = vector.broadcast %parallel_loop3A_505 : i32 to vector<16xi32>
          %parallel_loop3A_507 = arith.addi %parallel_loop3A_503, %parallel_loop3A_506 : vector<16xi32>
          %parallel_loop3A_508 = arith.constant 127 : i32
          %parallel_loop3A_509 = vector.broadcast %parallel_loop3A_508 : i32 to vector<16xi32>
          %parallel_loop3A_510 = arith.andi %parallel_loop3A_507, %parallel_loop3A_509 : vector<16xi32>
          %parallel_loop3A_511 = tpu.vector_load_idx %arg19[%add3A_330, %parallel_loop3A_510] : memref<32x128xf32, #tpu.memory_space<vmem>>[vector<16xi32>, vector<16xi32>], vector<16xf32>,
          %parallel_loop3A_512 = tpu.vector_load_idx %arg20[%add3A_330, %parallel_loop3A_510] : memref<32x128xf32, #tpu.memory_space<vmem>>[vector<16xi32>, vector<16xi32>], vector<16xf32>,
          %parallel_loop3A_513 = tpu.vector_load_idx %arg21[%add3A_330, %parallel_loop3A_510] : memref<32x128xf32, #tpu.memory_space<vmem>>[vector<16xi32>, vector<16xi32>], vector<16xf32>,
          %parallel_loop3A_514 = tpu.vector_load_idx %arg22[%add3A_330, %parallel_loop3A_510] : memref<32x128xf32, #tpu.memory_space<vmem>>[vector<16xi32>, vector<16xi32>], vector<16xf32>,
          %parallel_loop3A_515 = tpu.vector_load_idx %arg23[%add3A_330, %parallel_loop3A_510] : memref<32x128xf32, #tpu.memory_space<vmem>>[vector<16xi32>, vector<16xi32>], vector<16xf32>,
          %parallel_loop3A_516 = tpu.vector_load_idx %arg24[%add3A_330, %parallel_loop3A_510] : memref<32x128xf32, #tpu.memory_space<vmem>>[vector<16xi32>, vector<16xi32>], vector<16xf32>,
          %parallel_loop3A_517 = arith.mulf %parallel_loop3A_511, %parallel_loop3A_513 : vector<16xf32>
          %parallel_loop3A_518 = arith.mulf %parallel_loop3A_512, %parallel_loop3A_514 : vector<16xf32>
          %parallel_loop3A_519 = arith.subf %parallel_loop3A_517, %parallel_loop3A_518 : vector<16xf32>
          %parallel_loop3A_520 = arith.mulf %parallel_loop3A_519, %parallel_loop3A_515 : vector<16xf32>
          %parallel_loop3A_521 = arith.addf %parallel_loop3A_495, %parallel_loop3A_520 : vector<16xf32>
          %parallel_loop3A_522 = arith.mulf %parallel_loop3A_511, %parallel_loop3A_514 : vector<16xf32>
          %parallel_loop3A_523 = arith.mulf %parallel_loop3A_512, %parallel_loop3A_513 : vector<16xf32>
          %parallel_loop3A_524 = arith.addf %parallel_loop3A_522, %parallel_loop3A_523 : vector<16xf32>
          %parallel_loop3A_525 = arith.mulf %parallel_loop3A_524, %parallel_loop3A_516 : vector<16xf32>
          %parallel_loop3A_526 = arith.addf %parallel_loop3A_500, %parallel_loop3A_525 : vector<16xf32>
          %parallel_loop3A_527 = arith.constant 9 : i32
          %parallel_loop3A_528 = vector.broadcast %parallel_loop3A_527 : i32 to vector<16xi32>
          %parallel_loop3A_529 = arith.muli %iota3A, %parallel_loop3A_528 : vector<16xi32>
          %parallel_loop3A_530 = arith.constant 7 : i32
          %parallel_loop3A_531 = arith.addi %parallel_loop3A_342, %parallel_loop3A_530 : i32
          %parallel_loop3A_532 = vector.broadcast %parallel_loop3A_531 : i32 to vector<16xi32>
          %parallel_loop3A_533 = arith.addi %parallel_loop3A_529, %parallel_loop3A_532 : vector<16xi32>
          %parallel_loop3A_534 = arith.constant 127 : i32
          %parallel_loop3A_535 = vector.broadcast %parallel_loop3A_534 : i32 to vector<16xi32>
          %parallel_loop3A_536 = arith.andi %parallel_loop3A_533, %parallel_loop3A_535 : vector<16xi32>
          %parallel_loop3A_537 = tpu.vector_load_idx %arg19[%add3A_330, %parallel_loop3A_536] : memref<32x128xf32, #tpu.memory_space<vmem>>[vector<16xi32>, vector<16xi32>], vector<16xf32>,
          %parallel_loop3A_538 = tpu.vector_load_idx %arg20[%add3A_330, %parallel_loop3A_536] : memref<32x128xf32, #tpu.memory_space<vmem>>[vector<16xi32>, vector<16xi32>], vector<16xf32>,
          %parallel_loop3A_539 = tpu.vector_load_idx %arg21[%add3A_330, %parallel_loop3A_536] : memref<32x128xf32, #tpu.memory_space<vmem>>[vector<16xi32>, vector<16xi32>], vector<16xf32>,
          %parallel_loop3A_540 = tpu.vector_load_idx %arg22[%add3A_330, %parallel_loop3A_536] : memref<32x128xf32, #tpu.memory_space<vmem>>[vector<16xi32>, vector<16xi32>], vector<16xf32>,
          %parallel_loop3A_541 = tpu.vector_load_idx %arg23[%add3A_330, %parallel_loop3A_536] : memref<32x128xf32, #tpu.memory_space<vmem>>[vector<16xi32>, vector<16xi32>], vector<16xf32>,
          %parallel_loop3A_542 = tpu.vector_load_idx %arg24[%add3A_330, %parallel_loop3A_536] : memref<32x128xf32, #tpu.memory_space<vmem>>[vector<16xi32>, vector<16xi32>], vector<16xf32>,
          %parallel_loop3A_543 = arith.mulf %parallel_loop3A_537, %parallel_loop3A_539 : vector<16xf32>
          %parallel_loop3A_544 = arith.mulf %parallel_loop3A_538, %parallel_loop3A_540 : vector<16xf32>
          %parallel_loop3A_545 = arith.subf %parallel_loop3A_543, %parallel_loop3A_544 : vector<16xf32>
          %parallel_loop3A_546 = arith.mulf %parallel_loop3A_545, %parallel_loop3A_541 : vector<16xf32>
          %parallel_loop3A_547 = arith.addf %parallel_loop3A_521, %parallel_loop3A_546 : vector<16xf32>
          %parallel_loop3A_548 = arith.mulf %parallel_loop3A_537, %parallel_loop3A_540 : vector<16xf32>
          %parallel_loop3A_549 = arith.mulf %parallel_loop3A_538, %parallel_loop3A_539 : vector<16xf32>
          %parallel_loop3A_550 = arith.addf %parallel_loop3A_548, %parallel_loop3A_549 : vector<16xf32>
          %parallel_loop3A_551 = arith.mulf %parallel_loop3A_550, %parallel_loop3A_542 : vector<16xf32>
          %parallel_loop3A_552 = arith.addf %parallel_loop3A_526, %parallel_loop3A_551 : vector<16xf32>
          scf.yield %parallel_loop3A_547, %parallel_loop3A_552 : vector<16xf32>, vector<16xf32>
        } {sc.loop_unroll_factor = 1 : i64, sc.parallel_access}
        %add3A_337 = arith.addf %parallel_loop3A_336#0, %parallel_loop3A_336#1 : vector<16xf32>
        %mul3A_338 = arith.constant 16 : i32
        %mul3A_339 = arith.muli %scan3A_326, %mul3A_338 : i32
        %add3A_340 = arith.addi %mul3A_218, %mul3A_339 : i32
        %swap3A = arith.index_cast %add3A_340 : i32 to index
        %swap3A_341 = tpu.vector_load %arg37[%swap3A] {strides = array<i32>} : memref<512xf32, #tpu.memory_space<vmem>>, vector<16xf32>,
        tpu.vector_store %arg37[%swap3A], %add3A_337 {strides = array<i32>} : memref<512xf32, #tpu.memory_space<vmem>>, vector<16xf32>,
      }
      %scan3A_224 = arith.constant 2 : i32
      %add3A_225 = arith.constant 4 : i32
      %add3A_226 = arith.addi %add3A_186, %add3A_225 : i32
      %lt3A_227 = arith.constant 16 : i32
      %lt3A_228 = arith.cmpi slt, %add3A_226, %lt3A_227 : i32
      %convert_element_type3A_229 = arith.extui %lt3A_228 : i1 to i32
      %cond3A_230 = arith.constant 0 : i32
      %cond3A_231 = arith.cmpi ne, %convert_element_type3A_229, %cond3A_230 : i32
      scf.if %cond3A_231 {
        %add3A_326 = arith.constant 4 : i32
        %add3A_327 = arith.addi %add3A_186, %add3A_326 : i32
        %mul3A_328 = arith.constant 32 : i32
        %mul3A_329 = arith.muli %add3A_327, %mul3A_328 : i32
        %dma_start3A_330 = tpu.memref_slice %arg10[%mul3A_329] : memref<512xi32, #tpu.memory_space<vmem>> -> memref<32xi32, #tpu.memory_space<vmem>>
        %dma_start3A_331 = arith.constant 0 : i32
        %dma_start3A_332 = arith.constant 0 : i32
        %dma_start3A_333 = tpu.memref_slice %arg5[%dma_start3A_331, %dma_start3A_332] : memref<100000x128xf32, #tpu.memory_space<hbm>> -> memref<100000x128xf32, #tpu.memory_space<hbm>>
        tpu.enqueue_indirect_dma source(%dma_start3A_333 : memref<100000x128xf32, #tpu.memory_space<hbm>>) target(%arg19 : memref<32x128xf32, #tpu.memory_space<vmem>>) offsets(%dma_start3A_330 : memref<32xi32, #tpu.memory_space<vmem>>) semaphore(%arg39 : memref<!tpu.dma_semaphore, #tpu.memory_space<semaphore_mem>>)
        %dma_start3A_334 = tpu.memref_slice %arg10[%mul3A_329] : memref<512xi32, #tpu.memory_space<vmem>> -> memref<32xi32, #tpu.memory_space<vmem>>
        %dma_start3A_335 = arith.constant 0 : i32
        %dma_start3A_336 = arith.constant 0 : i32
        %dma_start3A_337 = tpu.memref_slice %arg6[%dma_start3A_335, %dma_start3A_336] : memref<100000x128xf32, #tpu.memory_space<hbm>> -> memref<100000x128xf32, #tpu.memory_space<hbm>>
        tpu.enqueue_indirect_dma source(%dma_start3A_337 : memref<100000x128xf32, #tpu.memory_space<hbm>>) target(%arg20 : memref<32x128xf32, #tpu.memory_space<vmem>>) offsets(%dma_start3A_334 : memref<32xi32, #tpu.memory_space<vmem>>) semaphore(%arg39 : memref<!tpu.dma_semaphore, #tpu.memory_space<semaphore_mem>>)
        %dma_start3A_338 = tpu.memref_slice %arg11[%mul3A_329] : memref<512xi32, #tpu.memory_space<vmem>> -> memref<32xi32, #tpu.memory_space<vmem>>
        %dma_start3A_339 = arith.constant 0 : i32
        %dma_start3A_340 = arith.constant 0 : i32
        %dma_start3A_341 = tpu.memref_slice %arg7[%dma_start3A_339, %dma_start3A_340] : memref<1000x128xf32, #tpu.memory_space<hbm>> -> memref<1000x128xf32, #tpu.memory_space<hbm>>
        tpu.enqueue_indirect_dma source(%dma_start3A_341 : memref<1000x128xf32, #tpu.memory_space<hbm>>) target(%arg21 : memref<32x128xf32, #tpu.memory_space<vmem>>) offsets(%dma_start3A_338 : memref<32xi32, #tpu.memory_space<vmem>>) semaphore(%arg39 : memref<!tpu.dma_semaphore, #tpu.memory_space<semaphore_mem>>)
        %dma_start3A_342 = tpu.memref_slice %arg11[%mul3A_329] : memref<512xi32, #tpu.memory_space<vmem>> -> memref<32xi32, #tpu.memory_space<vmem>>
        %dma_start3A_343 = arith.constant 0 : i32
        %dma_start3A_344 = arith.constant 0 : i32
        %dma_start3A_345 = tpu.memref_slice %arg8[%dma_start3A_343, %dma_start3A_344] : memref<1000x128xf32, #tpu.memory_space<hbm>> -> memref<1000x128xf32, #tpu.memory_space<hbm>>
        tpu.enqueue_indirect_dma source(%dma_start3A_345 : memref<1000x128xf32, #tpu.memory_space<hbm>>) target(%arg22 : memref<32x128xf32, #tpu.memory_space<vmem>>) offsets(%dma_start3A_342 : memref<32xi32, #tpu.memory_space<vmem>>) semaphore(%arg39 : memref<!tpu.dma_semaphore, #tpu.memory_space<semaphore_mem>>)
        %dma_start3A_346 = tpu.memref_slice %arg12[%mul3A_329] : memref<512xi32, #tpu.memory_space<vmem>> -> memref<32xi32, #tpu.memory_space<vmem>>
        %dma_start3A_347 = arith.constant 0 : i32
        %dma_start3A_348 = arith.constant 0 : i32
        %dma_start3A_349 = tpu.memref_slice %arg5[%dma_start3A_347, %dma_start3A_348] : memref<100000x128xf32, #tpu.memory_space<hbm>> -> memref<100000x128xf32, #tpu.memory_space<hbm>>
        tpu.enqueue_indirect_dma source(%dma_start3A_349 : memref<100000x128xf32, #tpu.memory_space<hbm>>) target(%arg23 : memref<32x128xf32, #tpu.memory_space<vmem>>) offsets(%dma_start3A_346 : memref<32xi32, #tpu.memory_space<vmem>>) semaphore(%arg39 : memref<!tpu.dma_semaphore, #tpu.memory_space<semaphore_mem>>)
        %dma_start3A_350 = tpu.memref_slice %arg12[%mul3A_329] : memref<512xi32, #tpu.memory_space<vmem>> -> memref<32xi32, #tpu.memory_space<vmem>>
        %dma_start3A_351 = arith.constant 0 : i32
        %dma_start3A_352 = arith.constant 0 : i32
        %dma_start3A_353 = tpu.memref_slice %arg6[%dma_start3A_351, %dma_start3A_352] : memref<100000x128xf32, #tpu.memory_space<hbm>> -> memref<100000x128xf32, #tpu.memory_space<hbm>>
        tpu.enqueue_indirect_dma source(%dma_start3A_353 : memref<100000x128xf32, #tpu.memory_space<hbm>>) target(%arg24 : memref<32x128xf32, #tpu.memory_space<vmem>>) offsets(%dma_start3A_350 : memref<32xi32, #tpu.memory_space<vmem>>) semaphore(%arg39 : memref<!tpu.dma_semaphore, #tpu.memory_space<semaphore_mem>>)
      } else {
      }
      %add3A_232 = arith.constant 2 : i32
      %add3A_233 = arith.addi %mul3A_140, %add3A_232 : i32
      %dma_wait3A_234 = arith.constant 0 : i32
      %dma_wait3A_235 = tpu.memref_slice %arg10[%dma_wait3A_234] : memref<512xi32, #tpu.memory_space<vmem>> -> memref<32xi32, #tpu.memory_space<vmem>>
      %dma_wait3A_236 = arith.constant 0 : i32
      %dma_wait3A_237 = arith.constant 0 : i32
      %dma_wait3A_238 = tpu.memref_slice %arg5[%dma_wait3A_236, %dma_wait3A_237] : memref<100000x128xf32, #tpu.memory_space<hbm>> -> memref<100000x128xf32, #tpu.memory_space<hbm>>
      tpu.wait_indirect_dma semaphore(%arg40 : memref<!tpu.dma_semaphore, #tpu.memory_space<semaphore_mem>>) src(%dma_wait3A_238 : memref<100000x128xf32, #tpu.memory_space<hbm>>) dst(%arg25 : memref<32x128xf32, #tpu.memory_space<vmem>>)
      %dma_wait3A_239 = arith.constant 0 : i32
      %dma_wait3A_240 = tpu.memref_slice %arg10[%dma_wait3A_239] : memref<512xi32, #tpu.memory_space<vmem>> -> memref<32xi32, #tpu.memory_space<vmem>>
      %dma_wait3A_241 = arith.constant 0 : i32
      %dma_wait3A_242 = arith.constant 0 : i32
      %dma_wait3A_243 = tpu.memref_slice %arg6[%dma_wait3A_241, %dma_wait3A_242] : memref<100000x128xf32, #tpu.memory_space<hbm>> -> memref<100000x128xf32, #tpu.memory_space<hbm>>
      tpu.wait_indirect_dma semaphore(%arg40 : memref<!tpu.dma_semaphore, #tpu.memory_space<semaphore_mem>>) src(%dma_wait3A_243 : memref<100000x128xf32, #tpu.memory_space<hbm>>) dst(%arg26 : memref<32x128xf32, #tpu.memory_space<vmem>>)
      %dma_wait3A_244 = arith.constant 0 : i32
      %dma_wait3A_245 = tpu.memref_slice %arg10[%dma_wait3A_244] : memref<512xi32, #tpu.memory_space<vmem>> -> memref<32xi32, #tpu.memory_space<vmem>>
      %dma_wait3A_246 = arith.constant 0 : i32
      %dma_wait3A_247 = arith.constant 0 : i32
      %dma_wait3A_248 = tpu.memref_slice %arg7[%dma_wait3A_246, %dma_wait3A_247] : memref<1000x128xf32, #tpu.memory_space<hbm>> -> memref<1000x128xf32, #tpu.memory_space<hbm>>
      tpu.wait_indirect_dma semaphore(%arg40 : memref<!tpu.dma_semaphore, #tpu.memory_space<semaphore_mem>>) src(%dma_wait3A_248 : memref<1000x128xf32, #tpu.memory_space<hbm>>) dst(%arg27 : memref<32x128xf32, #tpu.memory_space<vmem>>)
      %dma_wait3A_249 = arith.constant 0 : i32
      %dma_wait3A_250 = tpu.memref_slice %arg10[%dma_wait3A_249] : memref<512xi32, #tpu.memory_space<vmem>> -> memref<32xi32, #tpu.memory_space<vmem>>
      %dma_wait3A_251 = arith.constant 0 : i32
      %dma_wait3A_252 = arith.constant 0 : i32
      %dma_wait3A_253 = tpu.memref_slice %arg8[%dma_wait3A_251, %dma_wait3A_252] : memref<1000x128xf32, #tpu.memory_space<hbm>> -> memref<1000x128xf32, #tpu.memory_space<hbm>>
      tpu.wait_indirect_dma semaphore(%arg40 : memref<!tpu.dma_semaphore, #tpu.memory_space<semaphore_mem>>) src(%dma_wait3A_253 : memref<1000x128xf32, #tpu.memory_space<hbm>>) dst(%arg28 : memref<32x128xf32, #tpu.memory_space<vmem>>)
      %dma_wait3A_254 = arith.constant 0 : i32
      %dma_wait3A_255 = tpu.memref_slice %arg10[%dma_wait3A_254] : memref<512xi32, #tpu.memory_space<vmem>> -> memref<32xi32, #tpu.memory_space<vmem>>
      %dma_wait3A_256 = arith.constant 0 : i32
      %dma_wait3A_257 = arith.constant 0 : i32
      %dma_wait3A_258 = tpu.memref_slice %arg5[%dma_wait3A_256, %dma_wait3A_257] : memref<100000x128xf32, #tpu.memory_space<hbm>> -> memref<100000x128xf32, #tpu.memory_space<hbm>>
      tpu.wait_indirect_dma semaphore(%arg40 : memref<!tpu.dma_semaphore, #tpu.memory_space<semaphore_mem>>) src(%dma_wait3A_258 : memref<100000x128xf32, #tpu.memory_space<hbm>>) dst(%arg29 : memref<32x128xf32, #tpu.memory_space<vmem>>)
      %dma_wait3A_259 = arith.constant 0 : i32
      %dma_wait3A_260 = tpu.memref_slice %arg10[%dma_wait3A_259] : memref<512xi32, #tpu.memory_space<vmem>> -> memref<32xi32, #tpu.memory_space<vmem>>
      %dma_wait3A_261 = arith.constant 0 : i32
      %dma_wait3A_262 = arith.constant 0 : i32
      %dma_wait3A_263 = tpu.memref_slice %arg6[%dma_wait3A_261, %dma_wait3A_262] : memref<100000x128xf32, #tpu.memory_space<hbm>> -> memref<100000x128xf32, #tpu.memory_space<hbm>>
      tpu.wait_indirect_dma semaphore(%arg40 : memref<!tpu.dma_semaphore, #tpu.memory_space<semaphore_mem>>) src(%dma_wait3A_263 : memref<100000x128xf32, #tpu.memory_space<hbm>>) dst(%arg30 : memref<32x128xf32, #tpu.memory_space<vmem>>)
      %mul3A_264 = arith.constant 32 : i32
      %mul3A_265 = arith.muli %add3A_233, %mul3A_264 : i32
      %scan3A_266 = arith.constant 0 : i32
      %scan3A_267 = arith.constant 0 : i32
      %scan3A_268 = arith.constant 2 : i32
      %scan3A_269 = arith.addi %scan3A_267, %scan3A_268 : i32
      %scan3A_270 = arith.constant 1 : i32
      scf.for %scan3A_326 = %scan3A_267 to %scan3A_269 step %scan3A_270  : i32 {
        %mul3A_327 = arith.constant 16 : i32
        %mul3A_328 = arith.muli %scan3A_326, %mul3A_327 : i32
        %add3A_329 = vector.broadcast %mul3A_328 : i32 to vector<16xi32>
        %add3A_330 = arith.addi %add3A_329, %iota3A : vector<16xi32>
        %broadcast_in_dim3A = arith.constant 0.000000e+00 : f32
        %broadcast_in_dim3A_331 = vector.broadcast %broadcast_in_dim3A : f32 to vector<16xf32>
        %broadcast_in_dim3A_332 = arith.constant 0.000000e+00 : f32
        %broadcast_in_dim3A_333 = vector.broadcast %broadcast_in_dim3A_332 : f32 to vector<16xf32>
        %parallel_loop3A = arith.constant 0 : i32
        %parallel_loop3A_334 = arith.constant 128 : i32
        %parallel_loop3A_335 = arith.constant 8 : i32
        %parallel_loop3A_336:2 = scf.for %parallel_loop3A_342 = %parallel_loop3A to %parallel_loop3A_334 step %parallel_loop3A_335 iter_args(%parallel_loop3A_343 = %broadcast_in_dim3A_331, %parallel_loop3A_344 = %broadcast_in_dim3A_333) -> (vector<16xf32>, vector<16xf32>)  : i32 {
          %parallel_loop3A_345 = arith.constant 9 : i32
          %parallel_loop3A_346 = vector.broadcast %parallel_loop3A_345 : i32 to vector<16xi32>
          %parallel_loop3A_347 = arith.muli %iota3A, %parallel_loop3A_346 : vector<16xi32>
          %parallel_loop3A_348 = arith.constant 0 : i32
          %parallel_loop3A_349 = arith.addi %parallel_loop3A_342, %parallel_loop3A_348 : i32
          %parallel_loop3A_350 = vector.broadcast %parallel_loop3A_349 : i32 to vector<16xi32>
          %parallel_loop3A_351 = arith.addi %parallel_loop3A_347, %parallel_loop3A_350 : vector<16xi32>
          %parallel_loop3A_352 = arith.constant 127 : i32
          %parallel_loop3A_353 = vector.broadcast %parallel_loop3A_352 : i32 to vector<16xi32>
          %parallel_loop3A_354 = arith.andi %parallel_loop3A_351, %parallel_loop3A_353 : vector<16xi32>
          %parallel_loop3A_355 = tpu.vector_load_idx %arg25[%add3A_330, %parallel_loop3A_354] : memref<32x128xf32, #tpu.memory_space<vmem>>[vector<16xi32>, vector<16xi32>], vector<16xf32>,
          %parallel_loop3A_356 = tpu.vector_load_idx %arg26[%add3A_330, %parallel_loop3A_354] : memref<32x128xf32, #tpu.memory_space<vmem>>[vector<16xi32>, vector<16xi32>], vector<16xf32>,
          %parallel_loop3A_357 = tpu.vector_load_idx %arg27[%add3A_330, %parallel_loop3A_354] : memref<32x128xf32, #tpu.memory_space<vmem>>[vector<16xi32>, vector<16xi32>], vector<16xf32>,
          %parallel_loop3A_358 = tpu.vector_load_idx %arg28[%add3A_330, %parallel_loop3A_354] : memref<32x128xf32, #tpu.memory_space<vmem>>[vector<16xi32>, vector<16xi32>], vector<16xf32>,
          %parallel_loop3A_359 = tpu.vector_load_idx %arg29[%add3A_330, %parallel_loop3A_354] : memref<32x128xf32, #tpu.memory_space<vmem>>[vector<16xi32>, vector<16xi32>], vector<16xf32>,
          %parallel_loop3A_360 = tpu.vector_load_idx %arg30[%add3A_330, %parallel_loop3A_354] : memref<32x128xf32, #tpu.memory_space<vmem>>[vector<16xi32>, vector<16xi32>], vector<16xf32>,
          %parallel_loop3A_361 = arith.mulf %parallel_loop3A_355, %parallel_loop3A_357 : vector<16xf32>
          %parallel_loop3A_362 = arith.mulf %parallel_loop3A_356, %parallel_loop3A_358 : vector<16xf32>
          %parallel_loop3A_363 = arith.subf %parallel_loop3A_361, %parallel_loop3A_362 : vector<16xf32>
          %parallel_loop3A_364 = arith.mulf %parallel_loop3A_363, %parallel_loop3A_359 : vector<16xf32>
          %parallel_loop3A_365 = arith.addf %parallel_loop3A_343, %parallel_loop3A_364 : vector<16xf32>
          %parallel_loop3A_366 = arith.mulf %parallel_loop3A_355, %parallel_loop3A_358 : vector<16xf32>
          %parallel_loop3A_367 = arith.mulf %parallel_loop3A_356, %parallel_loop3A_357 : vector<16xf32>
          %parallel_loop3A_368 = arith.addf %parallel_loop3A_366, %parallel_loop3A_367 : vector<16xf32>
          %parallel_loop3A_369 = arith.mulf %parallel_loop3A_368, %parallel_loop3A_360 : vector<16xf32>
          %parallel_loop3A_370 = arith.addf %parallel_loop3A_344, %parallel_loop3A_369 : vector<16xf32>
          %parallel_loop3A_371 = arith.constant 9 : i32
          %parallel_loop3A_372 = vector.broadcast %parallel_loop3A_371 : i32 to vector<16xi32>
          %parallel_loop3A_373 = arith.muli %iota3A, %parallel_loop3A_372 : vector<16xi32>
          %parallel_loop3A_374 = arith.constant 1 : i32
          %parallel_loop3A_375 = arith.addi %parallel_loop3A_342, %parallel_loop3A_374 : i32
          %parallel_loop3A_376 = vector.broadcast %parallel_loop3A_375 : i32 to vector<16xi32>
          %parallel_loop3A_377 = arith.addi %parallel_loop3A_373, %parallel_loop3A_376 : vector<16xi32>
          %parallel_loop3A_378 = arith.constant 127 : i32
          %parallel_loop3A_379 = vector.broadcast %parallel_loop3A_378 : i32 to vector<16xi32>
          %parallel_loop3A_380 = arith.andi %parallel_loop3A_377, %parallel_loop3A_379 : vector<16xi32>
          %parallel_loop3A_381 = tpu.vector_load_idx %arg25[%add3A_330, %parallel_loop3A_380] : memref<32x128xf32, #tpu.memory_space<vmem>>[vector<16xi32>, vector<16xi32>], vector<16xf32>,
          %parallel_loop3A_382 = tpu.vector_load_idx %arg26[%add3A_330, %parallel_loop3A_380] : memref<32x128xf32, #tpu.memory_space<vmem>>[vector<16xi32>, vector<16xi32>], vector<16xf32>,
          %parallel_loop3A_383 = tpu.vector_load_idx %arg27[%add3A_330, %parallel_loop3A_380] : memref<32x128xf32, #tpu.memory_space<vmem>>[vector<16xi32>, vector<16xi32>], vector<16xf32>,
          %parallel_loop3A_384 = tpu.vector_load_idx %arg28[%add3A_330, %parallel_loop3A_380] : memref<32x128xf32, #tpu.memory_space<vmem>>[vector<16xi32>, vector<16xi32>], vector<16xf32>,
          %parallel_loop3A_385 = tpu.vector_load_idx %arg29[%add3A_330, %parallel_loop3A_380] : memref<32x128xf32, #tpu.memory_space<vmem>>[vector<16xi32>, vector<16xi32>], vector<16xf32>,
          %parallel_loop3A_386 = tpu.vector_load_idx %arg30[%add3A_330, %parallel_loop3A_380] : memref<32x128xf32, #tpu.memory_space<vmem>>[vector<16xi32>, vector<16xi32>], vector<16xf32>,
          %parallel_loop3A_387 = arith.mulf %parallel_loop3A_381, %parallel_loop3A_383 : vector<16xf32>
          %parallel_loop3A_388 = arith.mulf %parallel_loop3A_382, %parallel_loop3A_384 : vector<16xf32>
          %parallel_loop3A_389 = arith.subf %parallel_loop3A_387, %parallel_loop3A_388 : vector<16xf32>
          %parallel_loop3A_390 = arith.mulf %parallel_loop3A_389, %parallel_loop3A_385 : vector<16xf32>
          %parallel_loop3A_391 = arith.addf %parallel_loop3A_365, %parallel_loop3A_390 : vector<16xf32>
          %parallel_loop3A_392 = arith.mulf %parallel_loop3A_381, %parallel_loop3A_384 : vector<16xf32>
          %parallel_loop3A_393 = arith.mulf %parallel_loop3A_382, %parallel_loop3A_383 : vector<16xf32>
          %parallel_loop3A_394 = arith.addf %parallel_loop3A_392, %parallel_loop3A_393 : vector<16xf32>
          %parallel_loop3A_395 = arith.mulf %parallel_loop3A_394, %parallel_loop3A_386 : vector<16xf32>
          %parallel_loop3A_396 = arith.addf %parallel_loop3A_370, %parallel_loop3A_395 : vector<16xf32>
          %parallel_loop3A_397 = arith.constant 9 : i32
          %parallel_loop3A_398 = vector.broadcast %parallel_loop3A_397 : i32 to vector<16xi32>
          %parallel_loop3A_399 = arith.muli %iota3A, %parallel_loop3A_398 : vector<16xi32>
          %parallel_loop3A_400 = arith.constant 2 : i32
          %parallel_loop3A_401 = arith.addi %parallel_loop3A_342, %parallel_loop3A_400 : i32
          %parallel_loop3A_402 = vector.broadcast %parallel_loop3A_401 : i32 to vector<16xi32>
          %parallel_loop3A_403 = arith.addi %parallel_loop3A_399, %parallel_loop3A_402 : vector<16xi32>
          %parallel_loop3A_404 = arith.constant 127 : i32
          %parallel_loop3A_405 = vector.broadcast %parallel_loop3A_404 : i32 to vector<16xi32>
          %parallel_loop3A_406 = arith.andi %parallel_loop3A_403, %parallel_loop3A_405 : vector<16xi32>
          %parallel_loop3A_407 = tpu.vector_load_idx %arg25[%add3A_330, %parallel_loop3A_406] : memref<32x128xf32, #tpu.memory_space<vmem>>[vector<16xi32>, vector<16xi32>], vector<16xf32>,
          %parallel_loop3A_408 = tpu.vector_load_idx %arg26[%add3A_330, %parallel_loop3A_406] : memref<32x128xf32, #tpu.memory_space<vmem>>[vector<16xi32>, vector<16xi32>], vector<16xf32>,
          %parallel_loop3A_409 = tpu.vector_load_idx %arg27[%add3A_330, %parallel_loop3A_406] : memref<32x128xf32, #tpu.memory_space<vmem>>[vector<16xi32>, vector<16xi32>], vector<16xf32>,
          %parallel_loop3A_410 = tpu.vector_load_idx %arg28[%add3A_330, %parallel_loop3A_406] : memref<32x128xf32, #tpu.memory_space<vmem>>[vector<16xi32>, vector<16xi32>], vector<16xf32>,
          %parallel_loop3A_411 = tpu.vector_load_idx %arg29[%add3A_330, %parallel_loop3A_406] : memref<32x128xf32, #tpu.memory_space<vmem>>[vector<16xi32>, vector<16xi32>], vector<16xf32>,
          %parallel_loop3A_412 = tpu.vector_load_idx %arg30[%add3A_330, %parallel_loop3A_406] : memref<32x128xf32, #tpu.memory_space<vmem>>[vector<16xi32>, vector<16xi32>], vector<16xf32>,
          %parallel_loop3A_413 = arith.mulf %parallel_loop3A_407, %parallel_loop3A_409 : vector<16xf32>
          %parallel_loop3A_414 = arith.mulf %parallel_loop3A_408, %parallel_loop3A_410 : vector<16xf32>
          %parallel_loop3A_415 = arith.subf %parallel_loop3A_413, %parallel_loop3A_414 : vector<16xf32>
          %parallel_loop3A_416 = arith.mulf %parallel_loop3A_415, %parallel_loop3A_411 : vector<16xf32>
          %parallel_loop3A_417 = arith.addf %parallel_loop3A_391, %parallel_loop3A_416 : vector<16xf32>
          %parallel_loop3A_418 = arith.mulf %parallel_loop3A_407, %parallel_loop3A_410 : vector<16xf32>
          %parallel_loop3A_419 = arith.mulf %parallel_loop3A_408, %parallel_loop3A_409 : vector<16xf32>
          %parallel_loop3A_420 = arith.addf %parallel_loop3A_418, %parallel_loop3A_419 : vector<16xf32>
          %parallel_loop3A_421 = arith.mulf %parallel_loop3A_420, %parallel_loop3A_412 : vector<16xf32>
          %parallel_loop3A_422 = arith.addf %parallel_loop3A_396, %parallel_loop3A_421 : vector<16xf32>
          %parallel_loop3A_423 = arith.constant 9 : i32
          %parallel_loop3A_424 = vector.broadcast %parallel_loop3A_423 : i32 to vector<16xi32>
          %parallel_loop3A_425 = arith.muli %iota3A, %parallel_loop3A_424 : vector<16xi32>
          %parallel_loop3A_426 = arith.constant 3 : i32
          %parallel_loop3A_427 = arith.addi %parallel_loop3A_342, %parallel_loop3A_426 : i32
          %parallel_loop3A_428 = vector.broadcast %parallel_loop3A_427 : i32 to vector<16xi32>
          %parallel_loop3A_429 = arith.addi %parallel_loop3A_425, %parallel_loop3A_428 : vector<16xi32>
          %parallel_loop3A_430 = arith.constant 127 : i32
          %parallel_loop3A_431 = vector.broadcast %parallel_loop3A_430 : i32 to vector<16xi32>
          %parallel_loop3A_432 = arith.andi %parallel_loop3A_429, %parallel_loop3A_431 : vector<16xi32>
          %parallel_loop3A_433 = tpu.vector_load_idx %arg25[%add3A_330, %parallel_loop3A_432] : memref<32x128xf32, #tpu.memory_space<vmem>>[vector<16xi32>, vector<16xi32>], vector<16xf32>,
          %parallel_loop3A_434 = tpu.vector_load_idx %arg26[%add3A_330, %parallel_loop3A_432] : memref<32x128xf32, #tpu.memory_space<vmem>>[vector<16xi32>, vector<16xi32>], vector<16xf32>,
          %parallel_loop3A_435 = tpu.vector_load_idx %arg27[%add3A_330, %parallel_loop3A_432] : memref<32x128xf32, #tpu.memory_space<vmem>>[vector<16xi32>, vector<16xi32>], vector<16xf32>,
          %parallel_loop3A_436 = tpu.vector_load_idx %arg28[%add3A_330, %parallel_loop3A_432] : memref<32x128xf32, #tpu.memory_space<vmem>>[vector<16xi32>, vector<16xi32>], vector<16xf32>,
          %parallel_loop3A_437 = tpu.vector_load_idx %arg29[%add3A_330, %parallel_loop3A_432] : memref<32x128xf32, #tpu.memory_space<vmem>>[vector<16xi32>, vector<16xi32>], vector<16xf32>,
          %parallel_loop3A_438 = tpu.vector_load_idx %arg30[%add3A_330, %parallel_loop3A_432] : memref<32x128xf32, #tpu.memory_space<vmem>>[vector<16xi32>, vector<16xi32>], vector<16xf32>,
          %parallel_loop3A_439 = arith.mulf %parallel_loop3A_433, %parallel_loop3A_435 : vector<16xf32>
          %parallel_loop3A_440 = arith.mulf %parallel_loop3A_434, %parallel_loop3A_436 : vector<16xf32>
          %parallel_loop3A_441 = arith.subf %parallel_loop3A_439, %parallel_loop3A_440 : vector<16xf32>
          %parallel_loop3A_442 = arith.mulf %parallel_loop3A_441, %parallel_loop3A_437 : vector<16xf32>
          %parallel_loop3A_443 = arith.addf %parallel_loop3A_417, %parallel_loop3A_442 : vector<16xf32>
          %parallel_loop3A_444 = arith.mulf %parallel_loop3A_433, %parallel_loop3A_436 : vector<16xf32>
          %parallel_loop3A_445 = arith.mulf %parallel_loop3A_434, %parallel_loop3A_435 : vector<16xf32>
          %parallel_loop3A_446 = arith.addf %parallel_loop3A_444, %parallel_loop3A_445 : vector<16xf32>
          %parallel_loop3A_447 = arith.mulf %parallel_loop3A_446, %parallel_loop3A_438 : vector<16xf32>
          %parallel_loop3A_448 = arith.addf %parallel_loop3A_422, %parallel_loop3A_447 : vector<16xf32>
          %parallel_loop3A_449 = arith.constant 9 : i32
          %parallel_loop3A_450 = vector.broadcast %parallel_loop3A_449 : i32 to vector<16xi32>
          %parallel_loop3A_451 = arith.muli %iota3A, %parallel_loop3A_450 : vector<16xi32>
          %parallel_loop3A_452 = arith.constant 4 : i32
          %parallel_loop3A_453 = arith.addi %parallel_loop3A_342, %parallel_loop3A_452 : i32
          %parallel_loop3A_454 = vector.broadcast %parallel_loop3A_453 : i32 to vector<16xi32>
          %parallel_loop3A_455 = arith.addi %parallel_loop3A_451, %parallel_loop3A_454 : vector<16xi32>
          %parallel_loop3A_456 = arith.constant 127 : i32
          %parallel_loop3A_457 = vector.broadcast %parallel_loop3A_456 : i32 to vector<16xi32>
          %parallel_loop3A_458 = arith.andi %parallel_loop3A_455, %parallel_loop3A_457 : vector<16xi32>
          %parallel_loop3A_459 = tpu.vector_load_idx %arg25[%add3A_330, %parallel_loop3A_458] : memref<32x128xf32, #tpu.memory_space<vmem>>[vector<16xi32>, vector<16xi32>], vector<16xf32>,
          %parallel_loop3A_460 = tpu.vector_load_idx %arg26[%add3A_330, %parallel_loop3A_458] : memref<32x128xf32, #tpu.memory_space<vmem>>[vector<16xi32>, vector<16xi32>], vector<16xf32>,
          %parallel_loop3A_461 = tpu.vector_load_idx %arg27[%add3A_330, %parallel_loop3A_458] : memref<32x128xf32, #tpu.memory_space<vmem>>[vector<16xi32>, vector<16xi32>], vector<16xf32>,
          %parallel_loop3A_462 = tpu.vector_load_idx %arg28[%add3A_330, %parallel_loop3A_458] : memref<32x128xf32, #tpu.memory_space<vmem>>[vector<16xi32>, vector<16xi32>], vector<16xf32>,
          %parallel_loop3A_463 = tpu.vector_load_idx %arg29[%add3A_330, %parallel_loop3A_458] : memref<32x128xf32, #tpu.memory_space<vmem>>[vector<16xi32>, vector<16xi32>], vector<16xf32>,
          %parallel_loop3A_464 = tpu.vector_load_idx %arg30[%add3A_330, %parallel_loop3A_458] : memref<32x128xf32, #tpu.memory_space<vmem>>[vector<16xi32>, vector<16xi32>], vector<16xf32>,
          %parallel_loop3A_465 = arith.mulf %parallel_loop3A_459, %parallel_loop3A_461 : vector<16xf32>
          %parallel_loop3A_466 = arith.mulf %parallel_loop3A_460, %parallel_loop3A_462 : vector<16xf32>
          %parallel_loop3A_467 = arith.subf %parallel_loop3A_465, %parallel_loop3A_466 : vector<16xf32>
          %parallel_loop3A_468 = arith.mulf %parallel_loop3A_467, %parallel_loop3A_463 : vector<16xf32>
          %parallel_loop3A_469 = arith.addf %parallel_loop3A_443, %parallel_loop3A_468 : vector<16xf32>
          %parallel_loop3A_470 = arith.mulf %parallel_loop3A_459, %parallel_loop3A_462 : vector<16xf32>
          %parallel_loop3A_471 = arith.mulf %parallel_loop3A_460, %parallel_loop3A_461 : vector<16xf32>
          %parallel_loop3A_472 = arith.addf %parallel_loop3A_470, %parallel_loop3A_471 : vector<16xf32>
          %parallel_loop3A_473 = arith.mulf %parallel_loop3A_472, %parallel_loop3A_464 : vector<16xf32>
          %parallel_loop3A_474 = arith.addf %parallel_loop3A_448, %parallel_loop3A_473 : vector<16xf32>
          %parallel_loop3A_475 = arith.constant 9 : i32
          %parallel_loop3A_476 = vector.broadcast %parallel_loop3A_475 : i32 to vector<16xi32>
          %parallel_loop3A_477 = arith.muli %iota3A, %parallel_loop3A_476 : vector<16xi32>
          %parallel_loop3A_478 = arith.constant 5 : i32
          %parallel_loop3A_479 = arith.addi %parallel_loop3A_342, %parallel_loop3A_478 : i32
          %parallel_loop3A_480 = vector.broadcast %parallel_loop3A_479 : i32 to vector<16xi32>
          %parallel_loop3A_481 = arith.addi %parallel_loop3A_477, %parallel_loop3A_480 : vector<16xi32>
          %parallel_loop3A_482 = arith.constant 127 : i32
          %parallel_loop3A_483 = vector.broadcast %parallel_loop3A_482 : i32 to vector<16xi32>
          %parallel_loop3A_484 = arith.andi %parallel_loop3A_481, %parallel_loop3A_483 : vector<16xi32>
          %parallel_loop3A_485 = tpu.vector_load_idx %arg25[%add3A_330, %parallel_loop3A_484] : memref<32x128xf32, #tpu.memory_space<vmem>>[vector<16xi32>, vector<16xi32>], vector<16xf32>,
          %parallel_loop3A_486 = tpu.vector_load_idx %arg26[%add3A_330, %parallel_loop3A_484] : memref<32x128xf32, #tpu.memory_space<vmem>>[vector<16xi32>, vector<16xi32>], vector<16xf32>,
          %parallel_loop3A_487 = tpu.vector_load_idx %arg27[%add3A_330, %parallel_loop3A_484] : memref<32x128xf32, #tpu.memory_space<vmem>>[vector<16xi32>, vector<16xi32>], vector<16xf32>,
          %parallel_loop3A_488 = tpu.vector_load_idx %arg28[%add3A_330, %parallel_loop3A_484] : memref<32x128xf32, #tpu.memory_space<vmem>>[vector<16xi32>, vector<16xi32>], vector<16xf32>,
          %parallel_loop3A_489 = tpu.vector_load_idx %arg29[%add3A_330, %parallel_loop3A_484] : memref<32x128xf32, #tpu.memory_space<vmem>>[vector<16xi32>, vector<16xi32>], vector<16xf32>,
          %parallel_loop3A_490 = tpu.vector_load_idx %arg30[%add3A_330, %parallel_loop3A_484] : memref<32x128xf32, #tpu.memory_space<vmem>>[vector<16xi32>, vector<16xi32>], vector<16xf32>,
          %parallel_loop3A_491 = arith.mulf %parallel_loop3A_485, %parallel_loop3A_487 : vector<16xf32>
          %parallel_loop3A_492 = arith.mulf %parallel_loop3A_486, %parallel_loop3A_488 : vector<16xf32>
          %parallel_loop3A_493 = arith.subf %parallel_loop3A_491, %parallel_loop3A_492 : vector<16xf32>
          %parallel_loop3A_494 = arith.mulf %parallel_loop3A_493, %parallel_loop3A_489 : vector<16xf32>
          %parallel_loop3A_495 = arith.addf %parallel_loop3A_469, %parallel_loop3A_494 : vector<16xf32>
          %parallel_loop3A_496 = arith.mulf %parallel_loop3A_485, %parallel_loop3A_488 : vector<16xf32>
          %parallel_loop3A_497 = arith.mulf %parallel_loop3A_486, %parallel_loop3A_487 : vector<16xf32>
          %parallel_loop3A_498 = arith.addf %parallel_loop3A_496, %parallel_loop3A_497 : vector<16xf32>
          %parallel_loop3A_499 = arith.mulf %parallel_loop3A_498, %parallel_loop3A_490 : vector<16xf32>
          %parallel_loop3A_500 = arith.addf %parallel_loop3A_474, %parallel_loop3A_499 : vector<16xf32>
          %parallel_loop3A_501 = arith.constant 9 : i32
          %parallel_loop3A_502 = vector.broadcast %parallel_loop3A_501 : i32 to vector<16xi32>
          %parallel_loop3A_503 = arith.muli %iota3A, %parallel_loop3A_502 : vector<16xi32>
          %parallel_loop3A_504 = arith.constant 6 : i32
          %parallel_loop3A_505 = arith.addi %parallel_loop3A_342, %parallel_loop3A_504 : i32
          %parallel_loop3A_506 = vector.broadcast %parallel_loop3A_505 : i32 to vector<16xi32>
          %parallel_loop3A_507 = arith.addi %parallel_loop3A_503, %parallel_loop3A_506 : vector<16xi32>
          %parallel_loop3A_508 = arith.constant 127 : i32
          %parallel_loop3A_509 = vector.broadcast %parallel_loop3A_508 : i32 to vector<16xi32>
          %parallel_loop3A_510 = arith.andi %parallel_loop3A_507, %parallel_loop3A_509 : vector<16xi32>
          %parallel_loop3A_511 = tpu.vector_load_idx %arg25[%add3A_330, %parallel_loop3A_510] : memref<32x128xf32, #tpu.memory_space<vmem>>[vector<16xi32>, vector<16xi32>], vector<16xf32>,
          %parallel_loop3A_512 = tpu.vector_load_idx %arg26[%add3A_330, %parallel_loop3A_510] : memref<32x128xf32, #tpu.memory_space<vmem>>[vector<16xi32>, vector<16xi32>], vector<16xf32>,
          %parallel_loop3A_513 = tpu.vector_load_idx %arg27[%add3A_330, %parallel_loop3A_510] : memref<32x128xf32, #tpu.memory_space<vmem>>[vector<16xi32>, vector<16xi32>], vector<16xf32>,
          %parallel_loop3A_514 = tpu.vector_load_idx %arg28[%add3A_330, %parallel_loop3A_510] : memref<32x128xf32, #tpu.memory_space<vmem>>[vector<16xi32>, vector<16xi32>], vector<16xf32>,
          %parallel_loop3A_515 = tpu.vector_load_idx %arg29[%add3A_330, %parallel_loop3A_510] : memref<32x128xf32, #tpu.memory_space<vmem>>[vector<16xi32>, vector<16xi32>], vector<16xf32>,
          %parallel_loop3A_516 = tpu.vector_load_idx %arg30[%add3A_330, %parallel_loop3A_510] : memref<32x128xf32, #tpu.memory_space<vmem>>[vector<16xi32>, vector<16xi32>], vector<16xf32>,
          %parallel_loop3A_517 = arith.mulf %parallel_loop3A_511, %parallel_loop3A_513 : vector<16xf32>
          %parallel_loop3A_518 = arith.mulf %parallel_loop3A_512, %parallel_loop3A_514 : vector<16xf32>
          %parallel_loop3A_519 = arith.subf %parallel_loop3A_517, %parallel_loop3A_518 : vector<16xf32>
          %parallel_loop3A_520 = arith.mulf %parallel_loop3A_519, %parallel_loop3A_515 : vector<16xf32>
          %parallel_loop3A_521 = arith.addf %parallel_loop3A_495, %parallel_loop3A_520 : vector<16xf32>
          %parallel_loop3A_522 = arith.mulf %parallel_loop3A_511, %parallel_loop3A_514 : vector<16xf32>
          %parallel_loop3A_523 = arith.mulf %parallel_loop3A_512, %parallel_loop3A_513 : vector<16xf32>
          %parallel_loop3A_524 = arith.addf %parallel_loop3A_522, %parallel_loop3A_523 : vector<16xf32>
          %parallel_loop3A_525 = arith.mulf %parallel_loop3A_524, %parallel_loop3A_516 : vector<16xf32>
          %parallel_loop3A_526 = arith.addf %parallel_loop3A_500, %parallel_loop3A_525 : vector<16xf32>
          %parallel_loop3A_527 = arith.constant 9 : i32
          %parallel_loop3A_528 = vector.broadcast %parallel_loop3A_527 : i32 to vector<16xi32>
          %parallel_loop3A_529 = arith.muli %iota3A, %parallel_loop3A_528 : vector<16xi32>
          %parallel_loop3A_530 = arith.constant 7 : i32
          %parallel_loop3A_531 = arith.addi %parallel_loop3A_342, %parallel_loop3A_530 : i32
          %parallel_loop3A_532 = vector.broadcast %parallel_loop3A_531 : i32 to vector<16xi32>
          %parallel_loop3A_533 = arith.addi %parallel_loop3A_529, %parallel_loop3A_532 : vector<16xi32>
          %parallel_loop3A_534 = arith.constant 127 : i32
          %parallel_loop3A_535 = vector.broadcast %parallel_loop3A_534 : i32 to vector<16xi32>
          %parallel_loop3A_536 = arith.andi %parallel_loop3A_533, %parallel_loop3A_535 : vector<16xi32>
          %parallel_loop3A_537 = tpu.vector_load_idx %arg25[%add3A_330, %parallel_loop3A_536] : memref<32x128xf32, #tpu.memory_space<vmem>>[vector<16xi32>, vector<16xi32>], vector<16xf32>,
          %parallel_loop3A_538 = tpu.vector_load_idx %arg26[%add3A_330, %parallel_loop3A_536] : memref<32x128xf32, #tpu.memory_space<vmem>>[vector<16xi32>, vector<16xi32>], vector<16xf32>,
          %parallel_loop3A_539 = tpu.vector_load_idx %arg27[%add3A_330, %parallel_loop3A_536] : memref<32x128xf32, #tpu.memory_space<vmem>>[vector<16xi32>, vector<16xi32>], vector<16xf32>,
          %parallel_loop3A_540 = tpu.vector_load_idx %arg28[%add3A_330, %parallel_loop3A_536] : memref<32x128xf32, #tpu.memory_space<vmem>>[vector<16xi32>, vector<16xi32>], vector<16xf32>,
          %parallel_loop3A_541 = tpu.vector_load_idx %arg29[%add3A_330, %parallel_loop3A_536] : memref<32x128xf32, #tpu.memory_space<vmem>>[vector<16xi32>, vector<16xi32>], vector<16xf32>,
          %parallel_loop3A_542 = tpu.vector_load_idx %arg30[%add3A_330, %parallel_loop3A_536] : memref<32x128xf32, #tpu.memory_space<vmem>>[vector<16xi32>, vector<16xi32>], vector<16xf32>,
          %parallel_loop3A_543 = arith.mulf %parallel_loop3A_537, %parallel_loop3A_539 : vector<16xf32>
          %parallel_loop3A_544 = arith.mulf %parallel_loop3A_538, %parallel_loop3A_540 : vector<16xf32>
          %parallel_loop3A_545 = arith.subf %parallel_loop3A_543, %parallel_loop3A_544 : vector<16xf32>
          %parallel_loop3A_546 = arith.mulf %parallel_loop3A_545, %parallel_loop3A_541 : vector<16xf32>
          %parallel_loop3A_547 = arith.addf %parallel_loop3A_521, %parallel_loop3A_546 : vector<16xf32>
          %parallel_loop3A_548 = arith.mulf %parallel_loop3A_537, %parallel_loop3A_540 : vector<16xf32>
          %parallel_loop3A_549 = arith.mulf %parallel_loop3A_538, %parallel_loop3A_539 : vector<16xf32>
          %parallel_loop3A_550 = arith.addf %parallel_loop3A_548, %parallel_loop3A_549 : vector<16xf32>
          %parallel_loop3A_551 = arith.mulf %parallel_loop3A_550, %parallel_loop3A_542 : vector<16xf32>
          %parallel_loop3A_552 = arith.addf %parallel_loop3A_526, %parallel_loop3A_551 : vector<16xf32>
          scf.yield %parallel_loop3A_547, %parallel_loop3A_552 : vector<16xf32>, vector<16xf32>
        } {sc.loop_unroll_factor = 1 : i64, sc.parallel_access}
        %add3A_337 = arith.addf %parallel_loop3A_336#0, %parallel_loop3A_336#1 : vector<16xf32>
        %mul3A_338 = arith.constant 16 : i32
        %mul3A_339 = arith.muli %scan3A_326, %mul3A_338 : i32
        %add3A_340 = arith.addi %mul3A_265, %mul3A_339 : i32
        %swap3A = arith.index_cast %add3A_340 : i32 to index
        %swap3A_341 = tpu.vector_load %arg37[%swap3A] {strides = array<i32>} : memref<512xf32, #tpu.memory_space<vmem>>, vector<16xf32>,
        tpu.vector_store %arg37[%swap3A], %add3A_337 {strides = array<i32>} : memref<512xf32, #tpu.memory_space<vmem>>, vector<16xf32>,
      }
      %scan3A_271 = arith.constant 2 : i32
      %add3A_272 = arith.constant 4 : i32
      %add3A_273 = arith.addi %add3A_233, %add3A_272 : i32
      %lt3A_274 = arith.constant 16 : i32
      %lt3A_275 = arith.cmpi slt, %add3A_273, %lt3A_274 : i32
      %convert_element_type3A_276 = arith.extui %lt3A_275 : i1 to i32
      %cond3A_277 = arith.constant 0 : i32
      %cond3A_278 = arith.cmpi ne, %convert_element_type3A_276, %cond3A_277 : i32
      scf.if %cond3A_278 {
        %add3A_326 = arith.constant 4 : i32
        %add3A_327 = arith.addi %add3A_233, %add3A_326 : i32
        %mul3A_328 = arith.constant 32 : i32
        %mul3A_329 = arith.muli %add3A_327, %mul3A_328 : i32
        %dma_start3A_330 = tpu.memref_slice %arg10[%mul3A_329] : memref<512xi32, #tpu.memory_space<vmem>> -> memref<32xi32, #tpu.memory_space<vmem>>
        %dma_start3A_331 = arith.constant 0 : i32
        %dma_start3A_332 = arith.constant 0 : i32
        %dma_start3A_333 = tpu.memref_slice %arg5[%dma_start3A_331, %dma_start3A_332] : memref<100000x128xf32, #tpu.memory_space<hbm>> -> memref<100000x128xf32, #tpu.memory_space<hbm>>
        tpu.enqueue_indirect_dma source(%dma_start3A_333 : memref<100000x128xf32, #tpu.memory_space<hbm>>) target(%arg25 : memref<32x128xf32, #tpu.memory_space<vmem>>) offsets(%dma_start3A_330 : memref<32xi32, #tpu.memory_space<vmem>>) semaphore(%arg40 : memref<!tpu.dma_semaphore, #tpu.memory_space<semaphore_mem>>)
        %dma_start3A_334 = tpu.memref_slice %arg10[%mul3A_329] : memref<512xi32, #tpu.memory_space<vmem>> -> memref<32xi32, #tpu.memory_space<vmem>>
        %dma_start3A_335 = arith.constant 0 : i32
        %dma_start3A_336 = arith.constant 0 : i32
        %dma_start3A_337 = tpu.memref_slice %arg6[%dma_start3A_335, %dma_start3A_336] : memref<100000x128xf32, #tpu.memory_space<hbm>> -> memref<100000x128xf32, #tpu.memory_space<hbm>>
        tpu.enqueue_indirect_dma source(%dma_start3A_337 : memref<100000x128xf32, #tpu.memory_space<hbm>>) target(%arg26 : memref<32x128xf32, #tpu.memory_space<vmem>>) offsets(%dma_start3A_334 : memref<32xi32, #tpu.memory_space<vmem>>) semaphore(%arg40 : memref<!tpu.dma_semaphore, #tpu.memory_space<semaphore_mem>>)
        %dma_start3A_338 = tpu.memref_slice %arg11[%mul3A_329] : memref<512xi32, #tpu.memory_space<vmem>> -> memref<32xi32, #tpu.memory_space<vmem>>
        %dma_start3A_339 = arith.constant 0 : i32
        %dma_start3A_340 = arith.constant 0 : i32
        %dma_start3A_341 = tpu.memref_slice %arg7[%dma_start3A_339, %dma_start3A_340] : memref<1000x128xf32, #tpu.memory_space<hbm>> -> memref<1000x128xf32, #tpu.memory_space<hbm>>
        tpu.enqueue_indirect_dma source(%dma_start3A_341 : memref<1000x128xf32, #tpu.memory_space<hbm>>) target(%arg27 : memref<32x128xf32, #tpu.memory_space<vmem>>) offsets(%dma_start3A_338 : memref<32xi32, #tpu.memory_space<vmem>>) semaphore(%arg40 : memref<!tpu.dma_semaphore, #tpu.memory_space<semaphore_mem>>)
        %dma_start3A_342 = tpu.memref_slice %arg11[%mul3A_329] : memref<512xi32, #tpu.memory_space<vmem>> -> memref<32xi32, #tpu.memory_space<vmem>>
        %dma_start3A_343 = arith.constant 0 : i32
        %dma_start3A_344 = arith.constant 0 : i32
        %dma_start3A_345 = tpu.memref_slice %arg8[%dma_start3A_343, %dma_start3A_344] : memref<1000x128xf32, #tpu.memory_space<hbm>> -> memref<1000x128xf32, #tpu.memory_space<hbm>>
        tpu.enqueue_indirect_dma source(%dma_start3A_345 : memref<1000x128xf32, #tpu.memory_space<hbm>>) target(%arg28 : memref<32x128xf32, #tpu.memory_space<vmem>>) offsets(%dma_start3A_342 : memref<32xi32, #tpu.memory_space<vmem>>) semaphore(%arg40 : memref<!tpu.dma_semaphore, #tpu.memory_space<semaphore_mem>>)
        %dma_start3A_346 = tpu.memref_slice %arg12[%mul3A_329] : memref<512xi32, #tpu.memory_space<vmem>> -> memref<32xi32, #tpu.memory_space<vmem>>
        %dma_start3A_347 = arith.constant 0 : i32
        %dma_start3A_348 = arith.constant 0 : i32
        %dma_start3A_349 = tpu.memref_slice %arg5[%dma_start3A_347, %dma_start3A_348] : memref<100000x128xf32, #tpu.memory_space<hbm>> -> memref<100000x128xf32, #tpu.memory_space<hbm>>
        tpu.enqueue_indirect_dma source(%dma_start3A_349 : memref<100000x128xf32, #tpu.memory_space<hbm>>) target(%arg29 : memref<32x128xf32, #tpu.memory_space<vmem>>) offsets(%dma_start3A_346 : memref<32xi32, #tpu.memory_space<vmem>>) semaphore(%arg40 : memref<!tpu.dma_semaphore, #tpu.memory_space<semaphore_mem>>)
        %dma_start3A_350 = tpu.memref_slice %arg12[%mul3A_329] : memref<512xi32, #tpu.memory_space<vmem>> -> memref<32xi32, #tpu.memory_space<vmem>>
        %dma_start3A_351 = arith.constant 0 : i32
        %dma_start3A_352 = arith.constant 0 : i32
        %dma_start3A_353 = tpu.memref_slice %arg6[%dma_start3A_351, %dma_start3A_352] : memref<100000x128xf32, #tpu.memory_space<hbm>> -> memref<100000x128xf32, #tpu.memory_space<hbm>>
        tpu.enqueue_indirect_dma source(%dma_start3A_353 : memref<100000x128xf32, #tpu.memory_space<hbm>>) target(%arg30 : memref<32x128xf32, #tpu.memory_space<vmem>>) offsets(%dma_start3A_350 : memref<32xi32, #tpu.memory_space<vmem>>) semaphore(%arg40 : memref<!tpu.dma_semaphore, #tpu.memory_space<semaphore_mem>>)
      } else {
      }
      %add3A_279 = arith.constant 3 : i32
      %add3A_280 = arith.addi %mul3A_140, %add3A_279 : i32
      %dma_wait3A_281 = arith.constant 0 : i32
      %dma_wait3A_282 = tpu.memref_slice %arg10[%dma_wait3A_281] : memref<512xi32, #tpu.memory_space<vmem>> -> memref<32xi32, #tpu.memory_space<vmem>>
      %dma_wait3A_283 = arith.constant 0 : i32
      %dma_wait3A_284 = arith.constant 0 : i32
      %dma_wait3A_285 = tpu.memref_slice %arg5[%dma_wait3A_283, %dma_wait3A_284] : memref<100000x128xf32, #tpu.memory_space<hbm>> -> memref<100000x128xf32, #tpu.memory_space<hbm>>
      tpu.wait_indirect_dma semaphore(%arg41 : memref<!tpu.dma_semaphore, #tpu.memory_space<semaphore_mem>>) src(%dma_wait3A_285 : memref<100000x128xf32, #tpu.memory_space<hbm>>) dst(%arg31 : memref<32x128xf32, #tpu.memory_space<vmem>>)
      %dma_wait3A_286 = arith.constant 0 : i32
      %dma_wait3A_287 = tpu.memref_slice %arg10[%dma_wait3A_286] : memref<512xi32, #tpu.memory_space<vmem>> -> memref<32xi32, #tpu.memory_space<vmem>>
      %dma_wait3A_288 = arith.constant 0 : i32
      %dma_wait3A_289 = arith.constant 0 : i32
      %dma_wait3A_290 = tpu.memref_slice %arg6[%dma_wait3A_288, %dma_wait3A_289] : memref<100000x128xf32, #tpu.memory_space<hbm>> -> memref<100000x128xf32, #tpu.memory_space<hbm>>
      tpu.wait_indirect_dma semaphore(%arg41 : memref<!tpu.dma_semaphore, #tpu.memory_space<semaphore_mem>>) src(%dma_wait3A_290 : memref<100000x128xf32, #tpu.memory_space<hbm>>) dst(%arg32 : memref<32x128xf32, #tpu.memory_space<vmem>>)
      %dma_wait3A_291 = arith.constant 0 : i32
      %dma_wait3A_292 = tpu.memref_slice %arg10[%dma_wait3A_291] : memref<512xi32, #tpu.memory_space<vmem>> -> memref<32xi32, #tpu.memory_space<vmem>>
      %dma_wait3A_293 = arith.constant 0 : i32
      %dma_wait3A_294 = arith.constant 0 : i32
      %dma_wait3A_295 = tpu.memref_slice %arg7[%dma_wait3A_293, %dma_wait3A_294] : memref<1000x128xf32, #tpu.memory_space<hbm>> -> memref<1000x128xf32, #tpu.memory_space<hbm>>
      tpu.wait_indirect_dma semaphore(%arg41 : memref<!tpu.dma_semaphore, #tpu.memory_space<semaphore_mem>>) src(%dma_wait3A_295 : memref<1000x128xf32, #tpu.memory_space<hbm>>) dst(%arg33 : memref<32x128xf32, #tpu.memory_space<vmem>>)
      %dma_wait3A_296 = arith.constant 0 : i32
      %dma_wait3A_297 = tpu.memref_slice %arg10[%dma_wait3A_296] : memref<512xi32, #tpu.memory_space<vmem>> -> memref<32xi32, #tpu.memory_space<vmem>>
      %dma_wait3A_298 = arith.constant 0 : i32
      %dma_wait3A_299 = arith.constant 0 : i32
      %dma_wait3A_300 = tpu.memref_slice %arg8[%dma_wait3A_298, %dma_wait3A_299] : memref<1000x128xf32, #tpu.memory_space<hbm>> -> memref<1000x128xf32, #tpu.memory_space<hbm>>
      tpu.wait_indirect_dma semaphore(%arg41 : memref<!tpu.dma_semaphore, #tpu.memory_space<semaphore_mem>>) src(%dma_wait3A_300 : memref<1000x128xf32, #tpu.memory_space<hbm>>) dst(%arg34 : memref<32x128xf32, #tpu.memory_space<vmem>>)
      %dma_wait3A_301 = arith.constant 0 : i32
      %dma_wait3A_302 = tpu.memref_slice %arg10[%dma_wait3A_301] : memref<512xi32, #tpu.memory_space<vmem>> -> memref<32xi32, #tpu.memory_space<vmem>>
      %dma_wait3A_303 = arith.constant 0 : i32
      %dma_wait3A_304 = arith.constant 0 : i32
      %dma_wait3A_305 = tpu.memref_slice %arg5[%dma_wait3A_303, %dma_wait3A_304] : memref<100000x128xf32, #tpu.memory_space<hbm>> -> memref<100000x128xf32, #tpu.memory_space<hbm>>
      tpu.wait_indirect_dma semaphore(%arg41 : memref<!tpu.dma_semaphore, #tpu.memory_space<semaphore_mem>>) src(%dma_wait3A_305 : memref<100000x128xf32, #tpu.memory_space<hbm>>) dst(%arg35 : memref<32x128xf32, #tpu.memory_space<vmem>>)
      %dma_wait3A_306 = arith.constant 0 : i32
      %dma_wait3A_307 = tpu.memref_slice %arg10[%dma_wait3A_306] : memref<512xi32, #tpu.memory_space<vmem>> -> memref<32xi32, #tpu.memory_space<vmem>>
      %dma_wait3A_308 = arith.constant 0 : i32
      %dma_wait3A_309 = arith.constant 0 : i32
      %dma_wait3A_310 = tpu.memref_slice %arg6[%dma_wait3A_308, %dma_wait3A_309] : memref<100000x128xf32, #tpu.memory_space<hbm>> -> memref<100000x128xf32, #tpu.memory_space<hbm>>
      tpu.wait_indirect_dma semaphore(%arg41 : memref<!tpu.dma_semaphore, #tpu.memory_space<semaphore_mem>>) src(%dma_wait3A_310 : memref<100000x128xf32, #tpu.memory_space<hbm>>) dst(%arg36 : memref<32x128xf32, #tpu.memory_space<vmem>>)
      %mul3A_311 = arith.constant 32 : i32
      %mul3A_312 = arith.muli %add3A_280, %mul3A_311 : i32
      %scan3A_313 = arith.constant 0 : i32
      %scan3A_314 = arith.constant 0 : i32
      %scan3A_315 = arith.constant 2 : i32
      %scan3A_316 = arith.addi %scan3A_314, %scan3A_315 : i32
      %scan3A_317 = arith.constant 1 : i32
      scf.for %scan3A_326 = %scan3A_314 to %scan3A_316 step %scan3A_317  : i32 {
        %mul3A_327 = arith.constant 16 : i32
        %mul3A_328 = arith.muli %scan3A_326, %mul3A_327 : i32
        %add3A_329 = vector.broadcast %mul3A_328 : i32 to vector<16xi32>
        %add3A_330 = arith.addi %add3A_329, %iota3A : vector<16xi32>
        %broadcast_in_dim3A = arith.constant 0.000000e+00 : f32
        %broadcast_in_dim3A_331 = vector.broadcast %broadcast_in_dim3A : f32 to vector<16xf32>
        %broadcast_in_dim3A_332 = arith.constant 0.000000e+00 : f32
        %broadcast_in_dim3A_333 = vector.broadcast %broadcast_in_dim3A_332 : f32 to vector<16xf32>
        %parallel_loop3A = arith.constant 0 : i32
        %parallel_loop3A_334 = arith.constant 128 : i32
        %parallel_loop3A_335 = arith.constant 8 : i32
        %parallel_loop3A_336:2 = scf.for %parallel_loop3A_342 = %parallel_loop3A to %parallel_loop3A_334 step %parallel_loop3A_335 iter_args(%parallel_loop3A_343 = %broadcast_in_dim3A_331, %parallel_loop3A_344 = %broadcast_in_dim3A_333) -> (vector<16xf32>, vector<16xf32>)  : i32 {
          %parallel_loop3A_345 = arith.constant 9 : i32
          %parallel_loop3A_346 = vector.broadcast %parallel_loop3A_345 : i32 to vector<16xi32>
          %parallel_loop3A_347 = arith.muli %iota3A, %parallel_loop3A_346 : vector<16xi32>
          %parallel_loop3A_348 = arith.constant 0 : i32
          %parallel_loop3A_349 = arith.addi %parallel_loop3A_342, %parallel_loop3A_348 : i32
          %parallel_loop3A_350 = vector.broadcast %parallel_loop3A_349 : i32 to vector<16xi32>
          %parallel_loop3A_351 = arith.addi %parallel_loop3A_347, %parallel_loop3A_350 : vector<16xi32>
          %parallel_loop3A_352 = arith.constant 127 : i32
          %parallel_loop3A_353 = vector.broadcast %parallel_loop3A_352 : i32 to vector<16xi32>
          %parallel_loop3A_354 = arith.andi %parallel_loop3A_351, %parallel_loop3A_353 : vector<16xi32>
          %parallel_loop3A_355 = tpu.vector_load_idx %arg31[%add3A_330, %parallel_loop3A_354] : memref<32x128xf32, #tpu.memory_space<vmem>>[vector<16xi32>, vector<16xi32>], vector<16xf32>,
          %parallel_loop3A_356 = tpu.vector_load_idx %arg32[%add3A_330, %parallel_loop3A_354] : memref<32x128xf32, #tpu.memory_space<vmem>>[vector<16xi32>, vector<16xi32>], vector<16xf32>,
          %parallel_loop3A_357 = tpu.vector_load_idx %arg33[%add3A_330, %parallel_loop3A_354] : memref<32x128xf32, #tpu.memory_space<vmem>>[vector<16xi32>, vector<16xi32>], vector<16xf32>,
          %parallel_loop3A_358 = tpu.vector_load_idx %arg34[%add3A_330, %parallel_loop3A_354] : memref<32x128xf32, #tpu.memory_space<vmem>>[vector<16xi32>, vector<16xi32>], vector<16xf32>,
          %parallel_loop3A_359 = tpu.vector_load_idx %arg35[%add3A_330, %parallel_loop3A_354] : memref<32x128xf32, #tpu.memory_space<vmem>>[vector<16xi32>, vector<16xi32>], vector<16xf32>,
          %parallel_loop3A_360 = tpu.vector_load_idx %arg36[%add3A_330, %parallel_loop3A_354] : memref<32x128xf32, #tpu.memory_space<vmem>>[vector<16xi32>, vector<16xi32>], vector<16xf32>,
          %parallel_loop3A_361 = arith.mulf %parallel_loop3A_355, %parallel_loop3A_357 : vector<16xf32>
          %parallel_loop3A_362 = arith.mulf %parallel_loop3A_356, %parallel_loop3A_358 : vector<16xf32>
          %parallel_loop3A_363 = arith.subf %parallel_loop3A_361, %parallel_loop3A_362 : vector<16xf32>
          %parallel_loop3A_364 = arith.mulf %parallel_loop3A_363, %parallel_loop3A_359 : vector<16xf32>
          %parallel_loop3A_365 = arith.addf %parallel_loop3A_343, %parallel_loop3A_364 : vector<16xf32>
          %parallel_loop3A_366 = arith.mulf %parallel_loop3A_355, %parallel_loop3A_358 : vector<16xf32>
          %parallel_loop3A_367 = arith.mulf %parallel_loop3A_356, %parallel_loop3A_357 : vector<16xf32>
          %parallel_loop3A_368 = arith.addf %parallel_loop3A_366, %parallel_loop3A_367 : vector<16xf32>
          %parallel_loop3A_369 = arith.mulf %parallel_loop3A_368, %parallel_loop3A_360 : vector<16xf32>
          %parallel_loop3A_370 = arith.addf %parallel_loop3A_344, %parallel_loop3A_369 : vector<16xf32>
          %parallel_loop3A_371 = arith.constant 9 : i32
          %parallel_loop3A_372 = vector.broadcast %parallel_loop3A_371 : i32 to vector<16xi32>
          %parallel_loop3A_373 = arith.muli %iota3A, %parallel_loop3A_372 : vector<16xi32>
          %parallel_loop3A_374 = arith.constant 1 : i32
          %parallel_loop3A_375 = arith.addi %parallel_loop3A_342, %parallel_loop3A_374 : i32
          %parallel_loop3A_376 = vector.broadcast %parallel_loop3A_375 : i32 to vector<16xi32>
          %parallel_loop3A_377 = arith.addi %parallel_loop3A_373, %parallel_loop3A_376 : vector<16xi32>
          %parallel_loop3A_378 = arith.constant 127 : i32
          %parallel_loop3A_379 = vector.broadcast %parallel_loop3A_378 : i32 to vector<16xi32>
          %parallel_loop3A_380 = arith.andi %parallel_loop3A_377, %parallel_loop3A_379 : vector<16xi32>
          %parallel_loop3A_381 = tpu.vector_load_idx %arg31[%add3A_330, %parallel_loop3A_380] : memref<32x128xf32, #tpu.memory_space<vmem>>[vector<16xi32>, vector<16xi32>], vector<16xf32>,
          %parallel_loop3A_382 = tpu.vector_load_idx %arg32[%add3A_330, %parallel_loop3A_380] : memref<32x128xf32, #tpu.memory_space<vmem>>[vector<16xi32>, vector<16xi32>], vector<16xf32>,
          %parallel_loop3A_383 = tpu.vector_load_idx %arg33[%add3A_330, %parallel_loop3A_380] : memref<32x128xf32, #tpu.memory_space<vmem>>[vector<16xi32>, vector<16xi32>], vector<16xf32>,
          %parallel_loop3A_384 = tpu.vector_load_idx %arg34[%add3A_330, %parallel_loop3A_380] : memref<32x128xf32, #tpu.memory_space<vmem>>[vector<16xi32>, vector<16xi32>], vector<16xf32>,
          %parallel_loop3A_385 = tpu.vector_load_idx %arg35[%add3A_330, %parallel_loop3A_380] : memref<32x128xf32, #tpu.memory_space<vmem>>[vector<16xi32>, vector<16xi32>], vector<16xf32>,
          %parallel_loop3A_386 = tpu.vector_load_idx %arg36[%add3A_330, %parallel_loop3A_380] : memref<32x128xf32, #tpu.memory_space<vmem>>[vector<16xi32>, vector<16xi32>], vector<16xf32>,
          %parallel_loop3A_387 = arith.mulf %parallel_loop3A_381, %parallel_loop3A_383 : vector<16xf32>
          %parallel_loop3A_388 = arith.mulf %parallel_loop3A_382, %parallel_loop3A_384 : vector<16xf32>
          %parallel_loop3A_389 = arith.subf %parallel_loop3A_387, %parallel_loop3A_388 : vector<16xf32>
          %parallel_loop3A_390 = arith.mulf %parallel_loop3A_389, %parallel_loop3A_385 : vector<16xf32>
          %parallel_loop3A_391 = arith.addf %parallel_loop3A_365, %parallel_loop3A_390 : vector<16xf32>
          %parallel_loop3A_392 = arith.mulf %parallel_loop3A_381, %parallel_loop3A_384 : vector<16xf32>
          %parallel_loop3A_393 = arith.mulf %parallel_loop3A_382, %parallel_loop3A_383 : vector<16xf32>
          %parallel_loop3A_394 = arith.addf %parallel_loop3A_392, %parallel_loop3A_393 : vector<16xf32>
          %parallel_loop3A_395 = arith.mulf %parallel_loop3A_394, %parallel_loop3A_386 : vector<16xf32>
          %parallel_loop3A_396 = arith.addf %parallel_loop3A_370, %parallel_loop3A_395 : vector<16xf32>
          %parallel_loop3A_397 = arith.constant 9 : i32
          %parallel_loop3A_398 = vector.broadcast %parallel_loop3A_397 : i32 to vector<16xi32>
          %parallel_loop3A_399 = arith.muli %iota3A, %parallel_loop3A_398 : vector<16xi32>
          %parallel_loop3A_400 = arith.constant 2 : i32
          %parallel_loop3A_401 = arith.addi %parallel_loop3A_342, %parallel_loop3A_400 : i32
          %parallel_loop3A_402 = vector.broadcast %parallel_loop3A_401 : i32 to vector<16xi32>
          %parallel_loop3A_403 = arith.addi %parallel_loop3A_399, %parallel_loop3A_402 : vector<16xi32>
          %parallel_loop3A_404 = arith.constant 127 : i32
          %parallel_loop3A_405 = vector.broadcast %parallel_loop3A_404 : i32 to vector<16xi32>
          %parallel_loop3A_406 = arith.andi %parallel_loop3A_403, %parallel_loop3A_405 : vector<16xi32>
          %parallel_loop3A_407 = tpu.vector_load_idx %arg31[%add3A_330, %parallel_loop3A_406] : memref<32x128xf32, #tpu.memory_space<vmem>>[vector<16xi32>, vector<16xi32>], vector<16xf32>,
          %parallel_loop3A_408 = tpu.vector_load_idx %arg32[%add3A_330, %parallel_loop3A_406] : memref<32x128xf32, #tpu.memory_space<vmem>>[vector<16xi32>, vector<16xi32>], vector<16xf32>,
          %parallel_loop3A_409 = tpu.vector_load_idx %arg33[%add3A_330, %parallel_loop3A_406] : memref<32x128xf32, #tpu.memory_space<vmem>>[vector<16xi32>, vector<16xi32>], vector<16xf32>,
          %parallel_loop3A_410 = tpu.vector_load_idx %arg34[%add3A_330, %parallel_loop3A_406] : memref<32x128xf32, #tpu.memory_space<vmem>>[vector<16xi32>, vector<16xi32>], vector<16xf32>,
          %parallel_loop3A_411 = tpu.vector_load_idx %arg35[%add3A_330, %parallel_loop3A_406] : memref<32x128xf32, #tpu.memory_space<vmem>>[vector<16xi32>, vector<16xi32>], vector<16xf32>,
          %parallel_loop3A_412 = tpu.vector_load_idx %arg36[%add3A_330, %parallel_loop3A_406] : memref<32x128xf32, #tpu.memory_space<vmem>>[vector<16xi32>, vector<16xi32>], vector<16xf32>,
          %parallel_loop3A_413 = arith.mulf %parallel_loop3A_407, %parallel_loop3A_409 : vector<16xf32>
          %parallel_loop3A_414 = arith.mulf %parallel_loop3A_408, %parallel_loop3A_410 : vector<16xf32>
          %parallel_loop3A_415 = arith.subf %parallel_loop3A_413, %parallel_loop3A_414 : vector<16xf32>
          %parallel_loop3A_416 = arith.mulf %parallel_loop3A_415, %parallel_loop3A_411 : vector<16xf32>
          %parallel_loop3A_417 = arith.addf %parallel_loop3A_391, %parallel_loop3A_416 : vector<16xf32>
          %parallel_loop3A_418 = arith.mulf %parallel_loop3A_407, %parallel_loop3A_410 : vector<16xf32>
          %parallel_loop3A_419 = arith.mulf %parallel_loop3A_408, %parallel_loop3A_409 : vector<16xf32>
          %parallel_loop3A_420 = arith.addf %parallel_loop3A_418, %parallel_loop3A_419 : vector<16xf32>
          %parallel_loop3A_421 = arith.mulf %parallel_loop3A_420, %parallel_loop3A_412 : vector<16xf32>
          %parallel_loop3A_422 = arith.addf %parallel_loop3A_396, %parallel_loop3A_421 : vector<16xf32>
          %parallel_loop3A_423 = arith.constant 9 : i32
          %parallel_loop3A_424 = vector.broadcast %parallel_loop3A_423 : i32 to vector<16xi32>
          %parallel_loop3A_425 = arith.muli %iota3A, %parallel_loop3A_424 : vector<16xi32>
          %parallel_loop3A_426 = arith.constant 3 : i32
          %parallel_loop3A_427 = arith.addi %parallel_loop3A_342, %parallel_loop3A_426 : i32
          %parallel_loop3A_428 = vector.broadcast %parallel_loop3A_427 : i32 to vector<16xi32>
          %parallel_loop3A_429 = arith.addi %parallel_loop3A_425, %parallel_loop3A_428 : vector<16xi32>
          %parallel_loop3A_430 = arith.constant 127 : i32
          %parallel_loop3A_431 = vector.broadcast %parallel_loop3A_430 : i32 to vector<16xi32>
          %parallel_loop3A_432 = arith.andi %parallel_loop3A_429, %parallel_loop3A_431 : vector<16xi32>
          %parallel_loop3A_433 = tpu.vector_load_idx %arg31[%add3A_330, %parallel_loop3A_432] : memref<32x128xf32, #tpu.memory_space<vmem>>[vector<16xi32>, vector<16xi32>], vector<16xf32>,
          %parallel_loop3A_434 = tpu.vector_load_idx %arg32[%add3A_330, %parallel_loop3A_432] : memref<32x128xf32, #tpu.memory_space<vmem>>[vector<16xi32>, vector<16xi32>], vector<16xf32>,
          %parallel_loop3A_435 = tpu.vector_load_idx %arg33[%add3A_330, %parallel_loop3A_432] : memref<32x128xf32, #tpu.memory_space<vmem>>[vector<16xi32>, vector<16xi32>], vector<16xf32>,
          %parallel_loop3A_436 = tpu.vector_load_idx %arg34[%add3A_330, %parallel_loop3A_432] : memref<32x128xf32, #tpu.memory_space<vmem>>[vector<16xi32>, vector<16xi32>], vector<16xf32>,
          %parallel_loop3A_437 = tpu.vector_load_idx %arg35[%add3A_330, %parallel_loop3A_432] : memref<32x128xf32, #tpu.memory_space<vmem>>[vector<16xi32>, vector<16xi32>], vector<16xf32>,
          %parallel_loop3A_438 = tpu.vector_load_idx %arg36[%add3A_330, %parallel_loop3A_432] : memref<32x128xf32, #tpu.memory_space<vmem>>[vector<16xi32>, vector<16xi32>], vector<16xf32>,
          %parallel_loop3A_439 = arith.mulf %parallel_loop3A_433, %parallel_loop3A_435 : vector<16xf32>
          %parallel_loop3A_440 = arith.mulf %parallel_loop3A_434, %parallel_loop3A_436 : vector<16xf32>
          %parallel_loop3A_441 = arith.subf %parallel_loop3A_439, %parallel_loop3A_440 : vector<16xf32>
          %parallel_loop3A_442 = arith.mulf %parallel_loop3A_441, %parallel_loop3A_437 : vector<16xf32>
          %parallel_loop3A_443 = arith.addf %parallel_loop3A_417, %parallel_loop3A_442 : vector<16xf32>
          %parallel_loop3A_444 = arith.mulf %parallel_loop3A_433, %parallel_loop3A_436 : vector<16xf32>
          %parallel_loop3A_445 = arith.mulf %parallel_loop3A_434, %parallel_loop3A_435 : vector<16xf32>
          %parallel_loop3A_446 = arith.addf %parallel_loop3A_444, %parallel_loop3A_445 : vector<16xf32>
          %parallel_loop3A_447 = arith.mulf %parallel_loop3A_446, %parallel_loop3A_438 : vector<16xf32>
          %parallel_loop3A_448 = arith.addf %parallel_loop3A_422, %parallel_loop3A_447 : vector<16xf32>
          %parallel_loop3A_449 = arith.constant 9 : i32
          %parallel_loop3A_450 = vector.broadcast %parallel_loop3A_449 : i32 to vector<16xi32>
          %parallel_loop3A_451 = arith.muli %iota3A, %parallel_loop3A_450 : vector<16xi32>
          %parallel_loop3A_452 = arith.constant 4 : i32
          %parallel_loop3A_453 = arith.addi %parallel_loop3A_342, %parallel_loop3A_452 : i32
          %parallel_loop3A_454 = vector.broadcast %parallel_loop3A_453 : i32 to vector<16xi32>
          %parallel_loop3A_455 = arith.addi %parallel_loop3A_451, %parallel_loop3A_454 : vector<16xi32>
          %parallel_loop3A_456 = arith.constant 127 : i32
          %parallel_loop3A_457 = vector.broadcast %parallel_loop3A_456 : i32 to vector<16xi32>
          %parallel_loop3A_458 = arith.andi %parallel_loop3A_455, %parallel_loop3A_457 : vector<16xi32>
          %parallel_loop3A_459 = tpu.vector_load_idx %arg31[%add3A_330, %parallel_loop3A_458] : memref<32x128xf32, #tpu.memory_space<vmem>>[vector<16xi32>, vector<16xi32>], vector<16xf32>,
          %parallel_loop3A_460 = tpu.vector_load_idx %arg32[%add3A_330, %parallel_loop3A_458] : memref<32x128xf32, #tpu.memory_space<vmem>>[vector<16xi32>, vector<16xi32>], vector<16xf32>,
          %parallel_loop3A_461 = tpu.vector_load_idx %arg33[%add3A_330, %parallel_loop3A_458] : memref<32x128xf32, #tpu.memory_space<vmem>>[vector<16xi32>, vector<16xi32>], vector<16xf32>,
          %parallel_loop3A_462 = tpu.vector_load_idx %arg34[%add3A_330, %parallel_loop3A_458] : memref<32x128xf32, #tpu.memory_space<vmem>>[vector<16xi32>, vector<16xi32>], vector<16xf32>,
          %parallel_loop3A_463 = tpu.vector_load_idx %arg35[%add3A_330, %parallel_loop3A_458] : memref<32x128xf32, #tpu.memory_space<vmem>>[vector<16xi32>, vector<16xi32>], vector<16xf32>,
          %parallel_loop3A_464 = tpu.vector_load_idx %arg36[%add3A_330, %parallel_loop3A_458] : memref<32x128xf32, #tpu.memory_space<vmem>>[vector<16xi32>, vector<16xi32>], vector<16xf32>,
          %parallel_loop3A_465 = arith.mulf %parallel_loop3A_459, %parallel_loop3A_461 : vector<16xf32>
          %parallel_loop3A_466 = arith.mulf %parallel_loop3A_460, %parallel_loop3A_462 : vector<16xf32>
          %parallel_loop3A_467 = arith.subf %parallel_loop3A_465, %parallel_loop3A_466 : vector<16xf32>
          %parallel_loop3A_468 = arith.mulf %parallel_loop3A_467, %parallel_loop3A_463 : vector<16xf32>
          %parallel_loop3A_469 = arith.addf %parallel_loop3A_443, %parallel_loop3A_468 : vector<16xf32>
          %parallel_loop3A_470 = arith.mulf %parallel_loop3A_459, %parallel_loop3A_462 : vector<16xf32>
          %parallel_loop3A_471 = arith.mulf %parallel_loop3A_460, %parallel_loop3A_461 : vector<16xf32>
          %parallel_loop3A_472 = arith.addf %parallel_loop3A_470, %parallel_loop3A_471 : vector<16xf32>
          %parallel_loop3A_473 = arith.mulf %parallel_loop3A_472, %parallel_loop3A_464 : vector<16xf32>
          %parallel_loop3A_474 = arith.addf %parallel_loop3A_448, %parallel_loop3A_473 : vector<16xf32>
          %parallel_loop3A_475 = arith.constant 9 : i32
          %parallel_loop3A_476 = vector.broadcast %parallel_loop3A_475 : i32 to vector<16xi32>
          %parallel_loop3A_477 = arith.muli %iota3A, %parallel_loop3A_476 : vector<16xi32>
          %parallel_loop3A_478 = arith.constant 5 : i32
          %parallel_loop3A_479 = arith.addi %parallel_loop3A_342, %parallel_loop3A_478 : i32
          %parallel_loop3A_480 = vector.broadcast %parallel_loop3A_479 : i32 to vector<16xi32>
          %parallel_loop3A_481 = arith.addi %parallel_loop3A_477, %parallel_loop3A_480 : vector<16xi32>
          %parallel_loop3A_482 = arith.constant 127 : i32
          %parallel_loop3A_483 = vector.broadcast %parallel_loop3A_482 : i32 to vector<16xi32>
          %parallel_loop3A_484 = arith.andi %parallel_loop3A_481, %parallel_loop3A_483 : vector<16xi32>
          %parallel_loop3A_485 = tpu.vector_load_idx %arg31[%add3A_330, %parallel_loop3A_484] : memref<32x128xf32, #tpu.memory_space<vmem>>[vector<16xi32>, vector<16xi32>], vector<16xf32>,
          %parallel_loop3A_486 = tpu.vector_load_idx %arg32[%add3A_330, %parallel_loop3A_484] : memref<32x128xf32, #tpu.memory_space<vmem>>[vector<16xi32>, vector<16xi32>], vector<16xf32>,
          %parallel_loop3A_487 = tpu.vector_load_idx %arg33[%add3A_330, %parallel_loop3A_484] : memref<32x128xf32, #tpu.memory_space<vmem>>[vector<16xi32>, vector<16xi32>], vector<16xf32>,
          %parallel_loop3A_488 = tpu.vector_load_idx %arg34[%add3A_330, %parallel_loop3A_484] : memref<32x128xf32, #tpu.memory_space<vmem>>[vector<16xi32>, vector<16xi32>], vector<16xf32>,
          %parallel_loop3A_489 = tpu.vector_load_idx %arg35[%add3A_330, %parallel_loop3A_484] : memref<32x128xf32, #tpu.memory_space<vmem>>[vector<16xi32>, vector<16xi32>], vector<16xf32>,
          %parallel_loop3A_490 = tpu.vector_load_idx %arg36[%add3A_330, %parallel_loop3A_484] : memref<32x128xf32, #tpu.memory_space<vmem>>[vector<16xi32>, vector<16xi32>], vector<16xf32>,
          %parallel_loop3A_491 = arith.mulf %parallel_loop3A_485, %parallel_loop3A_487 : vector<16xf32>
          %parallel_loop3A_492 = arith.mulf %parallel_loop3A_486, %parallel_loop3A_488 : vector<16xf32>
          %parallel_loop3A_493 = arith.subf %parallel_loop3A_491, %parallel_loop3A_492 : vector<16xf32>
          %parallel_loop3A_494 = arith.mulf %parallel_loop3A_493, %parallel_loop3A_489 : vector<16xf32>
          %parallel_loop3A_495 = arith.addf %parallel_loop3A_469, %parallel_loop3A_494 : vector<16xf32>
          %parallel_loop3A_496 = arith.mulf %parallel_loop3A_485, %parallel_loop3A_488 : vector<16xf32>
          %parallel_loop3A_497 = arith.mulf %parallel_loop3A_486, %parallel_loop3A_487 : vector<16xf32>
          %parallel_loop3A_498 = arith.addf %parallel_loop3A_496, %parallel_loop3A_497 : vector<16xf32>
          %parallel_loop3A_499 = arith.mulf %parallel_loop3A_498, %parallel_loop3A_490 : vector<16xf32>
          %parallel_loop3A_500 = arith.addf %parallel_loop3A_474, %parallel_loop3A_499 : vector<16xf32>
          %parallel_loop3A_501 = arith.constant 9 : i32
          %parallel_loop3A_502 = vector.broadcast %parallel_loop3A_501 : i32 to vector<16xi32>
          %parallel_loop3A_503 = arith.muli %iota3A, %parallel_loop3A_502 : vector<16xi32>
          %parallel_loop3A_504 = arith.constant 6 : i32
          %parallel_loop3A_505 = arith.addi %parallel_loop3A_342, %parallel_loop3A_504 : i32
          %parallel_loop3A_506 = vector.broadcast %parallel_loop3A_505 : i32 to vector<16xi32>
          %parallel_loop3A_507 = arith.addi %parallel_loop3A_503, %parallel_loop3A_506 : vector<16xi32>
          %parallel_loop3A_508 = arith.constant 127 : i32
          %parallel_loop3A_509 = vector.broadcast %parallel_loop3A_508 : i32 to vector<16xi32>
          %parallel_loop3A_510 = arith.andi %parallel_loop3A_507, %parallel_loop3A_509 : vector<16xi32>
          %parallel_loop3A_511 = tpu.vector_load_idx %arg31[%add3A_330, %parallel_loop3A_510] : memref<32x128xf32, #tpu.memory_space<vmem>>[vector<16xi32>, vector<16xi32>], vector<16xf32>,
          %parallel_loop3A_512 = tpu.vector_load_idx %arg32[%add3A_330, %parallel_loop3A_510] : memref<32x128xf32, #tpu.memory_space<vmem>>[vector<16xi32>, vector<16xi32>], vector<16xf32>,
          %parallel_loop3A_513 = tpu.vector_load_idx %arg33[%add3A_330, %parallel_loop3A_510] : memref<32x128xf32, #tpu.memory_space<vmem>>[vector<16xi32>, vector<16xi32>], vector<16xf32>,
          %parallel_loop3A_514 = tpu.vector_load_idx %arg34[%add3A_330, %parallel_loop3A_510] : memref<32x128xf32, #tpu.memory_space<vmem>>[vector<16xi32>, vector<16xi32>], vector<16xf32>,
          %parallel_loop3A_515 = tpu.vector_load_idx %arg35[%add3A_330, %parallel_loop3A_510] : memref<32x128xf32, #tpu.memory_space<vmem>>[vector<16xi32>, vector<16xi32>], vector<16xf32>,
          %parallel_loop3A_516 = tpu.vector_load_idx %arg36[%add3A_330, %parallel_loop3A_510] : memref<32x128xf32, #tpu.memory_space<vmem>>[vector<16xi32>, vector<16xi32>], vector<16xf32>,
          %parallel_loop3A_517 = arith.mulf %parallel_loop3A_511, %parallel_loop3A_513 : vector<16xf32>
          %parallel_loop3A_518 = arith.mulf %parallel_loop3A_512, %parallel_loop3A_514 : vector<16xf32>
          %parallel_loop3A_519 = arith.subf %parallel_loop3A_517, %parallel_loop3A_518 : vector<16xf32>
          %parallel_loop3A_520 = arith.mulf %parallel_loop3A_519, %parallel_loop3A_515 : vector<16xf32>
          %parallel_loop3A_521 = arith.addf %parallel_loop3A_495, %parallel_loop3A_520 : vector<16xf32>
          %parallel_loop3A_522 = arith.mulf %parallel_loop3A_511, %parallel_loop3A_514 : vector<16xf32>
          %parallel_loop3A_523 = arith.mulf %parallel_loop3A_512, %parallel_loop3A_513 : vector<16xf32>
          %parallel_loop3A_524 = arith.addf %parallel_loop3A_522, %parallel_loop3A_523 : vector<16xf32>
          %parallel_loop3A_525 = arith.mulf %parallel_loop3A_524, %parallel_loop3A_516 : vector<16xf32>
          %parallel_loop3A_526 = arith.addf %parallel_loop3A_500, %parallel_loop3A_525 : vector<16xf32>
          %parallel_loop3A_527 = arith.constant 9 : i32
          %parallel_loop3A_528 = vector.broadcast %parallel_loop3A_527 : i32 to vector<16xi32>
          %parallel_loop3A_529 = arith.muli %iota3A, %parallel_loop3A_528 : vector<16xi32>
          %parallel_loop3A_530 = arith.constant 7 : i32
          %parallel_loop3A_531 = arith.addi %parallel_loop3A_342, %parallel_loop3A_530 : i32
          %parallel_loop3A_532 = vector.broadcast %parallel_loop3A_531 : i32 to vector<16xi32>
          %parallel_loop3A_533 = arith.addi %parallel_loop3A_529, %parallel_loop3A_532 : vector<16xi32>
          %parallel_loop3A_534 = arith.constant 127 : i32
          %parallel_loop3A_535 = vector.broadcast %parallel_loop3A_534 : i32 to vector<16xi32>
          %parallel_loop3A_536 = arith.andi %parallel_loop3A_533, %parallel_loop3A_535 : vector<16xi32>
          %parallel_loop3A_537 = tpu.vector_load_idx %arg31[%add3A_330, %parallel_loop3A_536] : memref<32x128xf32, #tpu.memory_space<vmem>>[vector<16xi32>, vector<16xi32>], vector<16xf32>,
          %parallel_loop3A_538 = tpu.vector_load_idx %arg32[%add3A_330, %parallel_loop3A_536] : memref<32x128xf32, #tpu.memory_space<vmem>>[vector<16xi32>, vector<16xi32>], vector<16xf32>,
          %parallel_loop3A_539 = tpu.vector_load_idx %arg33[%add3A_330, %parallel_loop3A_536] : memref<32x128xf32, #tpu.memory_space<vmem>>[vector<16xi32>, vector<16xi32>], vector<16xf32>,
          %parallel_loop3A_540 = tpu.vector_load_idx %arg34[%add3A_330, %parallel_loop3A_536] : memref<32x128xf32, #tpu.memory_space<vmem>>[vector<16xi32>, vector<16xi32>], vector<16xf32>,
          %parallel_loop3A_541 = tpu.vector_load_idx %arg35[%add3A_330, %parallel_loop3A_536] : memref<32x128xf32, #tpu.memory_space<vmem>>[vector<16xi32>, vector<16xi32>], vector<16xf32>,
          %parallel_loop3A_542 = tpu.vector_load_idx %arg36[%add3A_330, %parallel_loop3A_536] : memref<32x128xf32, #tpu.memory_space<vmem>>[vector<16xi32>, vector<16xi32>], vector<16xf32>,
          %parallel_loop3A_543 = arith.mulf %parallel_loop3A_537, %parallel_loop3A_539 : vector<16xf32>
          %parallel_loop3A_544 = arith.mulf %parallel_loop3A_538, %parallel_loop3A_540 : vector<16xf32>
          %parallel_loop3A_545 = arith.subf %parallel_loop3A_543, %parallel_loop3A_544 : vector<16xf32>
          %parallel_loop3A_546 = arith.mulf %parallel_loop3A_545, %parallel_loop3A_541 : vector<16xf32>
          %parallel_loop3A_547 = arith.addf %parallel_loop3A_521, %parallel_loop3A_546 : vector<16xf32>
          %parallel_loop3A_548 = arith.mulf %parallel_loop3A_537, %parallel_loop3A_540 : vector<16xf32>
          %parallel_loop3A_549 = arith.mulf %parallel_loop3A_538, %parallel_loop3A_539 : vector<16xf32>
          %parallel_loop3A_550 = arith.addf %parallel_loop3A_548, %parallel_loop3A_549 : vector<16xf32>
          %parallel_loop3A_551 = arith.mulf %parallel_loop3A_550, %parallel_loop3A_542 : vector<16xf32>
          %parallel_loop3A_552 = arith.addf %parallel_loop3A_526, %parallel_loop3A_551 : vector<16xf32>
          scf.yield %parallel_loop3A_547, %parallel_loop3A_552 : vector<16xf32>, vector<16xf32>
        } {sc.loop_unroll_factor = 1 : i64, sc.parallel_access}
        %add3A_337 = arith.addf %parallel_loop3A_336#0, %parallel_loop3A_336#1 : vector<16xf32>
        %mul3A_338 = arith.constant 16 : i32
        %mul3A_339 = arith.muli %scan3A_326, %mul3A_338 : i32
        %add3A_340 = arith.addi %mul3A_312, %mul3A_339 : i32
        %swap3A = arith.index_cast %add3A_340 : i32 to index
        %swap3A_341 = tpu.vector_load %arg37[%swap3A] {strides = array<i32>} : memref<512xf32, #tpu.memory_space<vmem>>, vector<16xf32>,
        tpu.vector_store %arg37[%swap3A], %add3A_337 {strides = array<i32>} : memref<512xf32, #tpu.memory_space<vmem>>, vector<16xf32>,
      }
      %scan3A_318 = arith.constant 2 : i32
      %add3A_319 = arith.constant 4 : i32
      %add3A_320 = arith.addi %add3A_280, %add3A_319 : i32
      %lt3A_321 = arith.constant 16 : i32
      %lt3A_322 = arith.cmpi slt, %add3A_320, %lt3A_321 : i32
      %convert_element_type3A_323 = arith.extui %lt3A_322 : i1 to i32
      %cond3A_324 = arith.constant 0 : i32
      %cond3A_325 = arith.cmpi ne, %convert_element_type3A_323, %cond3A_324 : i32
      scf.if %cond3A_325 {
        %add3A_326 = arith.constant 4 : i32
        %add3A_327 = arith.addi %add3A_280, %add3A_326 : i32
        %mul3A_328 = arith.constant 32 : i32
        %mul3A_329 = arith.muli %add3A_327, %mul3A_328 : i32
        %dma_start3A_330 = tpu.memref_slice %arg10[%mul3A_329] : memref<512xi32, #tpu.memory_space<vmem>> -> memref<32xi32, #tpu.memory_space<vmem>>
        %dma_start3A_331 = arith.constant 0 : i32
        %dma_start3A_332 = arith.constant 0 : i32
        %dma_start3A_333 = tpu.memref_slice %arg5[%dma_start3A_331, %dma_start3A_332] : memref<100000x128xf32, #tpu.memory_space<hbm>> -> memref<100000x128xf32, #tpu.memory_space<hbm>>
        tpu.enqueue_indirect_dma source(%dma_start3A_333 : memref<100000x128xf32, #tpu.memory_space<hbm>>) target(%arg31 : memref<32x128xf32, #tpu.memory_space<vmem>>) offsets(%dma_start3A_330 : memref<32xi32, #tpu.memory_space<vmem>>) semaphore(%arg41 : memref<!tpu.dma_semaphore, #tpu.memory_space<semaphore_mem>>)
        %dma_start3A_334 = tpu.memref_slice %arg10[%mul3A_329] : memref<512xi32, #tpu.memory_space<vmem>> -> memref<32xi32, #tpu.memory_space<vmem>>
        %dma_start3A_335 = arith.constant 0 : i32
        %dma_start3A_336 = arith.constant 0 : i32
        %dma_start3A_337 = tpu.memref_slice %arg6[%dma_start3A_335, %dma_start3A_336] : memref<100000x128xf32, #tpu.memory_space<hbm>> -> memref<100000x128xf32, #tpu.memory_space<hbm>>
        tpu.enqueue_indirect_dma source(%dma_start3A_337 : memref<100000x128xf32, #tpu.memory_space<hbm>>) target(%arg32 : memref<32x128xf32, #tpu.memory_space<vmem>>) offsets(%dma_start3A_334 : memref<32xi32, #tpu.memory_space<vmem>>) semaphore(%arg41 : memref<!tpu.dma_semaphore, #tpu.memory_space<semaphore_mem>>)
        %dma_start3A_338 = tpu.memref_slice %arg11[%mul3A_329] : memref<512xi32, #tpu.memory_space<vmem>> -> memref<32xi32, #tpu.memory_space<vmem>>
        %dma_start3A_339 = arith.constant 0 : i32
        %dma_start3A_340 = arith.constant 0 : i32
        %dma_start3A_341 = tpu.memref_slice %arg7[%dma_start3A_339, %dma_start3A_340] : memref<1000x128xf32, #tpu.memory_space<hbm>> -> memref<1000x128xf32, #tpu.memory_space<hbm>>
        tpu.enqueue_indirect_dma source(%dma_start3A_341 : memref<1000x128xf32, #tpu.memory_space<hbm>>) target(%arg33 : memref<32x128xf32, #tpu.memory_space<vmem>>) offsets(%dma_start3A_338 : memref<32xi32, #tpu.memory_space<vmem>>) semaphore(%arg41 : memref<!tpu.dma_semaphore, #tpu.memory_space<semaphore_mem>>)
        %dma_start3A_342 = tpu.memref_slice %arg11[%mul3A_329] : memref<512xi32, #tpu.memory_space<vmem>> -> memref<32xi32, #tpu.memory_space<vmem>>
        %dma_start3A_343 = arith.constant 0 : i32
        %dma_start3A_344 = arith.constant 0 : i32
        %dma_start3A_345 = tpu.memref_slice %arg8[%dma_start3A_343, %dma_start3A_344] : memref<1000x128xf32, #tpu.memory_space<hbm>> -> memref<1000x128xf32, #tpu.memory_space<hbm>>
        tpu.enqueue_indirect_dma source(%dma_start3A_345 : memref<1000x128xf32, #tpu.memory_space<hbm>>) target(%arg34 : memref<32x128xf32, #tpu.memory_space<vmem>>) offsets(%dma_start3A_342 : memref<32xi32, #tpu.memory_space<vmem>>) semaphore(%arg41 : memref<!tpu.dma_semaphore, #tpu.memory_space<semaphore_mem>>)
        %dma_start3A_346 = tpu.memref_slice %arg12[%mul3A_329] : memref<512xi32, #tpu.memory_space<vmem>> -> memref<32xi32, #tpu.memory_space<vmem>>
        %dma_start3A_347 = arith.constant 0 : i32
        %dma_start3A_348 = arith.constant 0 : i32
        %dma_start3A_349 = tpu.memref_slice %arg5[%dma_start3A_347, %dma_start3A_348] : memref<100000x128xf32, #tpu.memory_space<hbm>> -> memref<100000x128xf32, #tpu.memory_space<hbm>>
        tpu.enqueue_indirect_dma source(%dma_start3A_349 : memref<100000x128xf32, #tpu.memory_space<hbm>>) target(%arg35 : memref<32x128xf32, #tpu.memory_space<vmem>>) offsets(%dma_start3A_346 : memref<32xi32, #tpu.memory_space<vmem>>) semaphore(%arg41 : memref<!tpu.dma_semaphore, #tpu.memory_space<semaphore_mem>>)
        %dma_start3A_350 = tpu.memref_slice %arg12[%mul3A_329] : memref<512xi32, #tpu.memory_space<vmem>> -> memref<32xi32, #tpu.memory_space<vmem>>
        %dma_start3A_351 = arith.constant 0 : i32
        %dma_start3A_352 = arith.constant 0 : i32
        %dma_start3A_353 = tpu.memref_slice %arg6[%dma_start3A_351, %dma_start3A_352] : memref<100000x128xf32, #tpu.memory_space<hbm>> -> memref<100000x128xf32, #tpu.memory_space<hbm>>
        tpu.enqueue_indirect_dma source(%dma_start3A_353 : memref<100000x128xf32, #tpu.memory_space<hbm>>) target(%arg36 : memref<32x128xf32, #tpu.memory_space<vmem>>) offsets(%dma_start3A_350 : memref<32xi32, #tpu.memory_space<vmem>>) semaphore(%arg41 : memref<!tpu.dma_semaphore, #tpu.memory_space<semaphore_mem>>)
      } else {
      }
    }
    %scan3A_137 = arith.constant 4 : i32
    "tpu.region"() ({
      %run_scoped3A = tpu.sem_alloc : memref<!tpu.dma_semaphore, #tpu.memory_space<semaphore_mem>>
      %dma_start3A_138 = tpu.memref_slice %arg9[%mul3A_2] : memref<16384xf32, #tpu.memory_space<hbm>> -> memref<512xf32, #tpu.memory_space<hbm>>
      %dma_start3A_139 = tpu.memref_slice %arg9[%mul3A_2] : memref<16384xf32, #tpu.memory_space<hbm>> -> memref<512xf32, #tpu.memory_space<hbm>>
      tpu.enqueue_dma source(%arg37 : memref<512xf32, #tpu.memory_space<vmem>>) target(%dma_start3A_139 : memref<512xf32, #tpu.memory_space<hbm>>) target_semaphore(%run_scoped3A : memref<!tpu.dma_semaphore, #tpu.memory_space<semaphore_mem>>)
      %dma_wait3A_140 = tpu.memref_slice %arg9[%mul3A_2] : memref<16384xf32, #tpu.memory_space<hbm>> -> memref<512xf32, #tpu.memory_space<hbm>>
      %dma_wait3A_141 = tpu.memref_slice %arg9[%mul3A_2] : memref<16384xf32, #tpu.memory_space<hbm>> -> memref<512xf32, #tpu.memory_space<hbm>>
      tpu.wait_dma2 semaphore(%run_scoped3A : memref<!tpu.dma_semaphore, #tpu.memory_space<semaphore_mem>>) src(%arg37 : memref<512xf32, #tpu.memory_space<vmem>>) dst(%dma_wait3A_141 : memref<512xf32, #tpu.memory_space<hbm>>)
      tpu.yield
    }) : () -> ()
    return
  }
}

</mosaic_0001>

<sc_bundles>
// kernel: kernel.3.cloned.1.call-start
scs
__scs_entry_jumppad:
0x0: {  	(pc) =	sbr.rel $0x88, $3  }
0x1: {  	(tag) =	ssettag $0x0;
	lr =	simm.s32 $0x1  }
0x2: {  	[smem:$0x3F9C] =	sst lr;
	_ =	strace $0xD0000000  }
0x3: {  	_ = 	snop  }
0x4: {  	_ = 	snop  }
0x5: {  	_ = 	snop  }
0x6: {  	_ = 	snop  }
0x7: {  	_ = 	snop  }
__scs_overlays_trampoline_lowered:
0x8: {  	[smem:$0x3FAB] =	sst s0  }
0x9: {  	[smem:$0x3FAC] =	sst s1  }
0xa: {  	[smem:$0x3FAD] =	sst s2  }
0xb: {  	[smem:$0x3FAE] =	sst s3  }
0xc: {  	[smem:$0x3FAF] =	sst s4  }
0xd: {  	[smem:$0x3FB0] =	sst s5  }
0xe: {  	[smem:$0x3FB1] =	sst s6  }
0xf: {  	[smem:$0x3FB2] =	sst s7  }
0x10: {  	[smem:$0x3FB3] =	sst s8  }
0x11: {  	[smem:$0x3FB4] =	sst s9;
	s0 =	simm.s32 @!p0 $0x0  }
0x12: {  	s1 =	sld [smem:$0x3F9A];
	s0 =	simm.s32 @p0 $0x1  }
0x13: {  	[smem:$0x3FB5] =	sst s0;
	s0 =	simm.s32 @!p1 $0x0  }
0x14: {  	s2 =	sld [smem:$0x3F99];
	s0 =	simm.s32 @p1 $0x1  }
0x15: {  	[smem:$0x3FB6] =	sst s0;
	s0 =	simm.s32 @!p2 $0x0  }
0x16: {  	s3 =	sld [smem:$0x3FDB];
	s0 =	simm.s32 @p2 $0x1  }
0x17: {  	s4 =	simm.s32 $0x1BF5;
	[smem:$0x3FB8] =	sst s0  }
0x18: {  	s0 =	sld [smem:$0x3F9B];
	_ =	swait.ge [sflag:s4], $0x0  }
0x19: {  	s7 =	sld [smem:$0x3F9C]  }
0x1a: {  	s8 =	sadd.s32 $0xFFFFE003, lr  }
0x1b: {  	s9 =	sadd.s32 $0xFFFFFEF7, lr;
	s5 =	simm.s32 $0xFFFFFFFF;
	p2 =	slt.u32 s8, $0xFFFFF086  }
0x1c: {  	p1 =	slt.u32 s9, $0xF7A;
	s5 =	simm.s32 @!p2 $0x0  }
0x1d: {  	s5 =	simm.s32 @p1 $0x1;
	p0 =	seq.s32 s7, s2  }
0x1e: {  	s7 =	smul.u32 @!p0 $0xF7A, s2;
	p2 =	seq.s32 @!p0 s5, $0x0  }
0x1f: {  	s9 =	smul.u32 $0xF7A, s1;
	s8 =	simm.s32 @!p0 $0x1BF5;
	p2 =	por !p2, p0  }
0x20: {  	[sflag:s8] =	ssyncset.s32 @!p0 $0xFFFFF086;
	s6 =	sadd.s32 @!p0 s3, s7;
	s7 =	simm.s32 @!p0 $0x108  }
0x21: {  	s3 =	sadd.s32 s3, s9;
	s6 =	sadd.s32 @!p0 $0x88, s6;
	s7 =	simm.s32 @p2 $0x1082  }
0x22: {  	[simem:s7], [sflag:s8] =	dma.local @!p0 [hbm:s6], $0xF7A  }
0x23: {  	s9 =	sor.u32 $0xD0000000, s2;
	s6 =	simm.s32 $0x108;
	_ =	swait.ge @!p0 [sflag:s8], $0x0  }
0x24: {  	s3 =	sadd.s32 $0x88, s3;
	s6 =	simm.s32 @!p1 $0x1082;
	[sflag:s4] =	ssyncset.s32 $0xFFFFF086  }
0x25: {  	[simem:s6], [sflag:s4] =	dma.local [hbm:s3], $0xF7A  }
0x26: {  	[smem:$0x3F9C] =	sst s1;
	(tag) =	ssettag s2;
	_ =	strace s9  }
0x27: {  	s1 =	sld [smem:$0x3FAC]  }
0x28: {  	s2 =	sld [smem:$0x3FAD]  }
0x29: {  	s4 =	sld [smem:$0x3FAF]  }
0x2a: {  	p0 =	seq.s32 s5, $0x0;
	s5 =	sld [smem:$0x3FB0]  }
0x2b: {  	s6 =	sld [smem:$0x3FB1]  }
0x2c: {  	s7 =	sld [smem:$0x3FB2]  }
0x2d: {  	s3 =	simm.s32 $0x108;
	s8 =	sld [smem:$0x3FB3]  }
0x2e: {  	s3 =	simm.s32 @!p0 $0x1082;
	s9 =	sld [smem:$0x3FB4]  }
0x2f: {  	lr =	sadd.s32 s0, s3;
	s0 =	sld [smem:$0x3FAB]  }
0x30: {  	s3 =	sld [smem:$0x3FAE]  }
0x31: {  	[smem:$0x3FB7] =	sst s10  }
0x32: {  	s10 =	sld [smem:$0x3FB5];
	_ =	sdelay $0x3  }
0x33: {  	p0 =	seq.s32 s10, $0x1;
	s10 =	sld [smem:$0x3FB7];
	_ =	sdelay $0x3  }
0x34: {  	[smem:$0x3FB7] =	sst s10  }
0x35: {  	s10 =	sld [smem:$0x3FB6];
	_ =	sdelay $0x3  }
0x36: {  	p1 =	seq.s32 s10, $0x1;
	s10 =	sld [smem:$0x3FB7];
	_ =	sdelay $0x3  }
0x37: {  	[smem:$0x3FB7] =	sst s10  }
0x38: {  	s10 =	sld [smem:$0x3FB8]  }
0x39: {  	_ = 	snop;
	(pc) =	sbr.ind lr, $3  }
0x3a: {  	_ = 	snop  }
0x3b: {  	_ = 	snop  }
0x3c: {  	p2 =	seq.s32 s10, $0x1;
	s10 =	sld [smem:$0x3FB7]  }
0x3d: {  	_ =	shalt  }
0x3e: {  	_ =	shalt  }
0x3f: {  	_ =	shalt  }
0x40: {  	_ =	shalt  }
0x41: {  	_ =	shalt  }
0x42: {  	_ =	shalt  }
0x43: {  	_ =	shalt  }
0x44: {  	_ =	shalt  }
0x45: {  	_ =	shalt  }
0x46: {  	_ =	shalt  }
0x47: {  	_ =	shalt  }
0x48: {  	_ =	shalt  }
0x49: {  	_ =	shalt  }
0x4a: {  	_ =	shalt  }
0x4b: {  	_ =	shalt  }
0x4c: {  	_ =	shalt  }
0x4d: {  	_ =	shalt  }
0x4e: {  	_ =	shalt  }
0x4f: {  	_ =	shalt  }
0x50: {  	_ =	shalt  }
0x51: {  	_ =	shalt  }
0x52: {  	_ =	shalt  }
0x53: {  	_ =	shalt  }
0x54: {  	_ =	shalt  }
0x55: {  	_ =	shalt  }
0x56: {  	_ =	shalt  }
0x57: {  	_ =	shalt  }
0x58: {  	_ =	shalt  }
0x59: {  	_ =	shalt  }
0x5a: {  	_ =	shalt  }
0x5b: {  	_ =	shalt  }
0x5c: {  	_ =	shalt  }
0x5d: {  	_ =	shalt  }
0x5e: {  	_ =	shalt  }
0x5f: {  	_ =	shalt  }
0x60: {  	_ =	shalt  }
0x61: {  	_ =	shalt  }
0x62: {  	_ =	shalt  }
0x63: {  	_ =	shalt  }
0x64: {  	_ =	shalt  }
0x65: {  	_ =	shalt  }
0x66: {  	_ =	shalt  }
0x67: {  	_ =	shalt  }
0x68: {  	_ =	shalt  }
0x69: {  	_ =	shalt  }
0x6a: {  	_ =	shalt  }
0x6b: {  	_ =	shalt  }
0x6c: {  	_ =	shalt  }
0x6d: {  	_ =	shalt  }
0x6e: {  	_ =	shalt  }
0x6f: {  	_ =	shalt  }
0x70: {  	_ =	shalt  }
0x71: {  	_ =	shalt  }
0x72: {  	_ =	shalt  }
0x73: {  	_ =	shalt  }
0x74: {  	_ =	shalt  }
0x75: {  	_ =	shalt  }
0x76: {  	_ =	shalt  }
0x77: {  	_ =	shalt  }
0x78: {  	_ =	shalt  }
0x79: {  	_ =	shalt  }
0x7a: {  	_ =	shalt  }
0x7b: {  	_ =	shalt  }
0x7c: {  	_ =	shalt  }
0x7d: {  	_ =	shalt  }
0x7e: {  	_ =	shalt  }
0x7f: {  	_ =	shalt  }
0x80: {  	_ =	shalt  }
0x81: {  	_ =	shalt  }
0x82: {  	_ =	shalt  }
0x83: {  	_ =	shalt  }
0x84: {  	_ =	shalt  }
0x85: {  	_ =	shalt  }
0x86: {  	_ =	shalt  }
0x87: {  	_ =	shalt  }
.Lfunc_end0:
.L_simem_size_0:
called_computation_lowered:
.L_overlay_start_0:
0x88: {  	s2 =	sld [smem:$0x3FD9]  }
0x89: {  	s3 =	sld [smem:$0x3FFE];
	_ =	sdelay $0x1  }
0x8a: {  	s1 =	srdreg.scid  }
0x8b: {  	s0 =	sand.u32 $0x1, s1  }
0x8c: {  	s17 =	sshll.u32 s0, $0xA;
	s2 =	sadd.s32 s3, s2  }
0x8d: {  	s2 =	sadd.s32 s2, s17  }
0x8e: {  	[smem:$0x3FC3] =	sst s2  }
0x8f: {  	_ = 	snop  }
0x90: {  	s2 =	sld [smem:$0x3FC8]  }
0x91: {  	s18 =	sld [smem:$0x3FC7]  }
0x92: {  	s4 =	sld [smem:$0x3FC6]  }
0x93: {  	s5 =	sld [smem:$0x3FC5]  }
0x94: {  	s6 =	sld [smem:$0x3FD0];
	(tm) =	ssettm $0x1  }
0x95: {  	s7 =	sld [smem:$0x3FFB];
	_ =	sdelay $0x3  }
0x96: {  	_ =	strace s7  }
0x97: {  	s7 =	sld [smem:$0x3FFC];
	_ =	sdelay $0x3  }
0x98: {  	_ =	strace s7  }
0x99: {  	s7 =	sld [smem:$0x3FFD];
	_ =	sdelay $0x3  }
0x9a: {  	_ =	strace s7  }
0x9b: {  	_ =	strace $0x8FFFFFFF  }
0x9c: {  	s19 =	sld [smem:$0x3FDB];
	_ =	sdelay $0x1  }
0x9d: {  	s8 =	simm.s32 $_scs_section_size  }
0x9e: {  	s9 =	simm.s32 $_size__tile_overlayer_lowered;
	s10 =	simm.s32 $_tile_overlayer_lowered  }
0x9f: {  	s22 =	simm.s32 $0x1BFF;
	s21 =	sshll.u32 s10, $0x1;
	s7 =	sadd.s32 s8, s19  }
0xa0: {  	s11 =	simm.s32 $0x0;
	s20 =	sshll.u32 s9, $0x1;
	s9 =	sadd.s32 s21, s7  }
0xa1: {  	[timem:s11], [sflag:s22] =	dma.local [hbm:s9], s20  }
0xa2: {  	_ =	swait.ge [sflag:s22], s20  }
0xa3: {  	s8 =	ssub.s32 $0x0, s20;
	[sflag:s22] =	ssyncset.done $0x0  }
0xa4: {  	[sflag:s22] =	ssyncadd.s32 s8;
	_ =	sdelay $0x1  }
0xa5: {  	s23 =	simm.s32 $0x1B8B  }
0xa6: {  	_ =	swait.ge [sflag:s23], $0x1  }
0xa7: {  	[sflag:s23] =	ssyncset.done $0x0  }
0xa8: {  	s25 =	simm.s32 $0x1B8E;
	s24 =	sld [smem:$0x3FFE];
	[sflag:s23] =	ssyncadd.s32 $0xFFFFFFFF  }
0xa9: {  	s26 =	simm.s32 $execute0_lowered;
	[smem:$0x3FD2] =	sst s25  }
0xaa: {  	s9 =	sshll.u32 s26, $0x1;
	_ =	strace $0x80000046;
	[dreg:$0x1] =	wrdreg $0xFFFFFFFF  }
0xab: {  	s28 =	simm.s32 $_size_execute0_lowered;
	s7 =	sadd.s32 s7, s9;
	[dreg:$0x0] =	wrdreg $0x0  }
0xac: {  	s9 =	sshll.u32 s28, $0x1;
	[dreg:$0x2] =	wrdreg s7  }
0xad: {  	[dreg:$0x3] =	wrdreg s9  }
0xae: {  	[dreg:$0x4] =	wrdreg $0xC0  }
0xaf: {  	_ =	task [dreg:s11], $0x5FFFF  }
0xb0: {  	[dreg:$0x1] =	wrdreg $0xFFFFFFFF  }
0xb1: {  	[dreg:$0x0] =	wrdreg $0x60  }
0xb2: {  	[dreg:$0x2] =	wrdreg s24  }
0xb3: {  	[dreg:$0x3] =	wrdreg s2  }
0xb4: {  	[dreg:$0x4] =	wrdreg s18  }
0xb5: {  	[dreg:$0x5] =	wrdreg s4  }
0xb6: {  	[dreg:$0x6] =	wrdreg s5  }
0xb7: {  	[dreg:$0x7] =	wrdreg s6  }
0xb8: {  	[dreg:$0x8] =	wrdreg $0x9  }
0xb9: {  	_ =	task.clear_ibuf [dreg:s11], $0x9FFFF;
	_ =	strace $0x90000046  }
0xba: {  	s29 =	simm.s32 $0x9;
	_ =	strace $0x80000048  }
0xbb: {  	_ =	swait.ge [sflag:s29], $0x1  }
0xbc: {  	[sflag:s29] =	ssyncadd.s32 $0xFFFFFFFF  }
0xbd: {  	_ =	strace $0x90000048  }
0xbe: {  	_ =	sfence  }
0xbf: {  	s30 =	sld [smem:$0x0];
	_ =	sdelay $0x2  }
0xc0: {  	s31 =	sshll.u32 s1, $0xD;
	s1 =	sshrl.u32 s1, $0x2  }
0xc1: {  	s3 =	sand.u32 $0x4000, s31;
	s1 =	sadd.s32 s1, s30  }
0xc2: {  	s0 =	sor.u32 s3, s0;
	s1 =	sshll.u32 s1, $0x11  }
0xc3: {  	s0 =	sor.u32 s1, s0  }
0xc4: {  	s0 =	sadd.s32 $0x8F2B, s0  }
0xc5: {  	[sflag:s0] =	ssyncadd.remote.s32 $0x1  }
0xc6: {  	_ =	sfence.sel $0xFFFF  }
0xc7: {  	[dreg:$0x0] =	wrdreg $0xFFFFFFFF;
	(pc) =	sbr.abs _section_cstart, $3  }
0xc8: {  	[dreg:$0x1] =	wrdreg $0xFFFFFFFF  }
0xc9: {  	_ =	task.clear_ibuf [dreg:s11], $0x2FFFF;
	_ =	strace $0x9FFFFFFF  }
0xca: {  	(tm) =	ssettm $0x7FFFFFFF  }
0xcb: {  	_ =	shalt  }
tec
execute0_lowered:
.L_overlay_start_1:
0x0: {  	(tag) =	ssettag $0x1  }
0x1: {  	s0 =	rddreg [dreg:$0x0]  }
0x2: {  	s1 =	rddreg [dreg:$0x5];
	s2 =	srdreg.scid  }
0x3: {  	s3 =	simm.s32 $0x0;
	s4 =	stileid.u32;
	s16 =	simm.s32 $0x600  }
0x4: {  	s17 =	simm.s32 $0x1600;
	s18 =	simm.s32 $0x2600;
	s19 =	simm.s32 $0x3600  }
0x5: {  	s20 =	simm.s32 $0x4600;
	s29 =	simm.s32 $0xA600;
	s30 =	simm.s32 $0xB600  }
0x6: {  	s28 =	simm.s32 $0xE600;
	s31 =	simm.s32 $0xF600;
	s7 =	simm.s32 $0x10600  }
0x7: {  	s8 =	simm.s32 $0x11600;
	s9 =	simm.s32 $0x12600;
	s10 =	simm.s32 $0x13600  }
0x8: {  	s11 =	simm.s32 $0x15600;
	s12 =	simm.s32 $0x16600;
	s13 =	simm.s32 $0x17600  }
0x9: {  	s2 =	sand.u32 $0x1, s2;
	s5 =	sshll.u32 s4, $0x7;
	[smem:$0x7FF] =	sst s3  }
0xa: {  	s4 =	simm.s32 $0x0;
	s21 =	sshll.u32 s2, $0x6;
	s2 =	ssub.s32 $0x2, s2  }
0xb: {  	_ =	strace $0x80000047;
	s5 =	sor.u32 s21, s5;
	s22 =	sshrl.u32 s2, $0x1  }
0xc: {  	s21 =	simm.s32 $0x5600;
	s0 =	sadd.s32 s5, s0;
	s25 =	sadd.s32 s1, s5  }
0xd: {  	s2 =	ssub.s32 s2, s22;
	s23 =	sadd.s32 $0x1600, s0;
	[dreg:$0xa] =	wrdreg s25  }
.Ltmp0:
0xe: {  	s24 =	sadd.s32 $0xE00, s0;
	[dreg:$0x7] =	wrdreg s23;
	(pc) =	sbr.rel .LBB2_1-.Ltmp0, $4  }
0xf: {  	s22 =	simm.s32 $0x6600;
	s0 =	sadd.s32 $0x600, s0;
	[dreg:$0x8] =	wrdreg s24  }
0x10: {  	s5 =	simm.s32 $0xD600;
	s26 =	smax.u32 s2, $0x1;
	[dreg:$0x9] =	wrdreg s0  }
0x11: {  	v1 =	vlaneseq.u32;
	s25 =	simm.s32 $0x8600;
	[dreg:$0xb] =	wrdreg s26;
	s23 =	simm.s32 $0x7600  }
0x12: {  	v0 =	vmul.u32 $0x80, v1;
	v1 =	vmul.u32 $0x9, v1;
	s26 =	simm.s32 $0x9600;
	s0 =	simm.s32 $0xC600;
	s24 =	simm.s32 $0x14600  }
.LBB2_20:
0x13: {  	s3 =	simm.s32 $0x0  }
0x14: {  	s1 =	rddreg [dreg:$0xa];
	s2 =	simm.s32 $0x18600;
	s14 =	simm.s32 $0x6  }
0x15: {  	[hbm4b:s1+s3] =	stream.linear.scatter [tilespmem:s2], [sflag:$0x6], $0x200, $0x38;
	[tilespmem:$0x18800] =	vst v63  }
0x16: {  	_ =	swait.ge [sflag:s14], $0x200  }
0x17: {  	s4 =	rddreg [dreg:$0xc]  }
0x18: {  	s15 =	rddreg [dreg:$0xb];
	s4 =	sadd.s32 $0x1, s4  }
0x19: {  	p0 =	sne.s32 s4, s15  }
.Ltmp1:
0x1a: {  	_ = 	snop;
	(pc) =	sbr.rel @!p0 .LBB2_21-.Ltmp1, $3  }
0x1b: {  	_ =	sdelay $0x1  }
0x1c: {  	[sflag:s14] =	ssyncset.done $0x0  }
0x1d: {  	[sflag:s14] =	ssyncadd.s32 $0xFFFFFE00  }
.LBB2_1:
0x1e: {  	[dreg:$0xc] =	wrdreg s4  }
0x1f: {  	s1 =	rddreg [dreg:$0x7]  }
0x20: {  	[tilespmem:s3], [sflag:$0x5] =	stream.linear.gather [hbm4b:s1+s3], $0x200, $0x38;
	[tilespmem:$0x18800] =	vst v63  }
0x21: {  	s2 =	rddreg [dreg:$0x8];
	s14 =	simm.s32 $0x200  }
0x22: {  	[tilespmem:s14], [sflag:$0x5] =	stream.linear.gather [hbm4b:s2+s3], $0x200, $0x38;
	[tilespmem:$0x18800] =	vst v63  }
0x23: {  	s4 =	rddreg [dreg:$0x9];
	s15 =	simm.s32 $0x400;
	s6 =	simm.s32 $0x5  }
0x24: {  	[tilespmem:s15], [sflag:$0x5] =	stream.linear.gather [hbm4b:s4+s3], $0x200, $0x38;
	[tilespmem:$0x18800] =	vst v63  }
0x25: {  	_ =	swait.ge [sflag:s6], $0x200  }
0x26: {  	[sflag:s6] =	ssyncset.done $0x0  }
0x27: {  	[sflag:s6] =	ssyncadd.s32 $0xFFFFFE00  }
0x28: {  	_ =	swait.ge [sflag:s6], $0x200  }
0x29: {  	[sflag:s6] =	ssyncset.done $0x0  }
0x2a: {  	[sflag:s6] =	ssyncadd.s32 $0xFFFFFE00  }
0x2b: {  	_ =	swait.ge [sflag:s6], $0x200  }
0x2c: {  	[sflag:s6] =	ssyncset.done $0x0  }
0x2d: {  	[sflag:s6] =	ssyncadd.s32 $0xFFFFFE00  }
0x2e: {  	s6 =	simm.s32 $0x20;
	s1 =	rddreg [dreg:$0x1]  }
0x2f: {  	[tilespmem:s16], [sflag:$0x1] =	stream.indirect.gather [hbm4b:s1+s6], $0x80, s3, s6, $0xb8;
	[tilespmem:$0x18800] =	vst v63  }
0x30: {  	s2 =	rddreg [dreg:$0x2]  }
0x31: {  	[tilespmem:s17], [sflag:$0x1] =	stream.indirect.gather [hbm4b:s2+s6], $0x80, s3, s6, $0xb8;
	[tilespmem:$0x18800] =	vst v63  }
0x32: {  	s3 =	rddreg [dreg:$0x3]  }
0x33: {  	[tilespmem:s18], [sflag:$0x1] =	stream.indirect.gather [hbm4b:s3+s6], $0x80, s14, s6, $0xb8;
	[tilespmem:$0x18800] =	vst v63  }
0x34: {  	s4 =	rddreg [dreg:$0x4]  }
0x35: {  	[tilespmem:s19], [sflag:$0x1] =	stream.indirect.gather [hbm4b:s4+s6], $0x80, s14, s6, $0xb8;
	[tilespmem:$0x18800] =	vst v63  }
0x36: {  	_ = 	snop  }
0x37: {  	[tilespmem:s20], [sflag:$0x1] =	stream.indirect.gather [hbm4b:s1+s6], $0x80, s15, s6, $0xb8;
	[tilespmem:$0x18800] =	vst v63  }
0x38: {  	_ = 	snop  }
0x39: {  	[tilespmem:s21], [sflag:$0x1] =	stream.indirect.gather [hbm4b:s2+s6], $0x80, s15, s6, $0xb8;
	[tilespmem:$0x18800] =	vst v63  }
0x3a: {  	_ = 	snop  }
0x3b: {  	[tilespmem:s22], [sflag:$0x2] =	stream.indirect.gather [hbm4b:s1+s6], $0x80, s6, s6, $0xb8;
	[tilespmem:$0x18800] =	vst v63  }
0x3c: {  	_ = 	snop  }
0x3d: {  	[tilespmem:s23], [sflag:$0x2] =	stream.indirect.gather [hbm4b:s2+s6], $0x80, s6, s6, $0xb8;
	[tilespmem:$0x18800] =	vst v63  }
0x3e: {  	s15 =	simm.s32 $0x220  }
0x3f: {  	[tilespmem:s25], [sflag:$0x2] =	stream.indirect.gather [hbm4b:s3+s6], $0x80, s15, s6, $0xb8;
	[tilespmem:$0x18800] =	vst v63  }
0x40: {  	_ = 	snop  }
0x41: {  	[tilespmem:s26], [sflag:$0x2] =	stream.indirect.gather [hbm4b:s4+s6], $0x80, s15, s6, $0xb8;
	[tilespmem:$0x18800] =	vst v63  }
0x42: {  	s15 =	simm.s32 $0x420  }
0x43: {  	[tilespmem:s29], [sflag:$0x2] =	stream.indirect.gather [hbm4b:s1+s6], $0x80, s15, s6, $0xb8;
	[tilespmem:$0x18800] =	vst v63  }
0x44: {  	_ = 	snop  }
0x45: {  	[tilespmem:s30], [sflag:$0x2] =	stream.indirect.gather [hbm4b:s2+s6], $0x80, s15, s6, $0xb8;
	[tilespmem:$0x18800] =	vst v63  }
0x46: {  	s15 =	simm.s32 $0x40  }
0x47: {  	[tilespmem:s0], [sflag:$0x3] =	stream.indirect.gather [hbm4b:s1+s6], $0x80, s15, s6, $0xb8;
	[tilespmem:$0x18800] =	vst v63  }
0x48: {  	_ = 	snop  }
0x49: {  	[tilespmem:s5], [sflag:$0x3] =	stream.indirect.gather [hbm4b:s2+s6], $0x80, s15, s6, $0xb8;
	[tilespmem:$0x18800] =	vst v63  }
0x4a: {  	s15 =	simm.s32 $0x240  }
0x4b: {  	[tilespmem:s28], [sflag:$0x3] =	stream.indirect.gather [hbm4b:s3+s6], $0x80, s15, s6, $0xb8;
	[tilespmem:$0x18800] =	vst v63  }
0x4c: {  	_ = 	snop  }
0x4d: {  	[tilespmem:s31], [sflag:$0x3] =	stream.indirect.gather [hbm4b:s4+s6], $0x80, s15, s6, $0xb8;
	[tilespmem:$0x18800] =	vst v63  }
0x4e: {  	s15 =	simm.s32 $0x440  }
0x4f: {  	[tilespmem:s7], [sflag:$0x3] =	stream.indirect.gather [hbm4b:s1+s6], $0x80, s15, s6, $0xb8;
	[tilespmem:$0x18800] =	vst v63  }
0x50: {  	_ = 	snop  }
0x51: {  	[tilespmem:s8], [sflag:$0x3] =	stream.indirect.gather [hbm4b:s2+s6], $0x80, s15, s6, $0xb8;
	[tilespmem:$0x18800] =	vst v63  }
0x52: {  	s15 =	simm.s32 $0x60  }
0x53: {  	[tilespmem:s9], [sflag:$0x4] =	stream.indirect.gather [hbm4b:s1+s6], $0x80, s15, s6, $0xb8;
	[tilespmem:$0x18800] =	vst v63  }
0x54: {  	_ = 	snop  }
0x55: {  	[tilespmem:s10], [sflag:$0x4] =	stream.indirect.gather [hbm4b:s2+s6], $0x80, s15, s6, $0xb8;
	[tilespmem:$0x18800] =	vst v63  }
0x56: {  	s15 =	simm.s32 $0x260  }
0x57: {  	[tilespmem:s24], [sflag:$0x4] =	stream.indirect.gather [hbm4b:s3+s6], $0x80, s15, s6, $0xb8;
	[tilespmem:$0x18800] =	vst v63  }
0x58: {  	_ = 	snop  }
0x59: {  	[tilespmem:s11], [sflag:$0x4] =	stream.indirect.gather [hbm4b:s4+s6], $0x80, s15, s6, $0xb8;
	[tilespmem:$0x18800] =	vst v63  }
0x5a: {  	s15 =	simm.s32 $0x460  }
0x5b: {  	[tilespmem:s12], [sflag:$0x4] =	stream.indirect.gather [hbm4b:s1+s6], $0x80, s15, s6, $0xb8;
	[tilespmem:$0x18800] =	vst v63  }
0x5c: {  	s4 =	simm.s32 $0x0  }
0x5d: {  	[tilespmem:s13], [sflag:$0x4] =	stream.indirect.gather [hbm4b:s2+s6], $0x80, s15, s6, $0xb8;
	[tilespmem:$0x18800] =	vst v63  }
.LBB2_2:
0x5e: {  	s2 =	simm.s32 $0x1  }
0x5f: {  	_ =	swait.ge [sflag:s2], $0x1000  }
0x60: {  	[sflag:s2] =	ssyncset.done $0x0  }
0x61: {  	[sflag:s2] =	ssyncadd.s32 $0xFFFFF000  }
0x62: {  	_ =	swait.ge [sflag:s2], $0x1000  }
0x63: {  	[sflag:s2] =	ssyncset.done $0x0  }
0x64: {  	[sflag:s2] =	ssyncadd.s32 $0xFFFFF000  }
0x65: {  	_ =	swait.ge [sflag:s2], $0x1000  }
0x66: {  	[sflag:s2] =	ssyncset.done $0x0  }
0x67: {  	[sflag:s2] =	ssyncadd.s32 $0xFFFFF000  }
0x68: {  	_ =	swait.ge [sflag:s2], $0x1000  }
0x69: {  	[sflag:s2] =	ssyncset.done $0x0  }
0x6a: {  	[sflag:s2] =	ssyncadd.s32 $0xFFFFF000  }
0x6b: {  	_ =	swait.ge [sflag:s2], $0x1000  }
0x6c: {  	[sflag:s2] =	ssyncset.done $0x0  }
0x6d: {  	s1 =	sshll.u32 s4, $0x7;
	[sflag:s2] =	ssyncadd.s32 $0xFFFFF000  }
0x6e: {  	s15 =	simm.s32 $0x0;
	s3 =	sand.u32 $0x3FFFFF80, s1;
	_ =	swait.ge [sflag:s2], $0x1000  }
0x6f: {  	p1 =	por $0x1, $0x1;
	s14 =	sadd.s32 $0x18600, s3;
	[sflag:s2] =	ssyncset.done $0x0  }
0x70: {  	v2 =	vmov s14;
	[dreg:$0xe] =	wrdreg s3;
	[sflag:s2] =	ssyncadd.s32 $0xFFFFF000;
	s2 =	simm.s32 $0x0  }
.LBB2_3:
0x71: {  	v3 =	vmov s2  }
0x72: {  	v4 =	vadd.s32 s15, v1;
	v3 =	vshll.u32 v3, $0x7  }
0x73: {  	v6 =	vor.u32 v0, v3;
	v3 =	vand.u32 $0x7F, v4  }
0x74: {  	v5 =	vor.u32 v6, v3  }
0x75: {  	s14 =	simm.s32 $0x5  }
0x76: {  	v7 =	vadd.s32 s14, v1  }
0x77: {  	v7 =	vand.u32 $0x7F, v7  }
0x78: {  	v7 =	vor.u32 v6, v7  }
0x79: {  	s3 =	simm.s32 $0x6;
	v9 =	vld.idx.msk [tilespmem:v5+s16+$0x0], $0xffff  }
0x7a: {  	v4 =	vadd.s32 s3, v1;
	v13 =	vld.idx.msk [tilespmem:v5+s17+$0x0], $0xffff  }
0x7b: {  	v4 =	vand.u32 $0x7F, v4;
	v15 =	vld.idx.msk [tilespmem:v5+s18+$0x0], $0xffff  }
0x7c: {  	v4 =	vor.u32 v6, v4;
	v20 =	vld.idx.msk [tilespmem:v5+s19+$0x0], $0xffff  }
0x7d: {  	s14 =	simm.s32 $0x3;
	v27 =	vld.idx.msk [tilespmem:v7+s16+$0x0], $0xffff  }
0x7e: {  	v10 =	vadd.s32 s14, v1;
	v24 =	vld.idx.msk [tilespmem:v7+s17+$0x0], $0xffff  }
0x7f: {  	v10 =	vand.u32 $0x7F, v10;
	v28 =	vld.idx.msk [tilespmem:v7+s18+$0x0], $0xffff  }
0x80: {  	v12 =	vor.u32 v6, v10;
	v38 =	vld.idx.msk [tilespmem:v7+s19+$0x0], $0xffff  }
0x81: {  	s6 =	simm.s32 $0x7;
	v23 =	vld.idx.msk [tilespmem:v4+s16+$0x0], $0xffff  }
0x82: {  	v3 =	vadd.s32 s6, v1;
	v21 =	vld.idx.msk [tilespmem:v4+s17+$0x0], $0xffff  }
0x83: {  	v3 =	vand.u32 $0x7F, v3;
	v25 =	vld.idx.msk [tilespmem:v4+s18+$0x0], $0xffff  }
0x84: {  	v3 =	vor.u32 v6, v3;
	v36 =	vld.idx.msk [tilespmem:v4+s19+$0x0], $0xffff  }
0x85: {  	s3 =	simm.s32 $0x4;
	v32 =	vld.idx.msk [tilespmem:v12+s16+$0x0], $0xffff  }
0x86: {  	v8 =	vadd.s32 s3, v1;
	v31 =	vld.idx.msk [tilespmem:v12+s17+$0x0], $0xffff  }
0x87: {  	v8 =	vand.u32 $0x7F, v8;
	v35 =	vld.idx.msk [tilespmem:v12+s18+$0x0], $0xffff  }
0x88: {  	v8 =	vor.u32 v6, v8;
	v39 =	vld.idx.msk [tilespmem:v12+s19+$0x0], $0xffff  }
0x89: {  	s3 =	simm.s32 $0x2;
	v16 =	vld.idx.msk [tilespmem:v3+s16+$0x0], $0xffff  }
0x8a: {  	v10 =	vadd.s32 s3, v1;
	v17 =	vld.idx.msk [tilespmem:v3+s17+$0x0], $0xffff  }
0x8b: {  	v11 =	vand.u32 $0x7F, v10;
	v19 =	vld.idx.msk [tilespmem:v3+s18+$0x0], $0xffff  }
0x8c: {  	v14 =	vor.u32 v6, v11;
	v33 =	vld.idx.msk [tilespmem:v3+s19+$0x0], $0xffff  }
0x8d: {  	s14 =	simm.s32 $0x1;
	v29 =	vld.idx.msk [tilespmem:v8+s16+$0x0], $0xffff  }
0x8e: {  	v18 =	vadd.s32 s14, v1;
	v26 =	vld.idx.msk [tilespmem:v8+s17+$0x0], $0xffff  }
0x8f: {  	v10 =	vimm.f32 $0.0e+00;
	v11 =	vand.u32 $0x7F, v18;
	v30 =	vld.idx.msk [tilespmem:v8+s18+$0x0], $0xffff  }
0x90: {  	p0 =	por p1, p1;
	s6 =	simm.s32 $0x8;
	v34 =	vor.u32 v6, v11;
	v11 =	vimm.f32 $0.0e+00;
	v37 =	vld.idx.msk [tilespmem:v8+s19+$0x0], $0xffff;
	v22 =	vmul.f32 v15, v9  }
.LBB2_4:
0x91: {  	p1 =	slt.u32 s6, $0x78;
	v40 =	vmul.f32 v20, v13;
	v20 =	vmul.f32 v20, v9;
	v41 =	vld.idx.msk [tilespmem:v14+s16+$0x0], $0xffff  }
0x92: {  	v13 =	vmul.f32 v15, v13;
	v18 =	vmul.f32 v19, v16;
	v15 =	vld.idx.msk [tilespmem:v14+s17+$0x0], $0xffff  }
0x93: {  	v43 =	vmul.f32 v33, v17;
	v16 =	vmul.f32 v33, v16;
	v42 =	vld.idx.msk [tilespmem:v14+s18+$0x0], $0xffff  }
0x94: {  	v9 =	vadd.s32 s6, v1;
	v44 =	vmul.f32 v25, v23;
	v17 =	vmul.f32 v19, v17;
	v33 =	vld.idx.msk [tilespmem:v14+s19+$0x0], $0xffff  }
0x95: {  	v45 =	vmul.f32 v36, v21;
	v23 =	vmul.f32 v36, v23;
	v9 =	vand.u32 $0x7F, v9;
	v19 =	vld.idx.msk [tilespmem:v34+s16+$0x0], $0xffff  }
0x96: {  	v46 =	vmul.f32 v28, v27;
	v21 =	vmul.f32 v25, v21;
	v9 =	vor.u32 v6, v9;
	v36 =	vld.idx.msk [tilespmem:v34+s17+$0x0], $0xffff  }
0x97: {  	s14 =	sadd.s32 $0x7, s6;
	v47 =	vmul.f32 v38, v24;
	v27 =	vmul.f32 v38, v27;
	v25 =	vld.idx.msk [tilespmem:v34+s18+$0x0], $0xffff  }
0x98: {  	s3 =	sadd.s32 $0x6, s6;
	v49 =	vmul.f32 v30, v29;
	v24 =	vmul.f32 v28, v24;
	v38 =	vadd.s32 s14, v1;
	v48 =	vld.idx.msk [tilespmem:v34+s19+$0x0], $0xffff  }
0x99: {  	v51 =	vmul.f32 v37, v26;
	v29 =	vmul.f32 v37, v29;
	s14 =	sadd.s32 $0x5, s6;
	v28 =	vadd.s32 s3, v1;
	v50 =	vld.idx.msk [tilespmem:v5+s20+$0x0], $0xffff  }
0x9a: {  	v26 =	vmul.f32 v30, v26;
	v37 =	vadd.s32 s14, v1;
	v53 =	vmul.f32 v35, v32;
	v52 =	vld.idx.msk [tilespmem:v5+s21+$0x0], $0xffff;
	v5 =	vmovc v9  }
0x9b: {  	v30 =	vand.u32 $0x7F, v38;
	v38 =	vmul.f32 v39, v31;
	v32 =	vmul.f32 v39, v32;
	v9 =	vld.idx.msk [tilespmem:v9+s16+$0x0], $0xffff  }
0x9c: {  	v28 =	vand.u32 $0x7F, v28;
	v31 =	vmul.f32 v35, v31;
	v54 =	vmul.f32 v42, v41;
	v39 =	vld.idx.msk [tilespmem:v34+s20+$0x0], $0xffff  }
0x9d: {  	v30 =	vor.u32 v6, v30;
	v55 =	vmul.f32 v33, v15;
	v35 =	vmul.f32 v25, v19;
	v34 =	vld.idx.msk [tilespmem:v34+s21+$0x0], $0xffff  }
0x9e: {  	v28 =	vor.u32 v6, v28;
	v56 =	vmul.f32 v48, v36;
	v19 =	vmul.f32 v48, v19;
	v48 =	vld.idx.msk [tilespmem:v14+s20+$0x0], $0xffff  }
0x9f: {  	v22 =	vsub.f32 v22, v40;
	v13 =	vadd.f32 v20, v13;
	v20 =	vmul.f32 v25, v36;
	v14 =	vld.idx.msk [tilespmem:v14+s21+$0x0], $0xffff  }
0xa0: {  	v33 =	vmul.f32 v33, v41;
	v15 =	vmul.f32 v42, v15;
	v25 =	vsub.f32 v35, v56;
	v35 =	vld.idx.msk [tilespmem:v12+s20+$0x0], $0xffff  }
0xa1: {  	v22 =	vmul.f32 v22, v50;
	v13 =	vmul.f32 v52, v13;
	v19 =	vadd.f32 v19, v20;
	v12 =	vld.idx.msk [tilespmem:v12+s21+$0x0], $0xffff  }
0xa2: {  	v15 =	vadd.f32 v33, v15;
	v20 =	vmul.f32 v25, v39;
	v25 =	vsub.f32 v54, v55;
	v33 =	vld.idx.msk [tilespmem:v8+s20+$0x0], $0xffff  }
0xa3: {  	v10 =	vadd.f32 v22, v10;
	v11 =	vadd.f32 v13, v11;
	v13 =	vmul.f32 v34, v19;
	v8 =	vld.idx.msk [tilespmem:v8+s21+$0x0], $0xffff  }
0xa4: {  	v22 =	vsub.f32 v53, v38;
	v19 =	vmul.f32 v25, v48;
	v25 =	vadd.f32 v32, v31;
	v31 =	vld.idx.msk [tilespmem:v7+s20+$0x0], $0xffff  }
0xa5: {  	v10 =	vadd.f32 v20, v10;
	v11 =	vadd.f32 v13, v11;
	v13 =	vmul.f32 v14, v15;
	v7 =	vld.idx.msk [tilespmem:v7+s21+$0x0], $0xffff  }
0xa6: {  	v20 =	vadd.f32 v29, v26;
	v15 =	vsub.f32 v49, v51;
	v14 =	vmul.f32 v22, v35;
	v22 =	vld.idx.msk [tilespmem:v4+s20+$0x0], $0xffff  }
0xa7: {  	v10 =	vadd.f32 v19, v10;
	v11 =	vadd.f32 v13, v11;
	v12 =	vmul.f32 v12, v25;
	v4 =	vld.idx.msk [tilespmem:v4+s21+$0x0], $0xffff  }
0xa8: {  	v24 =	vadd.f32 v27, v24;
	v19 =	vmul.f32 v15, v33;
	v15 =	vsub.f32 v46, v47;
	v25 =	vld.idx.msk [tilespmem:v3+s20+$0x0], $0xffff  }
0xa9: {  	v10 =	vadd.f32 v14, v10;
	v11 =	vadd.f32 v12, v11;
	v8 =	vmul.f32 v8, v20;
	v12 =	vld.idx.msk [tilespmem:v3+s21+$0x0], $0xffff  }
0xaa: {  	v21 =	vadd.f32 v23, v21;
	v14 =	vsub.f32 v44, v45;
	v3 =	vmul.f32 v15, v31;
	v13 =	vld.idx.msk [tilespmem:v5+s17+$0x0], $0xffff  }
0xab: {  	v10 =	vadd.f32 v19, v10;
	v8 =	vadd.f32 v8, v11;
	v7 =	vmul.f32 v7, v24;
	v15 =	vld.idx.msk [tilespmem:v5+s18+$0x0], $0xffff  }
0xac: {  	v11 =	vmul.f32 v14, v22;
	v14 =	vsub.f32 v18, v43;
	v18 =	vadd.f32 v16, v17;
	v20 =	vld.idx.msk [tilespmem:v5+s19+$0x0], $0xffff  }
0xad: {  	v10 =	vadd.f32 v3, v10;
	v7 =	vadd.f32 v7, v8;
	v8 =	vmul.f32 v4, v21;
	v16 =	vld.idx.msk [tilespmem:v30+s16+$0x0], $0xffff  }
0xae: {  	v21 =	vand.u32 $0x7F, v37;
	v4 =	vmovc v28;
	v14 =	vmul.f32 v14, v25;
	v3 =	vmov v30;
	v17 =	vld.idx.msk [tilespmem:v30+s17+$0x0], $0xffff  }
0xaf: {  	v10 =	vadd.f32 v11, v10;
	v8 =	vadd.f32 v8, v7;
	v11 =	vmul.f32 v12, v18;
	v19 =	vld.idx.msk [tilespmem:v30+s18+$0x0], $0xffff  }
0xb0: {  	v7 =	vor.u32 v6, v21;
	v33 =	vld.idx.msk [tilespmem:v30+s19+$0x0], $0xffff  }
0xb1: {  	s3 =	sadd.s32 $0x4, s6;
	v10 =	vadd.f32 v14, v10;
	v11 =	vadd.f32 v11, v8;
	v23 =	vld.idx.msk [tilespmem:v28+s16+$0x0], $0xffff  }
0xb2: {  	v8 =	vadd.s32 s3, v1;
	v21 =	vld.idx.msk [tilespmem:v28+s17+$0x0], $0xffff  }
0xb3: {  	v8 =	vand.u32 $0x7F, v8;
	v25 =	vld.idx.msk [tilespmem:v28+s18+$0x0], $0xffff  }
0xb4: {  	v8 =	vor.u32 v6, v8;
	v36 =	vld.idx.msk [tilespmem:v28+s19+$0x0], $0xffff  }
0xb5: {  	s3 =	sadd.s32 $0x3, s6;
	v27 =	vld.idx.msk [tilespmem:v7+s16+$0x0], $0xffff  }
0xb6: {  	v12 =	vadd.s32 s3, v1;
	v24 =	vld.idx.msk [tilespmem:v7+s17+$0x0], $0xffff  }
0xb7: {  	v12 =	vand.u32 $0x7F, v12;
	v28 =	vld.idx.msk [tilespmem:v7+s18+$0x0], $0xffff  }
0xb8: {  	v12 =	vor.u32 v6, v12;
	v38 =	vld.idx.msk [tilespmem:v7+s19+$0x0], $0xffff  }
0xb9: {  	s3 =	sadd.s32 $0x2, s6;
	v29 =	vld.idx.msk [tilespmem:v8+s16+$0x0], $0xffff  }
0xba: {  	v14 =	vadd.s32 s3, v1;
	v26 =	vld.idx.msk [tilespmem:v8+s17+$0x0], $0xffff  }
0xbb: {  	v14 =	vand.u32 $0x7F, v14;
	v30 =	vld.idx.msk [tilespmem:v8+s18+$0x0], $0xffff  }
.Ltmp2:
0xbc: {  	v14 =	vor.u32 v6, v14;
	v37 =	vld.idx.msk [tilespmem:v8+s19+$0x0], $0xffff;
	(pc) =	sbr.rel @p1 .LBB2_4-.Ltmp2, $4  }
0xbd: {  	s3 =	sadd.s32 $0x1, s6;
	v32 =	vld.idx.msk [tilespmem:v12+s16+$0x0], $0xffff  }
0xbe: {  	v18 =	vadd.s32 s3, v1;
	v31 =	vld.idx.msk [tilespmem:v12+s17+$0x0], $0xffff  }
0xbf: {  	v18 =	vand.u32 $0x7F, v18;
	v35 =	vld.idx.msk [tilespmem:v12+s18+$0x0], $0xffff  }
0xc0: {  	v22 =	vmul.f32 v15, v9;
	s6 =	sadd.s32 $0x8, s6;
	v34 =	vor.u32 v6, v18;
	v39 =	vld.idx.msk [tilespmem:v12+s19+$0x0], $0xffff  }
0xc1: {  	_ =	sdelay $0x2  }
0xc2: {  	v6 =	vmul.f32 v20, v13  }
0xc3: {  	v9 =	vmul.f32 v20, v9;
	v18 =	vld.idx.msk [tilespmem:v14+s16+$0x0], $0xffff;
	v57 =	vmul.f32 v15, v13  }
0xc4: {  	v15 =	vmul.f32 v19, v16;
	v20 =	vld.idx.msk [tilespmem:v14+s17+$0x0], $0xffff;
	v40 =	vmul.f32 v33, v17  }
0xc5: {  	v16 =	vmul.f32 v33, v16;
	v33 =	vld.idx.msk [tilespmem:v14+s18+$0x0], $0xffff;
	v41 =	vmul.f32 v25, v23  }
0xc6: {  	v17 =	vmul.f32 v19, v17;
	v19 =	vld.idx.msk [tilespmem:v14+s19+$0x0], $0xffff;
	v42 =	vmul.f32 v36, v21  }
0xc7: {  	v23 =	vmul.f32 v36, v23;
	v58 =	vld.idx.msk [tilespmem:v34+s16+$0x0], $0xffff;
	v43 =	vmul.f32 v28, v27  }
0xc8: {  	v21 =	vmul.f32 v25, v21;
	v59 =	vld.idx.msk [tilespmem:v34+s17+$0x0], $0xffff;
	v44 =	vmul.f32 v38, v24  }
0xc9: {  	v27 =	vmul.f32 v38, v27;
	v60 =	vld.idx.msk [tilespmem:v34+s18+$0x0], $0xffff;
	v45 =	vmul.f32 v30, v29  }
0xca: {  	v24 =	vmul.f32 v28, v24;
	v61 =	vld.idx.msk [tilespmem:v34+s19+$0x0], $0xffff;
	v46 =	vmul.f32 v37, v26  }
0xcb: {  	v29 =	vmul.f32 v37, v29;
	v26 =	vmul.f32 v30, v26  }
0xcc: {  	v62 =	vld.idx.msk [tilespmem:v5+s20+$0x0], $0xffff;
	v37 =	vmul.f32 v35, v32;
	v47 =	vmul.f32 v39, v31  }
0xcd: {  	v63 =	vld.idx.msk [tilespmem:v5+s21+$0x0], $0xffff;
	v32 =	vmul.f32 v39, v32;
	v39 =	vmul.f32 v33, v18  }
0xce: {  	v53 =	vld.idx.msk [tilespmem:v34+s20+$0x0], $0xffff;
	v48 =	vmul.f32 v60, v58;
	v49 =	vmul.f32 v19, v20  }
0xcf: {  	v54 =	vld.idx.msk [tilespmem:v34+s21+$0x0], $0xffff;
	v6 =	vsub.f32 v22, v6;
	v50 =	vmul.f32 v61, v59;
	v28 =	vmul.f32 v61, v58  }
0xd0: {  	v55 =	vld.idx.msk [tilespmem:v14+s20+$0x0], $0xffff;
	v9 =	vadd.f32 v9, v57;
	v56 =	vmul.f32 v60, v59;
	v18 =	vmul.f32 v19, v18  }
0xd1: {  	v57 =	vld.idx.msk [tilespmem:v14+s21+$0x0], $0xffff;
	v59 =	vmul.f32 v33, v20;
	v6 =	vmul.f32 v6, v62;
	v58 =	vsub.f32 v48, v50  }
0xd2: {  	v60 =	vld.idx.msk [tilespmem:v12+s20+$0x0], $0xffff;
	v5 =	vmul.f32 v63, v9;
	v61 =	vadd.f32 v28, v56;
	v28 =	vsub.f32 v39, v49  }
0xd3: {  	v52 =	vmul.f32 v35, v31;
	v62 =	vld.idx.msk [tilespmem:v12+s21+$0x0], $0xffff;
	v18 =	vadd.f32 v18, v59;
	v6 =	vadd.f32 v6, v10  }
0xd4: {  	v30 =	vld.idx.msk [tilespmem:v8+s20+$0x0], $0xffff;
	v5 =	vadd.f32 v5, v11;
	v63 =	vmul.f32 v58, v53;
	v9 =	vmul.f32 v54, v61  }
0xd5: {  	v33 =	vld.idx.msk [tilespmem:v8+s21+$0x0], $0xffff;
	v35 =	vsub.f32 v37, v47;
	v36 =	vadd.f32 v32, v52;
	v34 =	vmul.f32 v28, v55  }
0xd6: {  	v37 =	vld.idx.msk [tilespmem:v7+s20+$0x0], $0xffff;
	v38 =	vmul.f32 v57, v18;
	v6 =	vadd.f32 v63, v6;
	v5 =	vadd.f32 v9, v5  }
0xd7: {  	v47 =	vsub.f32 v45, v46;
	v39 =	vld.idx.msk [tilespmem:v7+s21+$0x0], $0xffff;
	v48 =	vadd.f32 v29, v26;
	v11 =	vmul.f32 v35, v60  }
0xd8: {  	v51 =	vld.idx.msk [tilespmem:v4+s21+$0x0], $0xffff;
	v50 =	vmul.f32 v62, v36;
	v6 =	vadd.f32 v34, v6;
	v5 =	vadd.f32 v38, v5  }
0xd9: {  	v49 =	vld.idx.msk [tilespmem:v4+s20+$0x0], $0xffff;
	v52 =	vmul.f32 v47, v30;
	v53 =	vsub.f32 v43, v44;
	v54 =	vadd.f32 v27, v24  }
0xda: {  	v55 =	vld.idx.msk [tilespmem:v3+s20+$0x0], $0xffff;
	v8 =	vmul.f32 v33, v48;
	v6 =	vadd.f32 v11, v6;
	v5 =	vadd.f32 v50, v5  }
0xdb: {  	v3 =	vld.idx.msk [tilespmem:v3+s21+$0x0], $0xffff;
	v57 =	vsub.f32 v41, v42;
	v58 =	vadd.f32 v23, v21;
	v56 =	vmul.f32 v53, v37  }
0xdc: {  	v7 =	vmul.f32 v39, v54;
	v6 =	vadd.f32 v52, v6;
	v5 =	vadd.f32 v8, v5  }
0xdd: {  	v61 =	vadd.f32 v16, v17;
	v60 =	vsub.f32 v15, v40;
	v4 =	vmul.f32 v51, v58  }
0xde: {  	v59 =	vmul.f32 v57, v49;
	v6 =	vadd.f32 v56, v6;
	v5 =	vadd.f32 v7, v5  }
0xdf: {  	v62 =	vmul.f32 v60, v55  }
0xe0: {  	v3 =	vmul.f32 v3, v61;
	v6 =	vadd.f32 v59, v6;
	v4 =	vadd.f32 v4, v5;
	_ =	sdelay $0x1  }
.Ltmp3:
0xe1: {  	v63 =	vadd.f32 v62, v6;
	v3 =	vadd.f32 v3, v4;
	(pc) =	sbr.rel @p0 .LBB2_3-.Ltmp3, $3  }
0xe2: {  	_ = 	snop  }
0xe3: {  	v3 =	vadd.f32 v3, v63;
	_ =	sdelay $0x1  }
0xe4: {  	p1 =	por $0x0, $0x0;
	[tilespmem:v2+s2+$0x0 ss:$0x1] =	vst.idx.msk $0xffff, v3;
	s2 =	simm.s32 $0x10  }
0xe5: {  	[dreg:$0xd] =	wrdreg s4  }
0xe6: {  	p0 =	seq.s32 s4, $0x3;
	s14 =	rddreg [dreg:$0x1]  }
0xe7: {  	s2 =	sadd.s32 @!p0 $0x80, s1;
	s3 =	simm.s32 @!p0 $0x20;
	s6 =	simm.s32 @!p0 $0x600  }
0xe8: {  	[tilespmem:s6], [sflag:$0x1] =	stream.indirect.gather @!p0 [hbm4b:s14+s3], $0x80, s2, s3, $0xb8;
	[tilespmem:$0x18800] =	vst v63  }
0xe9: {  	s15 =	rddreg [dreg:$0x2];
	s6 =	simm.s32 @!p0 $0x1600  }
0xea: {  	[tilespmem:s6], [sflag:$0x1] =	stream.indirect.gather @!p0 [hbm4b:s15+s3], $0x80, s2, s3, $0xb8;
	[tilespmem:$0x18800] =	vst v63  }
0xeb: {  	s4 =	rddreg [dreg:$0x3];
	s2 =	sadd.s32 @!p0 $0x280, s1;
	s6 =	simm.s32 @!p0 $0x2600  }
0xec: {  	[tilespmem:s6], [sflag:$0x1] =	stream.indirect.gather @!p0 [hbm4b:s4+s3], $0x80, s2, s3, $0xb8;
	[tilespmem:$0x18800] =	vst v63  }
0xed: {  	s6 =	simm.s32 @!p0 $0x3600;
	s4 =	rddreg [dreg:$0x4]  }
0xee: {  	[tilespmem:s6], [sflag:$0x1] =	stream.indirect.gather @!p0 [hbm4b:s4+s3], $0x80, s2, s3, $0xb8;
	[tilespmem:$0x18800] =	vst v63  }
0xef: {  	s2 =	sadd.s32 @!p0 $0x480, s1;
	s6 =	simm.s32 @!p0 $0x4600  }
0xf0: {  	[tilespmem:s6], [sflag:$0x1] =	stream.indirect.gather @!p0 [hbm4b:s14+s3], $0x80, s2, s3, $0xb8;
	[tilespmem:$0x18800] =	vst v63  }
0xf1: {  	s6 =	simm.s32 @!p0 $0x5600;
	s14 =	simm.s32 $0x2  }
0xf2: {  	[tilespmem:s6], [sflag:$0x1] =	stream.indirect.gather @!p0 [hbm4b:s15+s3], $0x80, s2, s3, $0xb8;
	[tilespmem:$0x18800] =	vst v63  }
0xf3: {  	_ =	swait.ge [sflag:s14], $0x1000  }
0xf4: {  	[sflag:s14] =	ssyncset.done $0x0  }
0xf5: {  	[sflag:s14] =	ssyncadd.s32 $0xFFFFF000  }
0xf6: {  	_ =	swait.ge [sflag:s14], $0x1000  }
0xf7: {  	[sflag:s14] =	ssyncset.done $0x0  }
0xf8: {  	[sflag:s14] =	ssyncadd.s32 $0xFFFFF000  }
0xf9: {  	_ =	swait.ge [sflag:s14], $0x1000  }
0xfa: {  	[sflag:s14] =	ssyncset.done $0x0  }
0xfb: {  	[sflag:s14] =	ssyncadd.s32 $0xFFFFF000  }
0xfc: {  	_ =	swait.ge [sflag:s14], $0x1000  }
0xfd: {  	[sflag:s14] =	ssyncset.done $0x0  }
0xfe: {  	[sflag:s14] =	ssyncadd.s32 $0xFFFFF000  }
0xff: {  	_ =	swait.ge [sflag:s14], $0x1000  }
0x100: {  	[sflag:s14] =	ssyncset.done $0x0  }
0x101: {  	[sflag:s14] =	ssyncadd.s32 $0xFFFFF000  }
0x102: {  	_ =	swait.ge [sflag:s14], $0x1000  }
0x103: {  	s15 =	rddreg [dreg:$0xe]  }
0x104: {  	p2 =	por $0x1, $0x1;
	[sflag:s14] =	ssyncset.done $0x0;
	s2 =	sadd.s32 $0x18620, s15  }
0x105: {  	[sflag:s14] =	ssyncadd.s32 $0xFFFFF000;
	s15 =	simm.s32 $0x0;
	v2 =	vmov s2;
	s2 =	simm.s32 $0x0  }
.LBB2_7:
0x106: {  	v3 =	vmov s2  }
0x107: {  	v4 =	vadd.s32 s15, v1;
	v3 =	vshll.u32 v3, $0x7  }
0x108: {  	v6 =	vor.u32 v0, v3;
	v3 =	vand.u32 $0x7F, v4  }
0x109: {  	v5 =	vor.u32 v6, v3  }
0x10a: {  	s6 =	simm.s32 $0x5  }
0x10b: {  	v7 =	vadd.s32 s6, v1  }
0x10c: {  	v7 =	vand.u32 $0x7F, v7  }
0x10d: {  	v7 =	vor.u32 v6, v7  }
0x10e: {  	s14 =	simm.s32 $0x4;
	v9 =	vld.idx.msk [tilespmem:v5+s22+$0x0], $0xffff  }
0x10f: {  	v8 =	vadd.s32 s14, v1;
	v13 =	vld.idx.msk [tilespmem:v5+s23+$0x0], $0xffff  }
0x110: {  	v8 =	vand.u32 $0x7F, v8;
	v15 =	vld.idx.msk [tilespmem:v5+s25+$0x0], $0xffff  }
0x111: {  	v8 =	vor.u32 v6, v8;
	v20 =	vld.idx.msk [tilespmem:v5+s26+$0x0], $0xffff  }
0x112: {  	s4 =	simm.s32 $0x6;
	v27 =	vld.idx.msk [tilespmem:v7+s22+$0x0], $0xffff  }
0x113: {  	v4 =	vadd.s32 s4, v1;
	v24 =	vld.idx.msk [tilespmem:v7+s23+$0x0], $0xffff  }
0x114: {  	v4 =	vand.u32 $0x7F, v4;
	v28 =	vld.idx.msk [tilespmem:v7+s25+$0x0], $0xffff  }
0x115: {  	v4 =	vor.u32 v6, v4;
	v38 =	vld.idx.msk [tilespmem:v7+s26+$0x0], $0xffff  }
0x116: {  	s3 =	simm.s32 $0x7;
	v29 =	vld.idx.msk [tilespmem:v8+s22+$0x0], $0xffff  }
0x117: {  	v3 =	vadd.s32 s3, v1;
	v26 =	vld.idx.msk [tilespmem:v8+s23+$0x0], $0xffff  }
0x118: {  	v3 =	vand.u32 $0x7F, v3;
	v30 =	vld.idx.msk [tilespmem:v8+s25+$0x0], $0xffff  }
0x119: {  	v3 =	vor.u32 v6, v3;
	v37 =	vld.idx.msk [tilespmem:v8+s26+$0x0], $0xffff  }
0x11a: {  	s4 =	simm.s32 $0x3;
	v23 =	vld.idx.msk [tilespmem:v4+s22+$0x0], $0xffff  }
0x11b: {  	v10 =	vadd.s32 s4, v1;
	v21 =	vld.idx.msk [tilespmem:v4+s23+$0x0], $0xffff  }
0x11c: {  	v10 =	vand.u32 $0x7F, v10;
	v25 =	vld.idx.msk [tilespmem:v4+s25+$0x0], $0xffff  }
0x11d: {  	v12 =	vor.u32 v6, v10;
	v36 =	vld.idx.msk [tilespmem:v4+s26+$0x0], $0xffff  }
0x11e: {  	s6 =	simm.s32 $0x2;
	v16 =	vld.idx.msk [tilespmem:v3+s22+$0x0], $0xffff  }
0x11f: {  	v10 =	vadd.s32 s6, v1;
	v17 =	vld.idx.msk [tilespmem:v3+s23+$0x0], $0xffff  }
0x120: {  	v11 =	vand.u32 $0x7F, v10;
	v19 =	vld.idx.msk [tilespmem:v3+s25+$0x0], $0xffff  }
0x121: {  	v14 =	vor.u32 v6, v11;
	v33 =	vld.idx.msk [tilespmem:v3+s26+$0x0], $0xffff  }
0x122: {  	s14 =	simm.s32 $0x1;
	v32 =	vld.idx.msk [tilespmem:v12+s22+$0x0], $0xffff  }
0x123: {  	v18 =	vadd.s32 s14, v1;
	v31 =	vld.idx.msk [tilespmem:v12+s23+$0x0], $0xffff  }
0x124: {  	v10 =	vimm.f32 $0.0e+00;
	v11 =	vand.u32 $0x7F, v18;
	v35 =	vld.idx.msk [tilespmem:v12+s25+$0x0], $0xffff  }
0x125: {  	p1 =	por p2, p2;
	s6 =	simm.s32 $0x8;
	v34 =	vor.u32 v6, v11;
	v11 =	vimm.f32 $0.0e+00;
	v39 =	vld.idx.msk [tilespmem:v12+s26+$0x0], $0xffff;
	v22 =	vmul.f32 v15, v9  }
.LBB2_8:
0x126: {  	p2 =	slt.u32 s6, $0x78;
	v40 =	vmul.f32 v20, v13;
	v20 =	vmul.f32 v20, v9;
	v41 =	vld.idx.msk [tilespmem:v14+s22+$0x0], $0xffff  }
0x127: {  	v13 =	vmul.f32 v15, v13;
	v18 =	vmul.f32 v19, v16;
	v15 =	vld.idx.msk [tilespmem:v14+s23+$0x0], $0xffff  }
0x128: {  	v43 =	vmul.f32 v33, v17;
	v16 =	vmul.f32 v33, v16;
	v42 =	vld.idx.msk [tilespmem:v14+s25+$0x0], $0xffff  }
0x129: {  	v9 =	vadd.s32 s6, v1;
	v44 =	vmul.f32 v25, v23;
	v17 =	vmul.f32 v19, v17;
	v33 =	vld.idx.msk [tilespmem:v14+s26+$0x0], $0xffff  }
0x12a: {  	v45 =	vmul.f32 v36, v21;
	v23 =	vmul.f32 v36, v23;
	v9 =	vand.u32 $0x7F, v9;
	v19 =	vld.idx.msk [tilespmem:v34+s22+$0x0], $0xffff  }
0x12b: {  	v46 =	vmul.f32 v28, v27;
	v21 =	vmul.f32 v25, v21;
	v9 =	vor.u32 v6, v9;
	v36 =	vld.idx.msk [tilespmem:v34+s23+$0x0], $0xffff  }
0x12c: {  	s3 =	sadd.s32 $0x7, s6;
	v47 =	vmul.f32 v38, v24;
	v27 =	vmul.f32 v38, v27;
	v25 =	vld.idx.msk [tilespmem:v34+s25+$0x0], $0xffff  }
0x12d: {  	s14 =	sadd.s32 $0x6, s6;
	v49 =	vmul.f32 v30, v29;
	v24 =	vmul.f32 v28, v24;
	v38 =	vadd.s32 s3, v1;
	v48 =	vld.idx.msk [tilespmem:v34+s26+$0x0], $0xffff  }
0x12e: {  	v51 =	vmul.f32 v37, v26;
	v29 =	vmul.f32 v37, v29;
	s3 =	sadd.s32 $0x5, s6;
	v28 =	vadd.s32 s14, v1;
	v50 =	vld.idx.msk [tilespmem:v5+s29+$0x0], $0xffff  }
0x12f: {  	v26 =	vmul.f32 v30, v26;
	v37 =	vadd.s32 s3, v1;
	v53 =	vmul.f32 v35, v32;
	v52 =	vld.idx.msk [tilespmem:v5+s30+$0x0], $0xffff;
	v5 =	vmovc v9  }
0x130: {  	v30 =	vand.u32 $0x7F, v38;
	v38 =	vmul.f32 v39, v31;
	v32 =	vmul.f32 v39, v32;
	v9 =	vld.idx.msk [tilespmem:v9+s22+$0x0], $0xffff  }
0x131: {  	v28 =	vand.u32 $0x7F, v28;
	v31 =	vmul.f32 v35, v31;
	v54 =	vmul.f32 v42, v41;
	v39 =	vld.idx.msk [tilespmem:v34+s29+$0x0], $0xffff  }
0x132: {  	v30 =	vor.u32 v6, v30;
	v55 =	vmul.f32 v33, v15;
	v35 =	vmul.f32 v25, v19;
	v34 =	vld.idx.msk [tilespmem:v34+s30+$0x0], $0xffff  }
0x133: {  	v28 =	vor.u32 v6, v28;
	v56 =	vmul.f32 v48, v36;
	v19 =	vmul.f32 v48, v19;
	v48 =	vld.idx.msk [tilespmem:v14+s29+$0x0], $0xffff  }
0x134: {  	v22 =	vsub.f32 v22, v40;
	v13 =	vadd.f32 v20, v13;
	v20 =	vmul.f32 v25, v36;
	v14 =	vld.idx.msk [tilespmem:v14+s30+$0x0], $0xffff  }
0x135: {  	v33 =	vmul.f32 v33, v41;
	v15 =	vmul.f32 v42, v15;
	v25 =	vsub.f32 v35, v56;
	v35 =	vld.idx.msk [tilespmem:v12+s29+$0x0], $0xffff  }
0x136: {  	v22 =	vmul.f32 v22, v50;
	v13 =	vmul.f32 v52, v13;
	v19 =	vadd.f32 v19, v20;
	v12 =	vld.idx.msk [tilespmem:v12+s30+$0x0], $0xffff  }
0x137: {  	v15 =	vadd.f32 v33, v15;
	v20 =	vmul.f32 v25, v39;
	v25 =	vsub.f32 v54, v55;
	v33 =	vld.idx.msk [tilespmem:v8+s29+$0x0], $0xffff  }
0x138: {  	v10 =	vadd.f32 v22, v10;
	v11 =	vadd.f32 v13, v11;
	v13 =	vmul.f32 v34, v19;
	v8 =	vld.idx.msk [tilespmem:v8+s30+$0x0], $0xffff  }
0x139: {  	v22 =	vsub.f32 v53, v38;
	v19 =	vmul.f32 v25, v48;
	v25 =	vadd.f32 v32, v31;
	v31 =	vld.idx.msk [tilespmem:v7+s29+$0x0], $0xffff  }
0x13a: {  	v10 =	vadd.f32 v20, v10;
	v11 =	vadd.f32 v13, v11;
	v13 =	vmul.f32 v14, v15;
	v7 =	vld.idx.msk [tilespmem:v7+s30+$0x0], $0xffff  }
0x13b: {  	v20 =	vadd.f32 v29, v26;
	v15 =	vsub.f32 v49, v51;
	v14 =	vmul.f32 v22, v35;
	v22 =	vld.idx.msk [tilespmem:v4+s29+$0x0], $0xffff  }
0x13c: {  	v10 =	vadd.f32 v19, v10;
	v11 =	vadd.f32 v13, v11;
	v12 =	vmul.f32 v12, v25;
	v4 =	vld.idx.msk [tilespmem:v4+s30+$0x0], $0xffff  }
0x13d: {  	v24 =	vadd.f32 v27, v24;
	v19 =	vmul.f32 v15, v33;
	v15 =	vsub.f32 v46, v47;
	v25 =	vld.idx.msk [tilespmem:v3+s29+$0x0], $0xffff  }
0x13e: {  	v10 =	vadd.f32 v14, v10;
	v11 =	vadd.f32 v12, v11;
	v8 =	vmul.f32 v8, v20;
	v12 =	vld.idx.msk [tilespmem:v3+s30+$0x0], $0xffff  }
0x13f: {  	v21 =	vadd.f32 v23, v21;
	v14 =	vsub.f32 v44, v45;
	v3 =	vmul.f32 v15, v31;
	v13 =	vld.idx.msk [tilespmem:v5+s23+$0x0], $0xffff  }
0x140: {  	v10 =	vadd.f32 v19, v10;
	v8 =	vadd.f32 v8, v11;
	v7 =	vmul.f32 v7, v24;
	v15 =	vld.idx.msk [tilespmem:v5+s25+$0x0], $0xffff  }
0x141: {  	v11 =	vmul.f32 v14, v22;
	v14 =	vsub.f32 v18, v43;
	v18 =	vadd.f32 v16, v17;
	v20 =	vld.idx.msk [tilespmem:v5+s26+$0x0], $0xffff  }
0x142: {  	v10 =	vadd.f32 v3, v10;
	v7 =	vadd.f32 v7, v8;
	v8 =	vmul.f32 v4, v21;
	v16 =	vld.idx.msk [tilespmem:v30+s22+$0x0], $0xffff  }
0x143: {  	v21 =	vand.u32 $0x7F, v37;
	v4 =	vmovc v28;
	v14 =	vmul.f32 v14, v25;
	v3 =	vmov v30;
	v17 =	vld.idx.msk [tilespmem:v30+s23+$0x0], $0xffff  }
0x144: {  	v10 =	vadd.f32 v11, v10;
	v8 =	vadd.f32 v8, v7;
	v11 =	vmul.f32 v12, v18;
	v19 =	vld.idx.msk [tilespmem:v30+s25+$0x0], $0xffff  }
0x145: {  	v7 =	vor.u32 v6, v21;
	v33 =	vld.idx.msk [tilespmem:v30+s26+$0x0], $0xffff  }
0x146: {  	s3 =	sadd.s32 $0x4, s6;
	v10 =	vadd.f32 v14, v10;
	v11 =	vadd.f32 v11, v8;
	v23 =	vld.idx.msk [tilespmem:v28+s22+$0x0], $0xffff  }
0x147: {  	v8 =	vadd.s32 s3, v1;
	v21 =	vld.idx.msk [tilespmem:v28+s23+$0x0], $0xffff  }
0x148: {  	v8 =	vand.u32 $0x7F, v8;
	v25 =	vld.idx.msk [tilespmem:v28+s25+$0x0], $0xffff  }
0x149: {  	v8 =	vor.u32 v6, v8;
	v36 =	vld.idx.msk [tilespmem:v28+s26+$0x0], $0xffff  }
0x14a: {  	s3 =	sadd.s32 $0x3, s6;
	v27 =	vld.idx.msk [tilespmem:v7+s22+$0x0], $0xffff  }
0x14b: {  	v12 =	vadd.s32 s3, v1;
	v24 =	vld.idx.msk [tilespmem:v7+s23+$0x0], $0xffff  }
0x14c: {  	v12 =	vand.u32 $0x7F, v12;
	v28 =	vld.idx.msk [tilespmem:v7+s25+$0x0], $0xffff  }
0x14d: {  	v12 =	vor.u32 v6, v12;
	v38 =	vld.idx.msk [tilespmem:v7+s26+$0x0], $0xffff  }
0x14e: {  	s3 =	sadd.s32 $0x2, s6;
	v29 =	vld.idx.msk [tilespmem:v8+s22+$0x0], $0xffff  }
0x14f: {  	v14 =	vadd.s32 s3, v1;
	v26 =	vld.idx.msk [tilespmem:v8+s23+$0x0], $0xffff  }
0x150: {  	v14 =	vand.u32 $0x7F, v14;
	v30 =	vld.idx.msk [tilespmem:v8+s25+$0x0], $0xffff  }
.Ltmp4:
0x151: {  	v14 =	vor.u32 v6, v14;
	v37 =	vld.idx.msk [tilespmem:v8+s26+$0x0], $0xffff;
	(pc) =	sbr.rel @p2 .LBB2_8-.Ltmp4, $4  }
0x152: {  	s3 =	sadd.s32 $0x1, s6;
	v32 =	vld.idx.msk [tilespmem:v12+s22+$0x0], $0xffff  }
0x153: {  	v18 =	vadd.s32 s3, v1;
	v31 =	vld.idx.msk [tilespmem:v12+s23+$0x0], $0xffff  }
0x154: {  	v18 =	vand.u32 $0x7F, v18;
	v35 =	vld.idx.msk [tilespmem:v12+s25+$0x0], $0xffff  }
0x155: {  	v22 =	vmul.f32 v15, v9;
	s6 =	sadd.s32 $0x8, s6;
	v34 =	vor.u32 v6, v18;
	v39 =	vld.idx.msk [tilespmem:v12+s26+$0x0], $0xffff  }
0x156: {  	_ =	sdelay $0x2  }
0x157: {  	v6 =	vmul.f32 v20, v13  }
0x158: {  	v9 =	vmul.f32 v20, v9;
	v18 =	vld.idx.msk [tilespmem:v14+s22+$0x0], $0xffff;
	v57 =	vmul.f32 v15, v13  }
0x159: {  	v15 =	vmul.f32 v19, v16;
	v20 =	vld.idx.msk [tilespmem:v14+s23+$0x0], $0xffff;
	v40 =	vmul.f32 v33, v17  }
0x15a: {  	v16 =	vmul.f32 v33, v16;
	v33 =	vld.idx.msk [tilespmem:v14+s25+$0x0], $0xffff;
	v41 =	vmul.f32 v25, v23  }
0x15b: {  	v17 =	vmul.f32 v19, v17;
	v19 =	vld.idx.msk [tilespmem:v14+s26+$0x0], $0xffff;
	v42 =	vmul.f32 v36, v21  }
0x15c: {  	v23 =	vmul.f32 v36, v23;
	v58 =	vld.idx.msk [tilespmem:v34+s22+$0x0], $0xffff;
	v43 =	vmul.f32 v28, v27  }
0x15d: {  	v21 =	vmul.f32 v25, v21;
	v59 =	vld.idx.msk [tilespmem:v34+s23+$0x0], $0xffff;
	v44 =	vmul.f32 v38, v24  }
0x15e: {  	v27 =	vmul.f32 v38, v27;
	v60 =	vld.idx.msk [tilespmem:v34+s25+$0x0], $0xffff;
	v45 =	vmul.f32 v30, v29  }
0x15f: {  	v24 =	vmul.f32 v28, v24;
	v61 =	vld.idx.msk [tilespmem:v34+s26+$0x0], $0xffff;
	v46 =	vmul.f32 v37, v26  }
0x160: {  	v29 =	vmul.f32 v37, v29;
	v26 =	vmul.f32 v30, v26  }
0x161: {  	v62 =	vld.idx.msk [tilespmem:v5+s29+$0x0], $0xffff;
	v37 =	vmul.f32 v35, v32;
	v47 =	vmul.f32 v39, v31  }
0x162: {  	v63 =	vld.idx.msk [tilespmem:v5+s30+$0x0], $0xffff;
	v32 =	vmul.f32 v39, v32;
	v39 =	vmul.f32 v33, v18  }
0x163: {  	v53 =	vld.idx.msk [tilespmem:v34+s29+$0x0], $0xffff;
	v48 =	vmul.f32 v60, v58;
	v49 =	vmul.f32 v19, v20  }
0x164: {  	v54 =	vld.idx.msk [tilespmem:v34+s30+$0x0], $0xffff;
	v6 =	vsub.f32 v22, v6;
	v50 =	vmul.f32 v61, v59;
	v28 =	vmul.f32 v61, v58  }
0x165: {  	v55 =	vld.idx.msk [tilespmem:v14+s29+$0x0], $0xffff;
	v9 =	vadd.f32 v9, v57;
	v56 =	vmul.f32 v60, v59;
	v18 =	vmul.f32 v19, v18  }
0x166: {  	v57 =	vld.idx.msk [tilespmem:v14+s30+$0x0], $0xffff;
	v59 =	vmul.f32 v33, v20;
	v6 =	vmul.f32 v6, v62;
	v58 =	vsub.f32 v48, v50  }
0x167: {  	v60 =	vld.idx.msk [tilespmem:v12+s29+$0x0], $0xffff;
	v5 =	vmul.f32 v63, v9;
	v61 =	vadd.f32 v28, v56;
	v28 =	vsub.f32 v39, v49  }
0x168: {  	v52 =	vmul.f32 v35, v31;
	v62 =	vld.idx.msk [tilespmem:v12+s30+$0x0], $0xffff;
	v18 =	vadd.f32 v18, v59;
	v6 =	vadd.f32 v6, v10  }
0x169: {  	v30 =	vld.idx.msk [tilespmem:v8+s29+$0x0], $0xffff;
	v5 =	vadd.f32 v5, v11;
	v63 =	vmul.f32 v58, v53;
	v9 =	vmul.f32 v54, v61  }
0x16a: {  	v33 =	vld.idx.msk [tilespmem:v8+s30+$0x0], $0xffff;
	v35 =	vsub.f32 v37, v47;
	v36 =	vadd.f32 v32, v52;
	v34 =	vmul.f32 v28, v55  }
0x16b: {  	v37 =	vld.idx.msk [tilespmem:v7+s29+$0x0], $0xffff;
	v38 =	vmul.f32 v57, v18;
	v6 =	vadd.f32 v63, v6;
	v5 =	vadd.f32 v9, v5  }
0x16c: {  	v47 =	vsub.f32 v45, v46;
	v39 =	vld.idx.msk [tilespmem:v7+s30+$0x0], $0xffff;
	v48 =	vadd.f32 v29, v26;
	v11 =	vmul.f32 v35, v60  }
0x16d: {  	v51 =	vld.idx.msk [tilespmem:v4+s30+$0x0], $0xffff;
	v50 =	vmul.f32 v62, v36;
	v6 =	vadd.f32 v34, v6;
	v5 =	vadd.f32 v38, v5  }
0x16e: {  	v49 =	vld.idx.msk [tilespmem:v4+s29+$0x0], $0xffff;
	v52 =	vmul.f32 v47, v30;
	v53 =	vsub.f32 v43, v44;
	v54 =	vadd.f32 v27, v24  }
0x16f: {  	v55 =	vld.idx.msk [tilespmem:v3+s29+$0x0], $0xffff;
	v8 =	vmul.f32 v33, v48;
	v6 =	vadd.f32 v11, v6;
	v5 =	vadd.f32 v50, v5  }
0x170: {  	v3 =	vld.idx.msk [tilespmem:v3+s30+$0x0], $0xffff;
	v57 =	vsub.f32 v41, v42;
	v58 =	vadd.f32 v23, v21;
	v56 =	vmul.f32 v53, v37  }
0x171: {  	v7 =	vmul.f32 v39, v54;
	v6 =	vadd.f32 v52, v6;
	v5 =	vadd.f32 v8, v5  }
0x172: {  	v61 =	vadd.f32 v16, v17;
	v60 =	vsub.f32 v15, v40;
	v4 =	vmul.f32 v51, v58  }
0x173: {  	v59 =	vmul.f32 v57, v49;
	v6 =	vadd.f32 v56, v6;
	v5 =	vadd.f32 v7, v5  }
0x174: {  	v62 =	vmul.f32 v60, v55  }
0x175: {  	v3 =	vmul.f32 v3, v61;
	v6 =	vadd.f32 v59, v6;
	v4 =	vadd.f32 v4, v5;
	_ =	sdelay $0x1  }
.Ltmp5:
0x176: {  	v63 =	vadd.f32 v62, v6;
	v3 =	vadd.f32 v3, v4;
	(pc) =	sbr.rel @p1 .LBB2_7-.Ltmp5, $3  }
0x177: {  	_ = 	snop  }
0x178: {  	v3 =	vadd.f32 v3, v63;
	_ =	sdelay $0x1  }
0x179: {  	p2 =	por $0x0, $0x0;
	[tilespmem:v2+s2+$0x0 ss:$0x1] =	vst.idx.msk $0xffff, v3;
	s2 =	simm.s32 $0x10  }
0x17a: {  	s2 =	sadd.s32 @!p0 $0xA0, s1  }
0x17b: {  	s3 =	simm.s32 @!p0 $0x20;
	s6 =	simm.s32 @!p0 $0x6600;
	s14 =	rddreg [dreg:$0x1]  }
0x17c: {  	[tilespmem:s6], [sflag:$0x2] =	stream.indirect.gather @!p0 [hbm4b:s14+s3], $0x80, s2, s3, $0xb8;
	[tilespmem:$0x18800] =	vst v63  }
0x17d: {  	s15 =	rddreg [dreg:$0x2];
	s6 =	simm.s32 @!p0 $0x7600  }
0x17e: {  	[tilespmem:s6], [sflag:$0x2] =	stream.indirect.gather @!p0 [hbm4b:s15+s3], $0x80, s2, s3, $0xb8;
	[tilespmem:$0x18800] =	vst v63  }
0x17f: {  	s4 =	rddreg [dreg:$0x3];
	s2 =	sadd.s32 @!p0 $0x2A0, s1;
	s6 =	simm.s32 @!p0 $0x8600  }
0x180: {  	[tilespmem:s6], [sflag:$0x2] =	stream.indirect.gather @!p0 [hbm4b:s4+s3], $0x80, s2, s3, $0xb8;
	[tilespmem:$0x18800] =	vst v63  }
0x181: {  	s6 =	simm.s32 @!p0 $0x9600;
	s4 =	rddreg [dreg:$0x4]  }
0x182: {  	[tilespmem:s6], [sflag:$0x2] =	stream.indirect.gather @!p0 [hbm4b:s4+s3], $0x80, s2, s3, $0xb8;
	[tilespmem:$0x18800] =	vst v63  }
0x183: {  	s2 =	sadd.s32 @!p0 $0x4A0, s1;
	s6 =	simm.s32 @!p0 $0xA600  }
0x184: {  	[tilespmem:s6], [sflag:$0x2] =	stream.indirect.gather @!p0 [hbm4b:s14+s3], $0x80, s2, s3, $0xb8;
	[tilespmem:$0x18800] =	vst v63  }
0x185: {  	s6 =	simm.s32 @!p0 $0xB600;
	s14 =	simm.s32 $0x3  }
0x186: {  	[tilespmem:s6], [sflag:$0x2] =	stream.indirect.gather @!p0 [hbm4b:s15+s3], $0x80, s2, s3, $0xb8;
	[tilespmem:$0x18800] =	vst v63  }
0x187: {  	_ =	swait.ge [sflag:s14], $0x1000  }
0x188: {  	[sflag:s14] =	ssyncset.done $0x0  }
0x189: {  	[sflag:s14] =	ssyncadd.s32 $0xFFFFF000  }
0x18a: {  	_ =	swait.ge [sflag:s14], $0x1000  }
0x18b: {  	[sflag:s14] =	ssyncset.done $0x0  }
0x18c: {  	[sflag:s14] =	ssyncadd.s32 $0xFFFFF000  }
0x18d: {  	_ =	swait.ge [sflag:s14], $0x1000  }
0x18e: {  	[sflag:s14] =	ssyncset.done $0x0  }
0x18f: {  	[sflag:s14] =	ssyncadd.s32 $0xFFFFF000  }
0x190: {  	_ =	swait.ge [sflag:s14], $0x1000  }
0x191: {  	[sflag:s14] =	ssyncset.done $0x0  }
0x192: {  	[sflag:s14] =	ssyncadd.s32 $0xFFFFF000  }
0x193: {  	_ =	swait.ge [sflag:s14], $0x1000  }
0x194: {  	[sflag:s14] =	ssyncset.done $0x0  }
0x195: {  	[sflag:s14] =	ssyncadd.s32 $0xFFFFF000  }
0x196: {  	_ =	swait.ge [sflag:s14], $0x1000  }
0x197: {  	s15 =	rddreg [dreg:$0xe]  }
0x198: {  	p2 =	por $0x1, $0x1;
	[sflag:s14] =	ssyncset.done $0x0;
	s2 =	sadd.s32 $0x18640, s15  }
0x199: {  	[sflag:s14] =	ssyncadd.s32 $0xFFFFF000;
	s15 =	simm.s32 $0x0;
	v2 =	vmov s2;
	s2 =	simm.s32 $0x0  }
.LBB2_11:
0x19a: {  	v3 =	vmov s2  }
0x19b: {  	v4 =	vadd.s32 s15, v1;
	v3 =	vshll.u32 v3, $0x7  }
0x19c: {  	v6 =	vor.u32 v0, v3;
	v3 =	vand.u32 $0x7F, v4  }
0x19d: {  	v5 =	vor.u32 v6, v3  }
0x19e: {  	s6 =	simm.s32 $0x5  }
0x19f: {  	v7 =	vadd.s32 s6, v1  }
0x1a0: {  	v7 =	vand.u32 $0x7F, v7  }
0x1a1: {  	v7 =	vor.u32 v6, v7  }
0x1a2: {  	s14 =	simm.s32 $0x4;
	v9 =	vld.idx.msk [tilespmem:v5+s0+$0x0], $0xffff  }
0x1a3: {  	v8 =	vadd.s32 s14, v1;
	v13 =	vld.idx.msk [tilespmem:v5+s5+$0x0], $0xffff  }
0x1a4: {  	v8 =	vand.u32 $0x7F, v8;
	v15 =	vld.idx.msk [tilespmem:v5+s28+$0x0], $0xffff  }
0x1a5: {  	v8 =	vor.u32 v6, v8;
	v20 =	vld.idx.msk [tilespmem:v5+s31+$0x0], $0xffff  }
0x1a6: {  	s4 =	simm.s32 $0x6;
	v27 =	vld.idx.msk [tilespmem:v7+s0+$0x0], $0xffff  }
0x1a7: {  	v4 =	vadd.s32 s4, v1;
	v24 =	vld.idx.msk [tilespmem:v7+s5+$0x0], $0xffff  }
0x1a8: {  	v4 =	vand.u32 $0x7F, v4;
	v28 =	vld.idx.msk [tilespmem:v7+s28+$0x0], $0xffff  }
0x1a9: {  	v4 =	vor.u32 v6, v4;
	v38 =	vld.idx.msk [tilespmem:v7+s31+$0x0], $0xffff  }
0x1aa: {  	s3 =	simm.s32 $0x7;
	v29 =	vld.idx.msk [tilespmem:v8+s0+$0x0], $0xffff  }
0x1ab: {  	v3 =	vadd.s32 s3, v1;
	v26 =	vld.idx.msk [tilespmem:v8+s5+$0x0], $0xffff  }
0x1ac: {  	v3 =	vand.u32 $0x7F, v3;
	v30 =	vld.idx.msk [tilespmem:v8+s28+$0x0], $0xffff  }
0x1ad: {  	v3 =	vor.u32 v6, v3;
	v37 =	vld.idx.msk [tilespmem:v8+s31+$0x0], $0xffff  }
0x1ae: {  	s4 =	simm.s32 $0x3;
	v23 =	vld.idx.msk [tilespmem:v4+s0+$0x0], $0xffff  }
0x1af: {  	v10 =	vadd.s32 s4, v1;
	v21 =	vld.idx.msk [tilespmem:v4+s5+$0x0], $0xffff  }
0x1b0: {  	v10 =	vand.u32 $0x7F, v10;
	v25 =	vld.idx.msk [tilespmem:v4+s28+$0x0], $0xffff  }
0x1b1: {  	v12 =	vor.u32 v6, v10;
	v36 =	vld.idx.msk [tilespmem:v4+s31+$0x0], $0xffff  }
0x1b2: {  	s6 =	simm.s32 $0x2;
	v16 =	vld.idx.msk [tilespmem:v3+s0+$0x0], $0xffff  }
0x1b3: {  	v10 =	vadd.s32 s6, v1;
	v17 =	vld.idx.msk [tilespmem:v3+s5+$0x0], $0xffff  }
0x1b4: {  	v11 =	vand.u32 $0x7F, v10;
	v19 =	vld.idx.msk [tilespmem:v3+s28+$0x0], $0xffff  }
0x1b5: {  	v14 =	vor.u32 v6, v11;
	v33 =	vld.idx.msk [tilespmem:v3+s31+$0x0], $0xffff  }
0x1b6: {  	s14 =	simm.s32 $0x1;
	v32 =	vld.idx.msk [tilespmem:v12+s0+$0x0], $0xffff  }
0x1b7: {  	v18 =	vadd.s32 s14, v1;
	v31 =	vld.idx.msk [tilespmem:v12+s5+$0x0], $0xffff  }
0x1b8: {  	v10 =	vimm.f32 $0.0e+00;
	v11 =	vand.u32 $0x7F, v18;
	v35 =	vld.idx.msk [tilespmem:v12+s28+$0x0], $0xffff  }
0x1b9: {  	p1 =	por p2, p2;
	s6 =	simm.s32 $0x8;
	v34 =	vor.u32 v6, v11;
	v11 =	vimm.f32 $0.0e+00;
	v39 =	vld.idx.msk [tilespmem:v12+s31+$0x0], $0xffff;
	v22 =	vmul.f32 v15, v9  }
.LBB2_12:
0x1ba: {  	p2 =	slt.u32 s6, $0x78;
	v40 =	vmul.f32 v20, v13;
	v20 =	vmul.f32 v20, v9;
	v41 =	vld.idx.msk [tilespmem:v14+s0+$0x0], $0xffff  }
0x1bb: {  	v13 =	vmul.f32 v15, v13;
	v18 =	vmul.f32 v19, v16;
	v15 =	vld.idx.msk [tilespmem:v14+s5+$0x0], $0xffff  }
0x1bc: {  	v43 =	vmul.f32 v33, v17;
	v16 =	vmul.f32 v33, v16;
	v42 =	vld.idx.msk [tilespmem:v14+s28+$0x0], $0xffff  }
0x1bd: {  	v9 =	vadd.s32 s6, v1;
	v44 =	vmul.f32 v25, v23;
	v17 =	vmul.f32 v19, v17;
	v33 =	vld.idx.msk [tilespmem:v14+s31+$0x0], $0xffff  }
0x1be: {  	v45 =	vmul.f32 v36, v21;
	v23 =	vmul.f32 v36, v23;
	v9 =	vand.u32 $0x7F, v9;
	v19 =	vld.idx.msk [tilespmem:v34+s0+$0x0], $0xffff  }
0x1bf: {  	v46 =	vmul.f32 v28, v27;
	v21 =	vmul.f32 v25, v21;
	v9 =	vor.u32 v6, v9;
	v36 =	vld.idx.msk [tilespmem:v34+s5+$0x0], $0xffff  }
0x1c0: {  	s3 =	sadd.s32 $0x7, s6;
	v47 =	vmul.f32 v38, v24;
	v27 =	vmul.f32 v38, v27;
	v25 =	vld.idx.msk [tilespmem:v34+s28+$0x0], $0xffff  }
0x1c1: {  	s14 =	sadd.s32 $0x6, s6;
	v49 =	vmul.f32 v30, v29;
	v24 =	vmul.f32 v28, v24;
	v38 =	vadd.s32 s3, v1;
	v48 =	vld.idx.msk [tilespmem:v34+s31+$0x0], $0xffff  }
0x1c2: {  	v51 =	vmul.f32 v37, v26;
	v29 =	vmul.f32 v37, v29;
	s3 =	sadd.s32 $0x5, s6;
	v28 =	vadd.s32 s14, v1;
	v50 =	vld.idx.msk [tilespmem:v5+s7+$0x0], $0xffff  }
0x1c3: {  	v26 =	vmul.f32 v30, v26;
	v37 =	vadd.s32 s3, v1;
	v53 =	vmul.f32 v35, v32;
	v52 =	vld.idx.msk [tilespmem:v5+s8+$0x0], $0xffff;
	v5 =	vmovc v9  }
0x1c4: {  	v30 =	vand.u32 $0x7F, v38;
	v38 =	vmul.f32 v39, v31;
	v32 =	vmul.f32 v39, v32;
	v9 =	vld.idx.msk [tilespmem:v9+s0+$0x0], $0xffff  }
0x1c5: {  	v28 =	vand.u32 $0x7F, v28;
	v31 =	vmul.f32 v35, v31;
	v54 =	vmul.f32 v42, v41;
	v39 =	vld.idx.msk [tilespmem:v34+s7+$0x0], $0xffff  }
0x1c6: {  	v30 =	vor.u32 v6, v30;
	v55 =	vmul.f32 v33, v15;
	v35 =	vmul.f32 v25, v19;
	v34 =	vld.idx.msk [tilespmem:v34+s8+$0x0], $0xffff  }
0x1c7: {  	v28 =	vor.u32 v6, v28;
	v56 =	vmul.f32 v48, v36;
	v19 =	vmul.f32 v48, v19;
	v48 =	vld.idx.msk [tilespmem:v14+s7+$0x0], $0xffff  }
0x1c8: {  	v22 =	vsub.f32 v22, v40;
	v13 =	vadd.f32 v20, v13;
	v20 =	vmul.f32 v25, v36;
	v14 =	vld.idx.msk [tilespmem:v14+s8+$0x0], $0xffff  }
0x1c9: {  	v33 =	vmul.f32 v33, v41;
	v15 =	vmul.f32 v42, v15;
	v25 =	vsub.f32 v35, v56;
	v35 =	vld.idx.msk [tilespmem:v12+s7+$0x0], $0xffff  }
0x1ca: {  	v22 =	vmul.f32 v22, v50;
	v13 =	vmul.f32 v52, v13;
	v19 =	vadd.f32 v19, v20;
	v12 =	vld.idx.msk [tilespmem:v12+s8+$0x0], $0xffff  }
0x1cb: {  	v15 =	vadd.f32 v33, v15;
	v20 =	vmul.f32 v25, v39;
	v25 =	vsub.f32 v54, v55;
	v33 =	vld.idx.msk [tilespmem:v8+s7+$0x0], $0xffff  }
0x1cc: {  	v10 =	vadd.f32 v22, v10;
	v11 =	vadd.f32 v13, v11;
	v13 =	vmul.f32 v34, v19;
	v8 =	vld.idx.msk [tilespmem:v8+s8+$0x0], $0xffff  }
0x1cd: {  	v22 =	vsub.f32 v53, v38;
	v19 =	vmul.f32 v25, v48;
	v25 =	vadd.f32 v32, v31;
	v31 =	vld.idx.msk [tilespmem:v7+s7+$0x0], $0xffff  }
0x1ce: {  	v10 =	vadd.f32 v20, v10;
	v11 =	vadd.f32 v13, v11;
	v13 =	vmul.f32 v14, v15;
	v7 =	vld.idx.msk [tilespmem:v7+s8+$0x0], $0xffff  }
0x1cf: {  	v20 =	vadd.f32 v29, v26;
	v15 =	vsub.f32 v49, v51;
	v14 =	vmul.f32 v22, v35;
	v22 =	vld.idx.msk [tilespmem:v4+s7+$0x0], $0xffff  }
0x1d0: {  	v10 =	vadd.f32 v19, v10;
	v11 =	vadd.f32 v13, v11;
	v12 =	vmul.f32 v12, v25;
	v4 =	vld.idx.msk [tilespmem:v4+s8+$0x0], $0xffff  }
0x1d1: {  	v24 =	vadd.f32 v27, v24;
	v19 =	vmul.f32 v15, v33;
	v15 =	vsub.f32 v46, v47;
	v25 =	vld.idx.msk [tilespmem:v3+s7+$0x0], $0xffff  }
0x1d2: {  	v10 =	vadd.f32 v14, v10;
	v11 =	vadd.f32 v12, v11;
	v8 =	vmul.f32 v8, v20;
	v12 =	vld.idx.msk [tilespmem:v3+s8+$0x0], $0xffff  }
0x1d3: {  	v21 =	vadd.f32 v23, v21;
	v14 =	vsub.f32 v44, v45;
	v3 =	vmul.f32 v15, v31;
	v13 =	vld.idx.msk [tilespmem:v5+s5+$0x0], $0xffff  }
0x1d4: {  	v10 =	vadd.f32 v19, v10;
	v8 =	vadd.f32 v8, v11;
	v7 =	vmul.f32 v7, v24;
	v15 =	vld.idx.msk [tilespmem:v5+s28+$0x0], $0xffff  }
0x1d5: {  	v11 =	vmul.f32 v14, v22;
	v14 =	vsub.f32 v18, v43;
	v18 =	vadd.f32 v16, v17;
	v20 =	vld.idx.msk [tilespmem:v5+s31+$0x0], $0xffff  }
0x1d6: {  	v10 =	vadd.f32 v3, v10;
	v7 =	vadd.f32 v7, v8;
	v8 =	vmul.f32 v4, v21;
	v16 =	vld.idx.msk [tilespmem:v30+s0+$0x0], $0xffff  }
0x1d7: {  	v21 =	vand.u32 $0x7F, v37;
	v4 =	vmovc v28;
	v14 =	vmul.f32 v14, v25;
	v3 =	vmov v30;
	v17 =	vld.idx.msk [tilespmem:v30+s5+$0x0], $0xffff  }
0x1d8: {  	v10 =	vadd.f32 v11, v10;
	v8 =	vadd.f32 v8, v7;
	v11 =	vmul.f32 v12, v18;
	v19 =	vld.idx.msk [tilespmem:v30+s28+$0x0], $0xffff  }
0x1d9: {  	v7 =	vor.u32 v6, v21;
	v33 =	vld.idx.msk [tilespmem:v30+s31+$0x0], $0xffff  }
0x1da: {  	s3 =	sadd.s32 $0x4, s6;
	v10 =	vadd.f32 v14, v10;
	v11 =	vadd.f32 v11, v8;
	v23 =	vld.idx.msk [tilespmem:v28+s0+$0x0], $0xffff  }
0x1db: {  	v8 =	vadd.s32 s3, v1;
	v21 =	vld.idx.msk [tilespmem:v28+s5+$0x0], $0xffff  }
0x1dc: {  	v8 =	vand.u32 $0x7F, v8;
	v25 =	vld.idx.msk [tilespmem:v28+s28+$0x0], $0xffff  }
0x1dd: {  	v8 =	vor.u32 v6, v8;
	v36 =	vld.idx.msk [tilespmem:v28+s31+$0x0], $0xffff  }
0x1de: {  	s3 =	sadd.s32 $0x3, s6;
	v27 =	vld.idx.msk [tilespmem:v7+s0+$0x0], $0xffff  }
0x1df: {  	v12 =	vadd.s32 s3, v1;
	v24 =	vld.idx.msk [tilespmem:v7+s5+$0x0], $0xffff  }
0x1e0: {  	v12 =	vand.u32 $0x7F, v12;
	v28 =	vld.idx.msk [tilespmem:v7+s28+$0x0], $0xffff  }
0x1e1: {  	v12 =	vor.u32 v6, v12;
	v38 =	vld.idx.msk [tilespmem:v7+s31+$0x0], $0xffff  }
0x1e2: {  	s3 =	sadd.s32 $0x2, s6;
	v29 =	vld.idx.msk [tilespmem:v8+s0+$0x0], $0xffff  }
0x1e3: {  	v14 =	vadd.s32 s3, v1;
	v26 =	vld.idx.msk [tilespmem:v8+s5+$0x0], $0xffff  }
0x1e4: {  	v14 =	vand.u32 $0x7F, v14;
	v30 =	vld.idx.msk [tilespmem:v8+s28+$0x0], $0xffff  }
.Ltmp6:
0x1e5: {  	v14 =	vor.u32 v6, v14;
	v37 =	vld.idx.msk [tilespmem:v8+s31+$0x0], $0xffff;
	(pc) =	sbr.rel @p2 .LBB2_12-.Ltmp6, $4  }
0x1e6: {  	s3 =	sadd.s32 $0x1, s6;
	v32 =	vld.idx.msk [tilespmem:v12+s0+$0x0], $0xffff  }
0x1e7: {  	v18 =	vadd.s32 s3, v1;
	v31 =	vld.idx.msk [tilespmem:v12+s5+$0x0], $0xffff  }
0x1e8: {  	v18 =	vand.u32 $0x7F, v18;
	v35 =	vld.idx.msk [tilespmem:v12+s28+$0x0], $0xffff  }
0x1e9: {  	v22 =	vmul.f32 v15, v9;
	s6 =	sadd.s32 $0x8, s6;
	v34 =	vor.u32 v6, v18;
	v39 =	vld.idx.msk [tilespmem:v12+s31+$0x0], $0xffff  }
0x1ea: {  	_ =	sdelay $0x2  }
0x1eb: {  	v6 =	vmul.f32 v20, v13  }
0x1ec: {  	v9 =	vmul.f32 v20, v9;
	v18 =	vld.idx.msk [tilespmem:v14+s0+$0x0], $0xffff;
	v57 =	vmul.f32 v15, v13  }
0x1ed: {  	v15 =	vmul.f32 v19, v16;
	v20 =	vld.idx.msk [tilespmem:v14+s5+$0x0], $0xffff;
	v40 =	vmul.f32 v33, v17  }
0x1ee: {  	v16 =	vmul.f32 v33, v16;
	v33 =	vld.idx.msk [tilespmem:v14+s28+$0x0], $0xffff;
	v41 =	vmul.f32 v25, v23  }
0x1ef: {  	v17 =	vmul.f32 v19, v17;
	v19 =	vld.idx.msk [tilespmem:v14+s31+$0x0], $0xffff;
	v42 =	vmul.f32 v36, v21  }
0x1f0: {  	v23 =	vmul.f32 v36, v23;
	v58 =	vld.idx.msk [tilespmem:v34+s0+$0x0], $0xffff;
	v43 =	vmul.f32 v28, v27  }
0x1f1: {  	v21 =	vmul.f32 v25, v21;
	v59 =	vld.idx.msk [tilespmem:v34+s5+$0x0], $0xffff;
	v44 =	vmul.f32 v38, v24  }
0x1f2: {  	v27 =	vmul.f32 v38, v27;
	v60 =	vld.idx.msk [tilespmem:v34+s28+$0x0], $0xffff;
	v45 =	vmul.f32 v30, v29  }
0x1f3: {  	v24 =	vmul.f32 v28, v24;
	v61 =	vld.idx.msk [tilespmem:v34+s31+$0x0], $0xffff;
	v46 =	vmul.f32 v37, v26  }
0x1f4: {  	v29 =	vmul.f32 v37, v29;
	v26 =	vmul.f32 v30, v26  }
0x1f5: {  	v62 =	vld.idx.msk [tilespmem:v5+s7+$0x0], $0xffff;
	v37 =	vmul.f32 v35, v32;
	v47 =	vmul.f32 v39, v31  }
0x1f6: {  	v63 =	vld.idx.msk [tilespmem:v5+s8+$0x0], $0xffff;
	v32 =	vmul.f32 v39, v32;
	v39 =	vmul.f32 v33, v18  }
0x1f7: {  	v53 =	vld.idx.msk [tilespmem:v34+s7+$0x0], $0xffff;
	v48 =	vmul.f32 v60, v58;
	v49 =	vmul.f32 v19, v20  }
0x1f8: {  	v54 =	vld.idx.msk [tilespmem:v34+s8+$0x0], $0xffff;
	v6 =	vsub.f32 v22, v6;
	v50 =	vmul.f32 v61, v59;
	v28 =	vmul.f32 v61, v58  }
0x1f9: {  	v55 =	vld.idx.msk [tilespmem:v14+s7+$0x0], $0xffff;
	v9 =	vadd.f32 v9, v57;
	v56 =	vmul.f32 v60, v59;
	v18 =	vmul.f32 v19, v18  }
0x1fa: {  	v57 =	vld.idx.msk [tilespmem:v14+s8+$0x0], $0xffff;
	v59 =	vmul.f32 v33, v20;
	v6 =	vmul.f32 v6, v62;
	v58 =	vsub.f32 v48, v50  }
0x1fb: {  	v60 =	vld.idx.msk [tilespmem:v12+s7+$0x0], $0xffff;
	v5 =	vmul.f32 v63, v9;
	v61 =	vadd.f32 v28, v56;
	v28 =	vsub.f32 v39, v49  }
0x1fc: {  	v52 =	vmul.f32 v35, v31;
	v62 =	vld.idx.msk [tilespmem:v12+s8+$0x0], $0xffff;
	v18 =	vadd.f32 v18, v59;
	v6 =	vadd.f32 v6, v10  }
0x1fd: {  	v30 =	vld.idx.msk [tilespmem:v8+s7+$0x0], $0xffff;
	v5 =	vadd.f32 v5, v11;
	v63 =	vmul.f32 v58, v53;
	v9 =	vmul.f32 v54, v61  }
0x1fe: {  	v33 =	vld.idx.msk [tilespmem:v8+s8+$0x0], $0xffff;
	v35 =	vsub.f32 v37, v47;
	v36 =	vadd.f32 v32, v52;
	v34 =	vmul.f32 v28, v55  }
0x1ff: {  	v37 =	vld.idx.msk [tilespmem:v7+s7+$0x0], $0xffff;
	v38 =	vmul.f32 v57, v18;
	v6 =	vadd.f32 v63, v6;
	v5 =	vadd.f32 v9, v5  }
0x200: {  	v47 =	vsub.f32 v45, v46;
	v39 =	vld.idx.msk [tilespmem:v7+s8+$0x0], $0xffff;
	v48 =	vadd.f32 v29, v26;
	v11 =	vmul.f32 v35, v60  }
0x201: {  	v51 =	vld.idx.msk [tilespmem:v4+s8+$0x0], $0xffff;
	v50 =	vmul.f32 v62, v36;
	v6 =	vadd.f32 v34, v6;
	v5 =	vadd.f32 v38, v5  }
0x202: {  	v49 =	vld.idx.msk [tilespmem:v4+s7+$0x0], $0xffff;
	v52 =	vmul.f32 v47, v30;
	v53 =	vsub.f32 v43, v44;
	v54 =	vadd.f32 v27, v24  }
0x203: {  	v55 =	vld.idx.msk [tilespmem:v3+s7+$0x0], $0xffff;
	v8 =	vmul.f32 v33, v48;
	v6 =	vadd.f32 v11, v6;
	v5 =	vadd.f32 v50, v5  }
0x204: {  	v3 =	vld.idx.msk [tilespmem:v3+s8+$0x0], $0xffff;
	v57 =	vsub.f32 v41, v42;
	v58 =	vadd.f32 v23, v21;
	v56 =	vmul.f32 v53, v37  }
0x205: {  	v7 =	vmul.f32 v39, v54;
	v6 =	vadd.f32 v52, v6;
	v5 =	vadd.f32 v8, v5  }
0x206: {  	v61 =	vadd.f32 v16, v17;
	v60 =	vsub.f32 v15, v40;
	v4 =	vmul.f32 v51, v58  }
0x207: {  	v59 =	vmul.f32 v57, v49;
	v6 =	vadd.f32 v56, v6;
	v5 =	vadd.f32 v7, v5  }
0x208: {  	v62 =	vmul.f32 v60, v55  }
0x209: {  	v3 =	vmul.f32 v3, v61;
	v6 =	vadd.f32 v59, v6;
	v4 =	vadd.f32 v4, v5;
	_ =	sdelay $0x1  }
.Ltmp7:
0x20a: {  	v63 =	vadd.f32 v62, v6;
	v3 =	vadd.f32 v3, v4;
	(pc) =	sbr.rel @p1 .LBB2_11-.Ltmp7, $3  }
0x20b: {  	_ = 	snop  }
0x20c: {  	v3 =	vadd.f32 v3, v63;
	_ =	sdelay $0x1  }
0x20d: {  	p2 =	por $0x0, $0x0;
	[tilespmem:v2+s2+$0x0 ss:$0x1] =	vst.idx.msk $0xffff, v3;
	s2 =	simm.s32 $0x10  }
0x20e: {  	s2 =	sadd.s32 @!p0 $0xC0, s1  }
0x20f: {  	s3 =	simm.s32 @!p0 $0x20;
	s6 =	simm.s32 @!p0 $0xC600;
	s14 =	rddreg [dreg:$0x1]  }
0x210: {  	[tilespmem:s6], [sflag:$0x3] =	stream.indirect.gather @!p0 [hbm4b:s14+s3], $0x80, s2, s3, $0xb8;
	[tilespmem:$0x18800] =	vst v63  }
0x211: {  	s15 =	rddreg [dreg:$0x2];
	s6 =	simm.s32 @!p0 $0xD600  }
0x212: {  	[tilespmem:s6], [sflag:$0x3] =	stream.indirect.gather @!p0 [hbm4b:s15+s3], $0x80, s2, s3, $0xb8;
	[tilespmem:$0x18800] =	vst v63  }
0x213: {  	s4 =	rddreg [dreg:$0x3];
	s2 =	sadd.s32 @!p0 $0x2C0, s1;
	s6 =	simm.s32 @!p0 $0xE600  }
0x214: {  	[tilespmem:s6], [sflag:$0x3] =	stream.indirect.gather @!p0 [hbm4b:s4+s3], $0x80, s2, s3, $0xb8;
	[tilespmem:$0x18800] =	vst v63  }
0x215: {  	s6 =	simm.s32 @!p0 $0xF600;
	s4 =	rddreg [dreg:$0x4]  }
0x216: {  	[tilespmem:s6], [sflag:$0x3] =	stream.indirect.gather @!p0 [hbm4b:s4+s3], $0x80, s2, s3, $0xb8;
	[tilespmem:$0x18800] =	vst v63  }
0x217: {  	s2 =	sadd.s32 @!p0 $0x4C0, s1;
	s6 =	simm.s32 @!p0 $0x10600  }
0x218: {  	[tilespmem:s6], [sflag:$0x3] =	stream.indirect.gather @!p0 [hbm4b:s14+s3], $0x80, s2, s3, $0xb8;
	[tilespmem:$0x18800] =	vst v63  }
0x219: {  	s6 =	simm.s32 @!p0 $0x11600  }
0x21a: {  	[tilespmem:s6], [sflag:$0x3] =	stream.indirect.gather @!p0 [hbm4b:s15+s3], $0x80, s2, s3, $0xb8;
	[tilespmem:$0x18800] =	vst v63  }
0x21b: {  	s6 =	simm.s32 $0x4  }
0x21c: {  	_ =	swait.ge [sflag:s6], $0x1000  }
0x21d: {  	[sflag:s6] =	ssyncset.done $0x0  }
0x21e: {  	[sflag:s6] =	ssyncadd.s32 $0xFFFFF000  }
0x21f: {  	_ =	swait.ge [sflag:s6], $0x1000  }
0x220: {  	[sflag:s6] =	ssyncset.done $0x0  }
0x221: {  	[sflag:s6] =	ssyncadd.s32 $0xFFFFF000  }
0x222: {  	_ =	swait.ge [sflag:s6], $0x1000  }
0x223: {  	[sflag:s6] =	ssyncset.done $0x0  }
0x224: {  	[sflag:s6] =	ssyncadd.s32 $0xFFFFF000  }
0x225: {  	_ =	swait.ge [sflag:s6], $0x1000  }
0x226: {  	[sflag:s6] =	ssyncset.done $0x0  }
0x227: {  	[sflag:s6] =	ssyncadd.s32 $0xFFFFF000  }
0x228: {  	_ =	swait.ge [sflag:s6], $0x1000  }
0x229: {  	[sflag:s6] =	ssyncset.done $0x0  }
0x22a: {  	[sflag:s6] =	ssyncadd.s32 $0xFFFFF000  }
0x22b: {  	_ =	swait.ge [sflag:s6], $0x1000  }
0x22c: {  	s14 =	rddreg [dreg:$0xe]  }
0x22d: {  	p2 =	por $0x1, $0x1;
	[sflag:s6] =	ssyncset.done $0x0;
	s15 =	sadd.s32 $0x18660, s14  }
0x22e: {  	s2 =	simm.s32 $0x0;
	[sflag:s6] =	ssyncadd.s32 $0xFFFFF000;
	v2 =	vmov s15;
	s15 =	simm.s32 $0x0  }
.LBB2_15:
0x22f: {  	v3 =	vmov s15  }
0x230: {  	v4 =	vadd.s32 s2, v1;
	v3 =	vshll.u32 v3, $0x7  }
0x231: {  	v6 =	vor.u32 v0, v3;
	v3 =	vand.u32 $0x7F, v4  }
0x232: {  	v5 =	vor.u32 v6, v3  }
0x233: {  	s6 =	simm.s32 $0x5  }
0x234: {  	v7 =	vadd.s32 s6, v1  }
0x235: {  	v7 =	vand.u32 $0x7F, v7  }
0x236: {  	v7 =	vor.u32 v6, v7  }
0x237: {  	s14 =	simm.s32 $0x4;
	v9 =	vld.idx.msk [tilespmem:v5+s9+$0x0], $0xffff  }
0x238: {  	v8 =	vadd.s32 s14, v1;
	v13 =	vld.idx.msk [tilespmem:v5+s10+$0x0], $0xffff  }
0x239: {  	v8 =	vand.u32 $0x7F, v8;
	v15 =	vld.idx.msk [tilespmem:v5+s24+$0x0], $0xffff  }
0x23a: {  	v8 =	vor.u32 v6, v8;
	v20 =	vld.idx.msk [tilespmem:v5+s11+$0x0], $0xffff  }
0x23b: {  	s4 =	simm.s32 $0x6;
	v27 =	vld.idx.msk [tilespmem:v7+s9+$0x0], $0xffff  }
0x23c: {  	v4 =	vadd.s32 s4, v1;
	v24 =	vld.idx.msk [tilespmem:v7+s10+$0x0], $0xffff  }
0x23d: {  	v4 =	vand.u32 $0x7F, v4;
	v28 =	vld.idx.msk [tilespmem:v7+s24+$0x0], $0xffff  }
0x23e: {  	v4 =	vor.u32 v6, v4;
	v38 =	vld.idx.msk [tilespmem:v7+s11+$0x0], $0xffff  }
0x23f: {  	s3 =	simm.s32 $0x7;
	v29 =	vld.idx.msk [tilespmem:v8+s9+$0x0], $0xffff  }
0x240: {  	v3 =	vadd.s32 s3, v1;
	v26 =	vld.idx.msk [tilespmem:v8+s10+$0x0], $0xffff  }
0x241: {  	v3 =	vand.u32 $0x7F, v3;
	v30 =	vld.idx.msk [tilespmem:v8+s24+$0x0], $0xffff  }
0x242: {  	v3 =	vor.u32 v6, v3;
	v37 =	vld.idx.msk [tilespmem:v8+s11+$0x0], $0xffff  }
0x243: {  	s4 =	simm.s32 $0x3;
	v23 =	vld.idx.msk [tilespmem:v4+s9+$0x0], $0xffff  }
0x244: {  	v10 =	vadd.s32 s4, v1;
	v21 =	vld.idx.msk [tilespmem:v4+s10+$0x0], $0xffff  }
0x245: {  	v10 =	vand.u32 $0x7F, v10;
	v25 =	vld.idx.msk [tilespmem:v4+s24+$0x0], $0xffff  }
0x246: {  	v12 =	vor.u32 v6, v10;
	v36 =	vld.idx.msk [tilespmem:v4+s11+$0x0], $0xffff  }
0x247: {  	s6 =	simm.s32 $0x2;
	v16 =	vld.idx.msk [tilespmem:v3+s9+$0x0], $0xffff  }
0x248: {  	v10 =	vadd.s32 s6, v1;
	v17 =	vld.idx.msk [tilespmem:v3+s10+$0x0], $0xffff  }
0x249: {  	v11 =	vand.u32 $0x7F, v10;
	v19 =	vld.idx.msk [tilespmem:v3+s24+$0x0], $0xffff  }
0x24a: {  	v14 =	vor.u32 v6, v11;
	v33 =	vld.idx.msk [tilespmem:v3+s11+$0x0], $0xffff  }
0x24b: {  	s14 =	simm.s32 $0x1;
	v32 =	vld.idx.msk [tilespmem:v12+s9+$0x0], $0xffff  }
0x24c: {  	v18 =	vadd.s32 s14, v1;
	v31 =	vld.idx.msk [tilespmem:v12+s10+$0x0], $0xffff  }
0x24d: {  	v10 =	vimm.f32 $0.0e+00;
	v11 =	vand.u32 $0x7F, v18;
	v35 =	vld.idx.msk [tilespmem:v12+s24+$0x0], $0xffff  }
0x24e: {  	p1 =	por p2, p2;
	s6 =	simm.s32 $0x8;
	v34 =	vor.u32 v6, v11;
	v11 =	vimm.f32 $0.0e+00;
	v39 =	vld.idx.msk [tilespmem:v12+s11+$0x0], $0xffff;
	v22 =	vmul.f32 v15, v9  }
.LBB2_16:
0x24f: {  	p2 =	slt.u32 s6, $0x78;
	v40 =	vmul.f32 v20, v13;
	v20 =	vmul.f32 v20, v9;
	v41 =	vld.idx.msk [tilespmem:v14+s9+$0x0], $0xffff  }
0x250: {  	v13 =	vmul.f32 v15, v13;
	v18 =	vmul.f32 v19, v16;
	v15 =	vld.idx.msk [tilespmem:v14+s10+$0x0], $0xffff  }
0x251: {  	v43 =	vmul.f32 v33, v17;
	v16 =	vmul.f32 v33, v16;
	v42 =	vld.idx.msk [tilespmem:v14+s24+$0x0], $0xffff  }
0x252: {  	v9 =	vadd.s32 s6, v1;
	v44 =	vmul.f32 v25, v23;
	v17 =	vmul.f32 v19, v17;
	v33 =	vld.idx.msk [tilespmem:v14+s11+$0x0], $0xffff  }
0x253: {  	v45 =	vmul.f32 v36, v21;
	v23 =	vmul.f32 v36, v23;
	v9 =	vand.u32 $0x7F, v9;
	v19 =	vld.idx.msk [tilespmem:v34+s9+$0x0], $0xffff  }
0x254: {  	v46 =	vmul.f32 v28, v27;
	v21 =	vmul.f32 v25, v21;
	v9 =	vor.u32 v6, v9;
	v36 =	vld.idx.msk [tilespmem:v34+s10+$0x0], $0xffff  }
0x255: {  	s3 =	sadd.s32 $0x7, s6;
	v47 =	vmul.f32 v38, v24;
	v27 =	vmul.f32 v38, v27;
	v25 =	vld.idx.msk [tilespmem:v34+s24+$0x0], $0xffff  }
0x256: {  	s14 =	sadd.s32 $0x6, s6;
	v49 =	vmul.f32 v30, v29;
	v24 =	vmul.f32 v28, v24;
	v38 =	vadd.s32 s3, v1;
	v48 =	vld.idx.msk [tilespmem:v34+s11+$0x0], $0xffff  }
0x257: {  	v51 =	vmul.f32 v37, v26;
	v29 =	vmul.f32 v37, v29;
	s3 =	sadd.s32 $0x5, s6;
	v28 =	vadd.s32 s14, v1;
	v50 =	vld.idx.msk [tilespmem:v5+s12+$0x0], $0xffff  }
0x258: {  	v26 =	vmul.f32 v30, v26;
	v37 =	vadd.s32 s3, v1;
	v53 =	vmul.f32 v35, v32;
	v52 =	vld.idx.msk [tilespmem:v5+s13+$0x0], $0xffff;
	v5 =	vmovc v9  }
0x259: {  	v30 =	vand.u32 $0x7F, v38;
	v38 =	vmul.f32 v39, v31;
	v32 =	vmul.f32 v39, v32;
	v9 =	vld.idx.msk [tilespmem:v9+s9+$0x0], $0xffff  }
0x25a: {  	v28 =	vand.u32 $0x7F, v28;
	v31 =	vmul.f32 v35, v31;
	v54 =	vmul.f32 v42, v41;
	v39 =	vld.idx.msk [tilespmem:v34+s12+$0x0], $0xffff  }
0x25b: {  	v30 =	vor.u32 v6, v30;
	v55 =	vmul.f32 v33, v15;
	v35 =	vmul.f32 v25, v19;
	v34 =	vld.idx.msk [tilespmem:v34+s13+$0x0], $0xffff  }
0x25c: {  	v28 =	vor.u32 v6, v28;
	v56 =	vmul.f32 v48, v36;
	v19 =	vmul.f32 v48, v19;
	v48 =	vld.idx.msk [tilespmem:v14+s12+$0x0], $0xffff  }
0x25d: {  	v22 =	vsub.f32 v22, v40;
	v13 =	vadd.f32 v20, v13;
	v20 =	vmul.f32 v25, v36;
	v14 =	vld.idx.msk [tilespmem:v14+s13+$0x0], $0xffff  }
0x25e: {  	v33 =	vmul.f32 v33, v41;
	v15 =	vmul.f32 v42, v15;
	v25 =	vsub.f32 v35, v56;
	v35 =	vld.idx.msk [tilespmem:v12+s12+$0x0], $0xffff  }
0x25f: {  	v22 =	vmul.f32 v22, v50;
	v13 =	vmul.f32 v52, v13;
	v19 =	vadd.f32 v19, v20;
	v12 =	vld.idx.msk [tilespmem:v12+s13+$0x0], $0xffff  }
0x260: {  	v15 =	vadd.f32 v33, v15;
	v20 =	vmul.f32 v25, v39;
	v25 =	vsub.f32 v54, v55;
	v33 =	vld.idx.msk [tilespmem:v8+s12+$0x0], $0xffff  }
0x261: {  	v10 =	vadd.f32 v22, v10;
	v11 =	vadd.f32 v13, v11;
	v13 =	vmul.f32 v34, v19;
	v8 =	vld.idx.msk [tilespmem:v8+s13+$0x0], $0xffff  }
0x262: {  	v22 =	vsub.f32 v53, v38;
	v19 =	vmul.f32 v25, v48;
	v25 =	vadd.f32 v32, v31;
	v31 =	vld.idx.msk [tilespmem:v7+s12+$0x0], $0xffff  }
0x263: {  	v10 =	vadd.f32 v20, v10;
	v11 =	vadd.f32 v13, v11;
	v13 =	vmul.f32 v14, v15;
	v7 =	vld.idx.msk [tilespmem:v7+s13+$0x0], $0xffff  }
0x264: {  	v20 =	vadd.f32 v29, v26;
	v15 =	vsub.f32 v49, v51;
	v14 =	vmul.f32 v22, v35;
	v22 =	vld.idx.msk [tilespmem:v4+s12+$0x0], $0xffff  }
0x265: {  	v10 =	vadd.f32 v19, v10;
	v11 =	vadd.f32 v13, v11;
	v12 =	vmul.f32 v12, v25;
	v4 =	vld.idx.msk [tilespmem:v4+s13+$0x0], $0xffff  }
0x266: {  	v24 =	vadd.f32 v27, v24;
	v19 =	vmul.f32 v15, v33;
	v15 =	vsub.f32 v46, v47;
	v25 =	vld.idx.msk [tilespmem:v3+s12+$0x0], $0xffff  }
0x267: {  	v10 =	vadd.f32 v14, v10;
	v11 =	vadd.f32 v12, v11;
	v8 =	vmul.f32 v8, v20;
	v12 =	vld.idx.msk [tilespmem:v3+s13+$0x0], $0xffff  }
0x268: {  	v21 =	vadd.f32 v23, v21;
	v14 =	vsub.f32 v44, v45;
	v3 =	vmul.f32 v15, v31;
	v13 =	vld.idx.msk [tilespmem:v5+s10+$0x0], $0xffff  }
0x269: {  	v10 =	vadd.f32 v19, v10;
	v8 =	vadd.f32 v8, v11;
	v7 =	vmul.f32 v7, v24;
	v15 =	vld.idx.msk [tilespmem:v5+s24+$0x0], $0xffff  }
0x26a: {  	v11 =	vmul.f32 v14, v22;
	v14 =	vsub.f32 v18, v43;
	v18 =	vadd.f32 v16, v17;
	v20 =	vld.idx.msk [tilespmem:v5+s11+$0x0], $0xffff  }
0x26b: {  	v10 =	vadd.f32 v3, v10;
	v7 =	vadd.f32 v7, v8;
	v8 =	vmul.f32 v4, v21;
	v16 =	vld.idx.msk [tilespmem:v30+s9+$0x0], $0xffff  }
0x26c: {  	v21 =	vand.u32 $0x7F, v37;
	v4 =	vmovc v28;
	v14 =	vmul.f32 v14, v25;
	v3 =	vmov v30;
	v17 =	vld.idx.msk [tilespmem:v30+s10+$0x0], $0xffff  }
0x26d: {  	v10 =	vadd.f32 v11, v10;
	v8 =	vadd.f32 v8, v7;
	v11 =	vmul.f32 v12, v18;
	v19 =	vld.idx.msk [tilespmem:v30+s24+$0x0], $0xffff  }
0x26e: {  	v7 =	vor.u32 v6, v21;
	v33 =	vld.idx.msk [tilespmem:v30+s11+$0x0], $0xffff  }
0x26f: {  	s3 =	sadd.s32 $0x4, s6;
	v10 =	vadd.f32 v14, v10;
	v11 =	vadd.f32 v11, v8;
	v23 =	vld.idx.msk [tilespmem:v28+s9+$0x0], $0xffff  }
0x270: {  	v8 =	vadd.s32 s3, v1;
	v21 =	vld.idx.msk [tilespmem:v28+s10+$0x0], $0xffff  }
0x271: {  	v8 =	vand.u32 $0x7F, v8;
	v25 =	vld.idx.msk [tilespmem:v28+s24+$0x0], $0xffff  }
0x272: {  	v8 =	vor.u32 v6, v8;
	v36 =	vld.idx.msk [tilespmem:v28+s11+$0x0], $0xffff  }
0x273: {  	s3 =	sadd.s32 $0x3, s6;
	v27 =	vld.idx.msk [tilespmem:v7+s9+$0x0], $0xffff  }
0x274: {  	v12 =	vadd.s32 s3, v1;
	v24 =	vld.idx.msk [tilespmem:v7+s10+$0x0], $0xffff  }
0x275: {  	v12 =	vand.u32 $0x7F, v12;
	v28 =	vld.idx.msk [tilespmem:v7+s24+$0x0], $0xffff  }
0x276: {  	v12 =	vor.u32 v6, v12;
	v38 =	vld.idx.msk [tilespmem:v7+s11+$0x0], $0xffff  }
0x277: {  	s3 =	sadd.s32 $0x2, s6;
	v29 =	vld.idx.msk [tilespmem:v8+s9+$0x0], $0xffff  }
0x278: {  	v14 =	vadd.s32 s3, v1;
	v26 =	vld.idx.msk [tilespmem:v8+s10+$0x0], $0xffff  }
0x279: {  	v14 =	vand.u32 $0x7F, v14;
	v30 =	vld.idx.msk [tilespmem:v8+s24+$0x0], $0xffff  }
.Ltmp8:
0x27a: {  	v14 =	vor.u32 v6, v14;
	v37 =	vld.idx.msk [tilespmem:v8+s11+$0x0], $0xffff;
	(pc) =	sbr.rel @p2 .LBB2_16-.Ltmp8, $4  }
0x27b: {  	s3 =	sadd.s32 $0x1, s6;
	v32 =	vld.idx.msk [tilespmem:v12+s9+$0x0], $0xffff  }
0x27c: {  	v18 =	vadd.s32 s3, v1;
	v31 =	vld.idx.msk [tilespmem:v12+s10+$0x0], $0xffff  }
0x27d: {  	v18 =	vand.u32 $0x7F, v18;
	v35 =	vld.idx.msk [tilespmem:v12+s24+$0x0], $0xffff  }
0x27e: {  	v22 =	vmul.f32 v15, v9;
	s6 =	sadd.s32 $0x8, s6;
	v34 =	vor.u32 v6, v18;
	v39 =	vld.idx.msk [tilespmem:v12+s11+$0x0], $0xffff  }
0x27f: {  	_ =	sdelay $0x2  }
0x280: {  	v6 =	vmul.f32 v20, v13  }
0x281: {  	v9 =	vmul.f32 v20, v9;
	v18 =	vld.idx.msk [tilespmem:v14+s9+$0x0], $0xffff;
	v57 =	vmul.f32 v15, v13  }
0x282: {  	v15 =	vmul.f32 v19, v16;
	v20 =	vld.idx.msk [tilespmem:v14+s10+$0x0], $0xffff;
	v40 =	vmul.f32 v33, v17  }
0x283: {  	v16 =	vmul.f32 v33, v16;
	v33 =	vld.idx.msk [tilespmem:v14+s24+$0x0], $0xffff;
	v41 =	vmul.f32 v25, v23  }
0x284: {  	v17 =	vmul.f32 v19, v17;
	v19 =	vld.idx.msk [tilespmem:v14+s11+$0x0], $0xffff;
	v42 =	vmul.f32 v36, v21  }
0x285: {  	v23 =	vmul.f32 v36, v23;
	v58 =	vld.idx.msk [tilespmem:v34+s9+$0x0], $0xffff;
	v43 =	vmul.f32 v28, v27  }
0x286: {  	v21 =	vmul.f32 v25, v21;
	v59 =	vld.idx.msk [tilespmem:v34+s10+$0x0], $0xffff;
	v44 =	vmul.f32 v38, v24  }
0x287: {  	v27 =	vmul.f32 v38, v27;
	v60 =	vld.idx.msk [tilespmem:v34+s24+$0x0], $0xffff;
	v45 =	vmul.f32 v30, v29  }
0x288: {  	v24 =	vmul.f32 v28, v24;
	v61 =	vld.idx.msk [tilespmem:v34+s11+$0x0], $0xffff;
	v46 =	vmul.f32 v37, v26  }
0x289: {  	v29 =	vmul.f32 v37, v29;
	v26 =	vmul.f32 v30, v26  }
0x28a: {  	v62 =	vld.idx.msk [tilespmem:v5+s12+$0x0], $0xffff;
	v37 =	vmul.f32 v35, v32;
	v47 =	vmul.f32 v39, v31  }
0x28b: {  	v63 =	vld.idx.msk [tilespmem:v5+s13+$0x0], $0xffff;
	v32 =	vmul.f32 v39, v32;
	v39 =	vmul.f32 v33, v18  }
0x28c: {  	v53 =	vld.idx.msk [tilespmem:v34+s12+$0x0], $0xffff;
	v48 =	vmul.f32 v60, v58;
	v49 =	vmul.f32 v19, v20  }
0x28d: {  	v54 =	vld.idx.msk [tilespmem:v34+s13+$0x0], $0xffff;
	v6 =	vsub.f32 v22, v6;
	v50 =	vmul.f32 v61, v59;
	v28 =	vmul.f32 v61, v58  }
0x28e: {  	v55 =	vld.idx.msk [tilespmem:v14+s12+$0x0], $0xffff;
	v9 =	vadd.f32 v9, v57;
	v56 =	vmul.f32 v60, v59;
	v18 =	vmul.f32 v19, v18  }
0x28f: {  	v57 =	vld.idx.msk [tilespmem:v14+s13+$0x0], $0xffff;
	v59 =	vmul.f32 v33, v20;
	v6 =	vmul.f32 v6, v62;
	v58 =	vsub.f32 v48, v50  }
0x290: {  	v60 =	vld.idx.msk [tilespmem:v12+s12+$0x0], $0xffff;
	v5 =	vmul.f32 v63, v9;
	v61 =	vadd.f32 v28, v56;
	v28 =	vsub.f32 v39, v49  }
0x291: {  	v52 =	vmul.f32 v35, v31;
	v62 =	vld.idx.msk [tilespmem:v12+s13+$0x0], $0xffff;
	v18 =	vadd.f32 v18, v59;
	v6 =	vadd.f32 v6, v10  }
0x292: {  	v30 =	vld.idx.msk [tilespmem:v8+s12+$0x0], $0xffff;
	v5 =	vadd.f32 v5, v11;
	v63 =	vmul.f32 v58, v53;
	v9 =	vmul.f32 v54, v61  }
0x293: {  	v33 =	vld.idx.msk [tilespmem:v8+s13+$0x0], $0xffff;
	v35 =	vsub.f32 v37, v47;
	v36 =	vadd.f32 v32, v52;
	v34 =	vmul.f32 v28, v55  }
0x294: {  	v37 =	vld.idx.msk [tilespmem:v7+s12+$0x0], $0xffff;
	v38 =	vmul.f32 v57, v18;
	v6 =	vadd.f32 v63, v6;
	v5 =	vadd.f32 v9, v5  }
0x295: {  	v47 =	vsub.f32 v45, v46;
	v39 =	vld.idx.msk [tilespmem:v7+s13+$0x0], $0xffff;
	v48 =	vadd.f32 v29, v26;
	v11 =	vmul.f32 v35, v60  }
0x296: {  	v51 =	vld.idx.msk [tilespmem:v4+s13+$0x0], $0xffff;
	v50 =	vmul.f32 v62, v36;
	v6 =	vadd.f32 v34, v6;
	v5 =	vadd.f32 v38, v5  }
0x297: {  	v49 =	vld.idx.msk [tilespmem:v4+s12+$0x0], $0xffff;
	v52 =	vmul.f32 v47, v30;
	v53 =	vsub.f32 v43, v44;
	v54 =	vadd.f32 v27, v24  }
0x298: {  	v55 =	vld.idx.msk [tilespmem:v3+s12+$0x0], $0xffff;
	v8 =	vmul.f32 v33, v48;
	v6 =	vadd.f32 v11, v6;
	v5 =	vadd.f32 v50, v5  }
0x299: {  	v3 =	vld.idx.msk [tilespmem:v3+s13+$0x0], $0xffff;
	v57 =	vsub.f32 v41, v42;
	v58 =	vadd.f32 v23, v21;
	v56 =	vmul.f32 v53, v37  }
0x29a: {  	v7 =	vmul.f32 v39, v54;
	v6 =	vadd.f32 v52, v6;
	v5 =	vadd.f32 v8, v5  }
0x29b: {  	v61 =	vadd.f32 v16, v17;
	v60 =	vsub.f32 v15, v40;
	v4 =	vmul.f32 v51, v58  }
0x29c: {  	v59 =	vmul.f32 v57, v49;
	v6 =	vadd.f32 v56, v6;
	v5 =	vadd.f32 v7, v5  }
0x29d: {  	v62 =	vmul.f32 v60, v55  }
0x29e: {  	v3 =	vmul.f32 v3, v61;
	v6 =	vadd.f32 v59, v6;
	v4 =	vadd.f32 v4, v5;
	_ =	sdelay $0x1  }
.Ltmp9:
0x29f: {  	v63 =	vadd.f32 v62, v6;
	v3 =	vadd.f32 v3, v4;
	(pc) =	sbr.rel @p1 .LBB2_15-.Ltmp9, $3  }
0x2a0: {  	_ = 	snop  }
0x2a1: {  	v3 =	vadd.f32 v3, v63;
	_ =	sdelay $0x1  }
0x2a2: {  	p2 =	por $0x0, $0x0;
	[tilespmem:v2+s15+$0x0 ss:$0x1] =	vst.idx.msk $0xffff, v3;
	s15 =	simm.s32 $0x10  }
.Ltmp10:
0x2a3: {  	(pc) =	sbr.rel @p0 .LBB2_20-.Ltmp10, $1  }
0x2a4: {  	_ =	sdelay $0x3  }
0x2a5: {  	s2 =	sadd.s32 $0xE0, s1;
	s3 =	rddreg [dreg:$0x1];
	s14 =	simm.s32 $0x20  }
0x2a6: {  	[tilespmem:s9], [sflag:$0x4] =	stream.indirect.gather [hbm4b:s3+s14], $0x80, s2, s14, $0xb8;
	[tilespmem:$0x18800] =	vst v63  }
0x2a7: {  	s6 =	rddreg [dreg:$0x2]  }
0x2a8: {  	[tilespmem:s10], [sflag:$0x4] =	stream.indirect.gather [hbm4b:s6+s14], $0x80, s2, s14, $0xb8;
	[tilespmem:$0x18800] =	vst v63  }
0x2a9: {  	s4 =	rddreg [dreg:$0x3];
	s2 =	sadd.s32 $0x2E0, s1  }
0x2aa: {  	[tilespmem:s24], [sflag:$0x4] =	stream.indirect.gather [hbm4b:s4+s14], $0x80, s2, s14, $0xb8;
	[tilespmem:$0x18800] =	vst v63  }
0x2ab: {  	s15 =	rddreg [dreg:$0x4]  }
0x2ac: {  	[tilespmem:s11], [sflag:$0x4] =	stream.indirect.gather [hbm4b:s15+s14], $0x80, s2, s14, $0xb8;
	[tilespmem:$0x18800] =	vst v63  }
.Ltmp11:
0x2ad: {  	s4 =	sadd.s32 $0x4E0, s1;
	(pc) =	sbr.rel .LBB2_2-.Ltmp11, $4  }
0x2ae: {  	[tilespmem:s12], [sflag:$0x4] =	stream.indirect.gather [hbm4b:s3+s14], $0x80, s4, s14, $0xb8;
	[tilespmem:$0x18800] =	vst v63  }
0x2af: {  	s15 =	rddreg [dreg:$0xd]  }
0x2b0: {  	[tilespmem:s13], [sflag:$0x4] =	stream.indirect.gather [hbm4b:s6+s14], $0x80, s4, s14, $0xb8;
	[tilespmem:$0x18800] =	vst v63  }
0x2b1: {  	s4 =	sadd.s32 $0x1, s15  }
.LBB2_21:
0x2b2: {  	_ =	sfence.sel $0x180000  }
0x2b3: {  	[bflag:$0x0] =	sbarrier.arrive $0xFFFF  }
0x2b4: {  	_ =	strace $0x90000047  }
0x2b5: {  	s0 =	stileid.u32;
	[bflag:$0x2] =	sbarrier.arrive $0xFFFF  }
0x2b6: {  	p0 =	sne.s32 s0, $0x0;
	s0 =	rddreg [dreg:$0x6]  }
0x2b7: {  	s0 =	sadd.s32 @!p0 $0x100000, s0  }
0x2b8: {  	[sflag:s0] =	ssyncadd.tile.s32 @!p0 $0x1;
	_ =	shalt  }
.Lfunc_end2:
_tile_overlayer_lowered:
.L_overlay_start_2:
0x2b9: {  	(tag) =	ssettag $0x2  }
0x2ba: {  	s0 =	rddreg [dreg:$0x0];
	s2 =	stileid.u32  }
0x2bb: {  	s1 =	rddreg [dreg:$0x1];
	p0 =	sne.s32 s2, $0x0  }
0x2bc: {  	s3 =	rddreg [dreg:$0x2];
	[bflag:$0x3] =	sbarrier.arrive $0xFFFF;
	s2 =	simm.s32 @!p0 $0x1C06  }
0x2bd: {  	[timem:s3], [sflag:s2] =	dma.local @!p0 [hbm:s0], s1  }
0x2be: {  	s0 =	simm.s32 @!p0 $0x6  }
0x2bf: {  	_ =	swait.ge @!p0 [sflag:s0], s1  }
0x2c0: {  	s1 =	ssub.s32 @!p0 $0x0, s1;
	[sflag:s0] =	ssyncset.done @!p0 $0x0  }
0x2c1: {  	[sflag:s0] =	ssyncadd.s32 @!p0 s1  }
0x2c2: {  	[bflag:$0x3] =	sbarrier.arrive $0xFFFF  }
0x2c3: {  	_ =	shalt  }

</sc_bundles>
